<compile_context>
chip_gen: v7x
topology: tpu7x:2x2x1
jax: 0.10.2.dev20260603
libtpu: 0.0.44.dev20260713+nightly
codegen_flags: <defaults>
</compile_context>

<pallas_src>
import functools

import jax
import jax.numpy as jnp
from jax import lax
from jax.experimental import pallas as pl
from jax.experimental.pallas import tpu as pltpu
from jax.experimental.pallas import tpu_sc as plsc

_N = 10000
_E = 160000
_D = 256
_DH = 128
_NG = 16
_NC = 10
_BLK = 2000
_NBLK = _N // _BLK
_BN_INV = 1.0 / (1.0 + 1e-5) ** 0.5

_NSUB = 16
_CHUNK = 128
_EPT = 10240
_NCHUNK = _EPT // _CHUNK
_NSTAGE = 2
_SCHUNK = _NCHUNK // _NSTAGE
_NBUF = 2
_LEAD = 1
_E_PAD = _EPT * _NSUB
_ZROWS = 626
_N_ACC = _ZROWS * _NSUB
_OROWS = 624
_OTAIL = _N - _NSUB * _OROWS


def _lrelu(v):
    return jnp.where(v > 0, v, 0.01 * v)


def _seg_body(h2n, src4, dst3, zrows, out, src_v, dst_v, rows, gsems, ssems,
              acc):
    c = lax.axis_index("c")
    s = lax.axis_index("s")

    pltpu.sync_copy(zrows, acc.at[pl.ds(s * _ZROWS, _ZROWS)])
    plsc.subcore_barrier()

    for half in range(_NSTAGE):
        pltpu.sync_copy(src4.at[c, s, pl.ds(half * _SCHUNK, _SCHUNK)], src_v)
        pltpu.sync_copy(dst3.at[s, pl.ds(half * _SCHUNK, _SCHUNK)], dst_v)

        for b in range(_LEAD):
            pltpu.async_copy(h2n.at[src_v.at[b]], rows.at[b], gsems.at[b])

        def step(j, carry):
            m = lax.rem(j, _NBUF)

            @pl.when(j >= _LEAD)
            def _reuse():
                mm = lax.rem(j - _LEAD, _NBUF)
                pltpu.make_async_copy(
                    rows.at[mm], acc.at[dst_v.at[j - _LEAD]],
                    ssems.at[mm]).wait()

            @pl.when(j < _SCHUNK - _LEAD)
            def _prefetch():
                mg = lax.rem(j + _LEAD, _NBUF)
                pltpu.async_copy(h2n.at[src_v.at[j + _LEAD]], rows.at[mg],
                                 gsems.at[mg])

            pltpu.make_async_copy(h2n.at[src_v.at[j]], rows.at[m],
                                  gsems.at[m]).wait()
            pltpu.async_copy(rows.at[m], acc.at[dst_v.at[j]], ssems.at[m],
                             add=True)
            return carry

        lax.fori_loop(0, _SCHUNK, step, 0)

        for t in range(_LEAD):
            j = _SCHUNK - _LEAD + t
            m = j % _NBUF
            pltpu.make_async_copy(rows.at[m], acc.at[dst_v.at[j]],
                                  ssems.at[m]).wait()
    plsc.subcore_barrier()

    pltpu.sync_copy(acc.at[pl.ds(s * _OROWS, _OROWS)],
                    out.at[c, pl.ds(s * _OROWS, _OROWS)])

    @pl.when(s == _NSUB - 1)
    def _tail():
        pltpu.sync_copy(acc.at[pl.ds(_NSUB * _OROWS, _OTAIL)],
                        out.at[c, pl.ds(_NSUB * _OROWS, _OTAIL)])


_seg_sum_sc = pl.kernel(
    _seg_body,
    out_type=jax.ShapeDtypeStruct((2, _N, _DH), jnp.float32),
    mesh=plsc.VectorSubcoreMesh(core_axis_name="c", subcore_axis_name="s"),
    scratch_types=[
        pltpu.VMEM((_SCHUNK, _CHUNK), jnp.int32),
        pltpu.VMEM((_SCHUNK, _CHUNK), jnp.int32),
        pltpu.VMEM((_NBUF, _CHUNK, _DH), jnp.float32),
        pltpu.SemaphoreType.DMA((_NBUF,)),
        pltpu.SemaphoreType.DMA((_NBUF,)),
        pltpu.VMEM_SHARED((_N_ACC, _DH), jnp.float32),
    ],
)


def _mlp_body(eps_ref, h_ref, agg_ref, W1_ref, b1_ref, g1_ref, be1_ref,
              W2_ref, b2_ref, g2_ref, be2_ref, os_ref, of_ref):
    eps = eps_ref[0, 0]
    u_lo = (1.0 + eps) * h_ref[0] + agg_ref[0]
    u_hi = (1.0 + eps) * h_ref[1] + agg_ref[1]
    z = (jnp.dot(u_lo, W1_ref[:_DH, :], preferred_element_type=jnp.float32)
         + jnp.dot(u_hi, W1_ref[_DH:, :], preferred_element_type=jnp.float32))
    s1 = g1_ref[...] * _BN_INV
    z = z * s1 + (b1_ref[...] * s1 + be1_ref[...])
    z = _lrelu(z)
    z = jnp.dot(z, W2_ref[...], preferred_element_type=jnp.float32)
    s2 = g2_ref[...] * _BN_INV
    z = z * s2 + (b2_ref[...] * s2 + be2_ref[...])
    z = _lrelu(z)
    os_ref[0] = z[:, :_DH]
    os_ref[1] = z[:, _DH:]
    of_ref[...] = z


_split_spec = pl.BlockSpec((2, _BLK, _DH), lambda i: (0, i, 0))
_row_spec = pl.BlockSpec((_BLK, _D), lambda i: (i, 0))
_w_spec = pl.BlockSpec((_D, _D), lambda i: (0, 0))
_v_spec = pl.BlockSpec((1, _D), lambda i: (0, 0))
_s_spec = pl.BlockSpec(memory_space=pltpu.SMEM)


def _gin_layer(h_split, agg_split, eps, W1, b1, g1, be1, W2, b2, g2, be2):
    return pl.pallas_call(
        _mlp_body,
        grid=(_NBLK,),
        in_specs=[_s_spec, _split_spec, _split_spec, _w_spec, _v_spec,
                  _v_spec, _v_spec, _w_spec, _v_spec, _v_spec, _v_spec],
        out_specs=[_split_spec, _row_spec],
        out_shape=[jax.ShapeDtypeStruct((2, _N, _DH), jnp.float32),
                   jax.ShapeDtypeStruct((_N, _D), jnp.float32)],
    )(eps.reshape(1, 1), h_split, agg_split, W1, b1.reshape(1, _D),
      g1.reshape(1, _D), be1.reshape(1, _D), W2, b2.reshape(1, _D),
      g2.reshape(1, _D), be2.reshape(1, _D))


def _head_body(batch_ref, h_ref, Wl0_ref, bl0_ref, Wlf_ref, blf_ref, o_ref,
               acc_ref, cnt_ref):
    i = pl.program_id(0)

    @pl.when(i == 0)
    def _init():
        acc_ref[...] = jnp.zeros_like(acc_ref)
        cnt_ref[...] = jnp.zeros_like(cnt_ref)

    b = batch_ref[0, 0, :]
    ids = lax.broadcasted_iota(jnp.int32, (_NG, _BLK), 0)
    mask = (b[None, :] == ids).astype(jnp.float32)
    acc_ref[...] += jnp.dot(mask, h_ref[...], preferred_element_type=jnp.float32)
    cnt_ref[...] += jnp.broadcast_to(jnp.sum(mask, axis=1, keepdims=True),
                                     cnt_ref.shape)

    @pl.when(i == _NBLK - 1)
    def _fin():
        cnt = jnp.clip(cnt_ref[...][:, :1], 1.0)
        xg = acc_ref[...] / cnt
        xg = jnp.dot(xg, Wl0_ref[...], preferred_element_type=jnp.float32)
        xg = _lrelu(xg + bl0_ref[...])
        xg = jnp.dot(xg, Wlf_ref[...], preferred_element_type=jnp.float32)
        o_ref[...] = xg + blf_ref[...]


def _head(h, batch, Wl0, bl0, Wlf, blf):
    batch3 = batch.reshape(_NBLK, 1, _BLK)
    return pl.pallas_call(
        _head_body,
        grid=(_NBLK,),
        in_specs=[
            pl.BlockSpec((1, 1, _BLK), lambda i: (i, 0, 0)),
            _row_spec,
            _w_spec,
            _v_spec,
            pl.BlockSpec((_D, _NC), lambda i: (0, 0)),
            pl.BlockSpec((1, _NC), lambda i: (0, 0)),
        ],
        out_specs=pl.BlockSpec((_NG, _NC), lambda i: (0, 0)),
        out_shape=jax.ShapeDtypeStruct((_NG, _NC), jnp.float32),
        scratch_shapes=[pltpu.VMEM((_NG, _D), jnp.float32),
                        pltpu.VMEM((_NG, 128), jnp.float32)],
    )(batch3, h, Wl0, bl0.reshape(1, _D), Wlf, blf.reshape(1, _NC))


def kernel(x, edge_index, batch,
           eps0, W1_0, b1_0, g_mlp0, be_mlp0, W2_0, b2_0, g_out0, be_out0,
           eps1, W1_1, b1_1, g_mlp1, be_mlp1, W2_1, b2_1, g_out1, be_out1,
           eps2, W1_2, b1_2, g_mlp2, be_mlp2, W2_2, b2_2, g_out2, be_out2,
           Wl0, bl0, Wlf, blf):
    src = edge_index[0]
    dst = edge_index[1]

    pad = _E_PAD - _E
    src2 = jnp.stack([src, src + _N])
    src4 = jnp.pad(src2, ((0, 0), (0, pad))).reshape(2, _NSUB, _NCHUNK, _CHUNK)
    dst3 = jnp.pad(dst, (0, pad), constant_values=_N).reshape(
        _NSUB, _NCHUNK, _CHUNK)
    zrows = jnp.zeros((_ZROWS, _DH), jnp.float32)

    layers = [
        (eps0, W1_0, b1_0, g_mlp0, be_mlp0, W2_0, b2_0, g_out0, be_out0),
        (eps1, W1_1, b1_1, g_mlp1, be_mlp1, W2_1, b2_1, g_out1, be_out1),
        (eps2, W1_2, b1_2, g_mlp2, be_mlp2, W2_2, b2_2, g_out2, be_out2),
    ]
    h_split = x.reshape(_N, 2, _DH).transpose(1, 0, 2)
    h_full = x
    for (eps, W1, b1, g1, be1, W2, b2, g2, be2) in layers:
        agg_split = _seg_sum_sc(h_split.reshape(2 * _N, _DH), src4, dst3, zrows)
        h_split, h_full = _gin_layer(h_split, agg_split, eps, W1, b1, g1, be1,
                                     W2, b2, g2, be2)
    xg = _head(h_full, batch, Wl0, bl0, Wlf, blf)
    return (xg, h_full)

# --- scband reference (transcript-rebuilt; emitter-appended) ---
"""Pipeline reference for scband-base-line-6828998001470 (READ-ONLY COPY).

The authoritative reference and input builder live on the scoring server;
editing this copy changes nothing except your own understanding.
"""

import jax, jax.numpy as jnp
import numpy as np

N = 10000
E = 160000
D = 256
NG = 16
NC = 10
L = 3
BN_EPS = 1e-5


def setup_inputs(seed: int = 0) -> dict:
    key = jax.random.key(seed)
    ks = jax.random.split(key, 64)
    inp = {}
    inp["x"] = jax.random.normal(ks[0], (N, D), dtype=jnp.float32)
    inp["edge_index"] = jax.random.randint(ks[1], (2, E), 0, N, dtype=jnp.int32)
    inp["batch"] = jnp.sort(jax.random.randint(ks[2], (N,), 0, NG, dtype=jnp.int32))
    kidx = 3
    for i in range(L):
        inp[f"eps{i}"] = jnp.zeros((), dtype=jnp.float32)
        inp[f"W1_{i}"] = jax.random.normal(ks[kidx], (D, D), dtype=jnp.float32) * 0.05; kidx += 1
        inp[f"b1_{i}"] = jnp.zeros((D,), dtype=jnp.float32)
        inp[f"g_mlp{i}"] = jnp.ones((D,), dtype=jnp.float32)
        inp[f"be_mlp{i}"] = jnp.zeros((D,), dtype=jnp.float32)
        inp[f"W2_{i}"] = jax.random.normal(ks[kidx], (D, D), dtype=jnp.float32) * 0.05; kidx += 1
        inp[f"b2_{i}"] = jnp.zeros((D,), dtype=jnp.float32)
        inp[f"g_out{i}"] = jnp.ones((D,), dtype=jnp.float32)
        inp[f"be_out{i}"] = jnp.zeros((D,), dtype=jnp.float32)
    inp["Wl0"] = jax.random.normal(ks[kidx], (D, D), dtype=jnp.float32) * 0.05; kidx += 1
    inp["bl0"] = jnp.zeros((D,), dtype=jnp.float32)
    inp["Wlf"] = jax.random.normal(ks[kidx], (D, NC), dtype=jnp.float32) * 0.05; kidx += 1
    inp["blf"] = jnp.zeros((NC,), dtype=jnp.float32)
    return inp


def _lrelu(x):
    return jnp.where(x > 0, x, 0.01 * x)


def _bn_eval(x, g, b):
    # eval-mode BatchNorm1d with running_mean=0, running_var=1
    return x / jnp.sqrt(1.0 + BN_EPS) * g + b


def reference(x, edge_index, batch,
              eps0, W1_0, b1_0, g_mlp0, be_mlp0, W2_0, b2_0, g_out0, be_out0,
              eps1, W1_1, b1_1, g_mlp1, be_mlp1, W2_1, b2_1, g_out1, be_out1,
              eps2, W1_2, b1_2, g_mlp2, be_mlp2, W2_2, b2_2, g_out2, be_out2,
              Wl0, bl0, Wlf, blf):
    p = {
        "eps0": eps0, "W1_0": W1_0, "b1_0": b1_0, "g_mlp0": g_mlp0, "be_mlp0": be_mlp0,
        "W2_0": W2_0, "b2_0": b2_0, "g_out0": g_out0, "be_out0": be_out0,
        "eps1": eps1, "W1_1": W1_1, "b1_1": b1_1, "g_mlp1": g_mlp1, "be_mlp1": be_mlp1,
        "W2_1": W2_1, "b2_1": b2_1, "g_out1": g_out1, "be_out1": be_out1,
        "eps2": eps2, "W1_2": W1_2, "b1_2": b1_2, "g_mlp2": g_mlp2, "be_mlp2": be_mlp2,
        "W2_2": W2_2, "b2_2": b2_2, "g_out2": g_out2, "be_out2": be_out2,
        "Wl0": Wl0, "bl0": bl0, "Wlf": Wlf, "blf": blf,
    }
    src = edge_index[0]
    dst = edge_index[1]
    h = x
    for i in range(L):
        # GINConv: (1 + eps) * x + sum_{j in N(i)} x_j, then MLP
        agg = jax.ops.segment_sum(h[src], dst, num_segments=N)
        h2 = (1.0 + p[f"eps{i}"]) * h + agg
        h2 = h2 @ p[f"W1_{i}"] + p[f"b1_{i}"]
        h2 = _bn_eval(h2, p[f"g_mlp{i}"], p[f"be_mlp{i}"])
        h2 = _lrelu(h2)
        h2 = h2 @ p[f"W2_{i}"] + p[f"b2_{i}"]
        h2 = _bn_eval(h2, p[f"g_out{i}"], p[f"be_out{i}"])
        h = _lrelu(h2)
    out = h
    sums = jax.ops.segment_sum(out, batch, num_segments=NG)
    cnt = jax.ops.segment_sum(jnp.ones((N,), dtype=jnp.float32), batch, num_segments=NG)
    xg = sums / jnp.clip(cnt, 1.0)[:, None]
    xg = xg @ p["Wl0"] + p["bl0"]
    xg = _lrelu(xg)
    # dropout is identity in eval mode
    xg = xg @ p["Wlf"] + p["blf"]
    return (xg, out)

if __name__ == "__main__":
    import jax
    _d = setup_inputs()
    print(jax.jit(kernel)(*tuple(_d.values())))

</pallas_src>

<mosaic_0001>
#map = affine_map<(d0, d1) -> (0, 0)>
#map1 = affine_map<(d0, d1) -> (0, 0, 0, 0)>
#map2 = affine_map<(d0, d1) -> (0, 0, 0)>
module attributes {stable_mosaic.version = 14 : i64} {
  func.func @_seg_body(%arg0: i32, %arg1: i32, %arg2: memref<20000x128xf32, #tpu.memory_space<hbm>>, %arg3: memref<2x16x80x128xi32, #tpu.memory_space<hbm>>, %arg4: memref<16x80x128xi32, #tpu.memory_space<hbm>>, %arg5: memref<626x128xf32, #tpu.memory_space<hbm>>, %arg6: memref<2x10000x128xf32, #tpu.memory_space<hbm>>, %arg7: memref<40x128xi32, #tpu.memory_space<vmem>>, %arg8: memref<40x128xi32, #tpu.memory_space<vmem>>, %arg9: memref<2x128x128xf32, #tpu.memory_space<vmem>>, %arg10: memref<2x!tpu.dma_semaphore, #tpu.memory_space<semaphore_mem>>, %arg11: memref<2x!tpu.dma_semaphore, #tpu.memory_space<semaphore_mem>>, %arg12: memref<10016x128xf32, #tpu.memory_space<vmem_shared>>) attributes {dimension_semantics = [#tpu.dimension_semantics<core_parallel>, #tpu.dimension_semantics<subcore_parallel>], iteration_bounds = array<i64: 2, 16>, scalar_prefetch = 0 : i64, scratch_operands = 6 : i64, tpu.core_type = #tpu.core_type<sc_vector_subcore>, window_params = [{transform_indices = #map}, {transform_indices = #map1}, {transform_indices = #map2}, {transform_indices = #map}, {transform_indices = #map2}]} {
    %mul3A = arith.constant 626 : i32
    %mul3A_0 = arith.muli %arg1, %mul3A : i32
    "tpu.region"() ({
      %run_scoped3A = tpu.sem_alloc : memref<!tpu.dma_semaphore, #tpu.memory_space<semaphore_mem>>
      %dma_start3A_77 = arith.constant 0 : i32
      %dma_start3A_78 = tpu.memref_slice %arg12[%mul3A_0, %dma_start3A_77] : memref<10016x128xf32, #tpu.memory_space<vmem_shared>> -> memref<626x128xf32, #tpu.memory_space<vmem_shared>>
      tpu.enqueue_dma source(%arg5 : memref<626x128xf32, #tpu.memory_space<hbm>>) target(%dma_start3A_78 : memref<626x128xf32, #tpu.memory_space<vmem_shared>>) target_semaphore(%run_scoped3A : memref<!tpu.dma_semaphore, #tpu.memory_space<semaphore_mem>>)
      %dma_wait3A_79 = arith.constant 0 : i32
      %dma_wait3A_80 = tpu.memref_slice %arg12[%mul3A_0, %dma_wait3A_79] : memref<10016x128xf32, #tpu.memory_space<vmem_shared>> -> memref<626x128xf32, #tpu.memory_space<vmem_shared>>
      tpu.wait_dma2 semaphore(%run_scoped3A : memref<!tpu.dma_semaphore, #tpu.memory_space<semaphore_mem>>) src(%arg5 : memref<626x128xf32, #tpu.memory_space<hbm>>) dst(%dma_wait3A_80 : memref<626x128xf32, #tpu.memory_space<vmem_shared>>)
      tpu.yield
    }) : () -> ()
    %barrier3A = arith.constant 0 : index
    tpu.barrier barrier_id(%barrier3A)
    "tpu.region"() ({
      %run_scoped3A = tpu.sem_alloc : memref<!tpu.dma_semaphore, #tpu.memory_space<semaphore_mem>>
      %dma_start3A_77 = arith.constant 0 : i32
      %dma_start3A_78 = arith.constant 0 : i32
      %dma_start3A_79 = tpu.memref_slice %arg3[%arg0, %arg1, %dma_start3A_77, %dma_start3A_78] : memref<2x16x80x128xi32, #tpu.memory_space<hbm>> -> memref<1x1x40x128xi32, #tpu.memory_space<hbm>>
      %dma_start3A_80 = tpu.memref_squeeze %dma_start3A_79 : memref<1x1x40x128xi32, #tpu.memory_space<hbm>> -> memref<40x128xi32, #tpu.memory_space<hbm>>
      %dma_start3A_81 = arith.constant 0 : i32
      %dma_start3A_82 = arith.constant 0 : i32
      %dma_start3A_83 = tpu.memref_slice %arg3[%arg0, %arg1, %dma_start3A_81, %dma_start3A_82] : memref<2x16x80x128xi32, #tpu.memory_space<hbm>> -> memref<1x1x40x128xi32, #tpu.memory_space<hbm>>
      %dma_start3A_84 = tpu.memref_squeeze %dma_start3A_83 : memref<1x1x40x128xi32, #tpu.memory_space<hbm>> -> memref<40x128xi32, #tpu.memory_space<hbm>>
      tpu.enqueue_dma source(%dma_start3A_84 : memref<40x128xi32, #tpu.memory_space<hbm>>) target(%arg7 : memref<40x128xi32, #tpu.memory_space<vmem>>) target_semaphore(%run_scoped3A : memref<!tpu.dma_semaphore, #tpu.memory_space<semaphore_mem>>)
      %dma_wait3A_85 = arith.constant 0 : i32
      %dma_wait3A_86 = arith.constant 0 : i32
      %dma_wait3A_87 = tpu.memref_slice %arg3[%arg0, %arg1, %dma_wait3A_85, %dma_wait3A_86] : memref<2x16x80x128xi32, #tpu.memory_space<hbm>> -> memref<1x1x40x128xi32, #tpu.memory_space<hbm>>
      %dma_wait3A_88 = tpu.memref_squeeze %dma_wait3A_87 : memref<1x1x40x128xi32, #tpu.memory_space<hbm>> -> memref<40x128xi32, #tpu.memory_space<hbm>>
      %dma_wait3A_89 = arith.constant 0 : i32
      %dma_wait3A_90 = arith.constant 0 : i32
      %dma_wait3A_91 = tpu.memref_slice %arg3[%arg0, %arg1, %dma_wait3A_89, %dma_wait3A_90] : memref<2x16x80x128xi32, #tpu.memory_space<hbm>> -> memref<1x1x40x128xi32, #tpu.memory_space<hbm>>
      %dma_wait3A_92 = tpu.memref_squeeze %dma_wait3A_91 : memref<1x1x40x128xi32, #tpu.memory_space<hbm>> -> memref<40x128xi32, #tpu.memory_space<hbm>>
      tpu.wait_dma2 semaphore(%run_scoped3A : memref<!tpu.dma_semaphore, #tpu.memory_space<semaphore_mem>>) src(%dma_wait3A_92 : memref<40x128xi32, #tpu.memory_space<hbm>>) dst(%arg7 : memref<40x128xi32, #tpu.memory_space<vmem>>)
      tpu.yield
    }) : () -> ()
    "tpu.region"() ({
      %run_scoped3A = tpu.sem_alloc : memref<!tpu.dma_semaphore, #tpu.memory_space<semaphore_mem>>
      %dma_start3A_77 = arith.constant 0 : i32
      %dma_start3A_78 = arith.constant 0 : i32
      %dma_start3A_79 = tpu.memref_slice %arg4[%arg1, %dma_start3A_77, %dma_start3A_78] : memref<16x80x128xi32, #tpu.memory_space<hbm>> -> memref<1x40x128xi32, #tpu.memory_space<hbm>>
      %dma_start3A_80 = tpu.memref_squeeze %dma_start3A_79 : memref<1x40x128xi32, #tpu.memory_space<hbm>> -> memref<40x128xi32, #tpu.memory_space<hbm>>
      %dma_start3A_81 = arith.constant 0 : i32
      %dma_start3A_82 = arith.constant 0 : i32
      %dma_start3A_83 = tpu.memref_slice %arg4[%arg1, %dma_start3A_81, %dma_start3A_82] : memref<16x80x128xi32, #tpu.memory_space<hbm>> -> memref<1x40x128xi32, #tpu.memory_space<hbm>>
      %dma_start3A_84 = tpu.memref_squeeze %dma_start3A_83 : memref<1x40x128xi32, #tpu.memory_space<hbm>> -> memref<40x128xi32, #tpu.memory_space<hbm>>
      tpu.enqueue_dma source(%dma_start3A_84 : memref<40x128xi32, #tpu.memory_space<hbm>>) target(%arg8 : memref<40x128xi32, #tpu.memory_space<vmem>>) target_semaphore(%run_scoped3A : memref<!tpu.dma_semaphore, #tpu.memory_space<semaphore_mem>>)
      %dma_wait3A_85 = arith.constant 0 : i32
      %dma_wait3A_86 = arith.constant 0 : i32
      %dma_wait3A_87 = tpu.memref_slice %arg4[%arg1, %dma_wait3A_85, %dma_wait3A_86] : memref<16x80x128xi32, #tpu.memory_space<hbm>> -> memref<1x40x128xi32, #tpu.memory_space<hbm>>
      %dma_wait3A_88 = tpu.memref_squeeze %dma_wait3A_87 : memref<1x40x128xi32, #tpu.memory_space<hbm>> -> memref<40x128xi32, #tpu.memory_space<hbm>>
      %dma_wait3A_89 = arith.constant 0 : i32
      %dma_wait3A_90 = arith.constant 0 : i32
      %dma_wait3A_91 = tpu.memref_slice %arg4[%arg1, %dma_wait3A_89, %dma_wait3A_90] : memref<16x80x128xi32, #tpu.memory_space<hbm>> -> memref<1x40x128xi32, #tpu.memory_space<hbm>>
      %dma_wait3A_92 = tpu.memref_squeeze %dma_wait3A_91 : memref<1x40x128xi32, #tpu.memory_space<hbm>> -> memref<40x128xi32, #tpu.memory_space<hbm>>
      tpu.wait_dma2 semaphore(%run_scoped3A : memref<!tpu.dma_semaphore, #tpu.memory_space<semaphore_mem>>) src(%dma_wait3A_92 : memref<40x128xi32, #tpu.memory_space<hbm>>) dst(%arg8 : memref<40x128xi32, #tpu.memory_space<vmem>>)
      tpu.yield
    }) : () -> ()
    %dma_start3A = arith.constant 0 : i32
    %dma_start3A_1 = arith.constant 0 : i32
    %dma_start3A_2 = arith.constant 0 : i32
    %dma_start3A_3 = arith.constant 0 : i32
    %dma_start3A_4 = arith.constant 0 : i32
    %dma_start3A_5 = tpu.memref_slice %arg9[%dma_start3A_1, %dma_start3A_3, %dma_start3A_4] : memref<2x128x128xf32, #tpu.memory_space<vmem>> -> memref<1x128x128xf32, #tpu.memory_space<vmem>>
    %dma_start3A_6 = tpu.memref_squeeze %dma_start3A_5 : memref<1x128x128xf32, #tpu.memory_space<vmem>> -> memref<128x128xf32, #tpu.memory_space<vmem>>
    %dma_start3A_7 = arith.constant 0 : i32
    %dma_start3A_8 = tpu.memref_slice %arg7[%dma_start3A, %dma_start3A_7] : memref<40x128xi32, #tpu.memory_space<vmem>> -> memref<1x128xi32, #tpu.memory_space<vmem>>
    %dma_start3A_9 = tpu.memref_squeeze %dma_start3A_8 : memref<1x128xi32, #tpu.memory_space<vmem>> -> memref<128xi32, #tpu.memory_space<vmem>>
    %dma_start3A_10 = arith.constant 0 : i32
    %dma_start3A_11 = arith.constant 0 : i32
    %dma_start3A_12 = tpu.memref_slice %arg2[%dma_start3A_10, %dma_start3A_11] : memref<20000x128xf32, #tpu.memory_space<hbm>> -> memref<20000x128xf32, #tpu.memory_space<hbm>>
    %dma_start3A_13 = tpu.memref_slice %arg10[%dma_start3A_2] : memref<2x!tpu.dma_semaphore, #tpu.memory_space<semaphore_mem>> -> memref<1x!tpu.dma_semaphore, #tpu.memory_space<semaphore_mem>>
    %dma_start3A_14 = tpu.memref_squeeze %dma_start3A_13 : memref<1x!tpu.dma_semaphore, #tpu.memory_space<semaphore_mem>> -> memref<!tpu.dma_semaphore, #tpu.memory_space<semaphore_mem>>
    tpu.enqueue_indirect_dma source(%dma_start3A_12 : memref<20000x128xf32, #tpu.memory_space<hbm>>) target(%dma_start3A_6 : memref<128x128xf32, #tpu.memory_space<vmem>>) offsets(%dma_start3A_9 : memref<128xi32, #tpu.memory_space<vmem>>) semaphore(%dma_start3A_14 : memref<!tpu.dma_semaphore, #tpu.memory_space<semaphore_mem>>)
    %scan3A = arith.constant 0 : i32
    %scan3A_15 = arith.constant 0 : i32
    %scan3A_16 = arith.constant 40 : i32
    %scan3A_17 = arith.addi %scan3A_15, %scan3A_16 : i32
    %scan3A_18 = arith.constant 1 : i32
    scf.for %scan3A_77 = %scan3A_15 to %scan3A_17 step %scan3A_18  : i32 {
      %rem3A = arith.constant 2 : i32
      %rem3A_78 = arith.remsi %scan3A_77, %rem3A : i32
      %ge3A = arith.constant 1 : i32
      %ge3A_79 = arith.cmpi sge, %scan3A_77, %ge3A : i32
      %convert_element_type3A_80 = arith.extui %ge3A_79 : i1 to i32
      %cond3A_81 = arith.constant 0 : i32
      %cond3A_82 = arith.cmpi ne, %convert_element_type3A_80, %cond3A_81 : i32
      scf.if %cond3A_82 {
        %sub3A = arith.constant 1 : i32
        %sub3A_111 = arith.subi %scan3A_77, %sub3A : i32
        %rem3A_112 = arith.constant 2 : i32
        %rem3A_113 = arith.remsi %sub3A_111, %rem3A_112 : i32
        %sub3A_114 = arith.constant 1 : i32
        %sub3A_115 = arith.subi %scan3A_77, %sub3A_114 : i32
        %dma_wait3A_116 = arith.constant 0 : i32
        %dma_wait3A_117 = arith.constant 0 : i32
        %dma_wait3A_118 = tpu.memref_slice %arg9[%rem3A_113, %dma_wait3A_116, %dma_wait3A_117] : memref<2x128x128xf32, #tpu.memory_space<vmem>> -> memref<1x128x128xf32, #tpu.memory_space<vmem>>
        %dma_wait3A_119 = tpu.memref_squeeze %dma_wait3A_118 : memref<1x128x128xf32, #tpu.memory_space<vmem>> -> memref<128x128xf32, #tpu.memory_space<vmem>>
        %dma_wait3A_120 = arith.constant 0 : i32
        %dma_wait3A_121 = tpu.memref_slice %arg8[%sub3A_115, %dma_wait3A_120] : memref<40x128xi32, #tpu.memory_space<vmem>> -> memref<1x128xi32, #tpu.memory_space<vmem>>
        %dma_wait3A_122 = tpu.memref_squeeze %dma_wait3A_121 : memref<1x128xi32, #tpu.memory_space<vmem>> -> memref<128xi32, #tpu.memory_space<vmem>>
        %dma_wait3A_123 = arith.constant 0 : i32
        %dma_wait3A_124 = arith.constant 0 : i32
        %dma_wait3A_125 = tpu.memref_slice %arg12[%dma_wait3A_123, %dma_wait3A_124] : memref<10016x128xf32, #tpu.memory_space<vmem_shared>> -> memref<10016x128xf32, #tpu.memory_space<vmem_shared>>
        %dma_wait3A_126 = tpu.memref_slice %arg11[%rem3A_113] : memref<2x!tpu.dma_semaphore, #tpu.memory_space<semaphore_mem>> -> memref<1x!tpu.dma_semaphore, #tpu.memory_space<semaphore_mem>>
        %dma_wait3A_127 = tpu.memref_squeeze %dma_wait3A_126 : memref<1x!tpu.dma_semaphore, #tpu.memory_space<semaphore_mem>> -> memref<!tpu.dma_semaphore, #tpu.memory_space<semaphore_mem>>
        tpu.wait_indirect_dma semaphore(%dma_wait3A_127 : memref<!tpu.dma_semaphore, #tpu.memory_space<semaphore_mem>>) src(%dma_wait3A_119 : memref<128x128xf32, #tpu.memory_space<vmem>>) dst(%dma_wait3A_125 : memref<10016x128xf32, #tpu.memory_space<vmem_shared>>)
      } else {
      }
      %lt3A = arith.constant 39 : i32
      %lt3A_83 = arith.cmpi slt, %scan3A_77, %lt3A : i32
      %convert_element_type3A_84 = arith.extui %lt3A_83 : i1 to i32
      %cond3A_85 = arith.constant 0 : i32
      %cond3A_86 = arith.cmpi ne, %convert_element_type3A_84, %cond3A_85 : i32
      scf.if %cond3A_86 {
        %add3A = arith.constant 1 : i32
        %add3A_111 = arith.addi %scan3A_77, %add3A : i32
        %rem3A_112 = arith.constant 2 : i32
        %rem3A_113 = arith.remsi %add3A_111, %rem3A_112 : i32
        %add3A_114 = arith.constant 1 : i32
        %add3A_115 = arith.addi %scan3A_77, %add3A_114 : i32
        %dma_start3A_116 = arith.constant 0 : i32
        %dma_start3A_117 = arith.constant 0 : i32
        %dma_start3A_118 = tpu.memref_slice %arg9[%rem3A_113, %dma_start3A_116, %dma_start3A_117] : memref<2x128x128xf32, #tpu.memory_space<vmem>> -> memref<1x128x128xf32, #tpu.memory_space<vmem>>
        %dma_start3A_119 = tpu.memref_squeeze %dma_start3A_118 : memref<1x128x128xf32, #tpu.memory_space<vmem>> -> memref<128x128xf32, #tpu.memory_space<vmem>>
        %dma_start3A_120 = arith.constant 0 : i32
        %dma_start3A_121 = tpu.memref_slice %arg7[%add3A_115, %dma_start3A_120] : memref<40x128xi32, #tpu.memory_space<vmem>> -> memref<1x128xi32, #tpu.memory_space<vmem>>
        %dma_start3A_122 = tpu.memref_squeeze %dma_start3A_121 : memref<1x128xi32, #tpu.memory_space<vmem>> -> memref<128xi32, #tpu.memory_space<vmem>>
        %dma_start3A_123 = arith.constant 0 : i32
        %dma_start3A_124 = arith.constant 0 : i32
        %dma_start3A_125 = tpu.memref_slice %arg2[%dma_start3A_123, %dma_start3A_124] : memref<20000x128xf32, #tpu.memory_space<hbm>> -> memref<20000x128xf32, #tpu.memory_space<hbm>>
        %dma_start3A_126 = tpu.memref_slice %arg10[%rem3A_113] : memref<2x!tpu.dma_semaphore, #tpu.memory_space<semaphore_mem>> -> memref<1x!tpu.dma_semaphore, #tpu.memory_space<semaphore_mem>>
        %dma_start3A_127 = tpu.memref_squeeze %dma_start3A_126 : memref<1x!tpu.dma_semaphore, #tpu.memory_space<semaphore_mem>> -> memref<!tpu.dma_semaphore, #tpu.memory_space<semaphore_mem>>
        tpu.enqueue_indirect_dma source(%dma_start3A_125 : memref<20000x128xf32, #tpu.memory_space<hbm>>) target(%dma_start3A_119 : memref<128x128xf32, #tpu.memory_space<vmem>>) offsets(%dma_start3A_122 : memref<128xi32, #tpu.memory_space<vmem>>) semaphore(%dma_start3A_127 : memref<!tpu.dma_semaphore, #tpu.memory_space<semaphore_mem>>)
      } else {
      }
      %dma_wait3A_87 = arith.constant 0 : i32
      %dma_wait3A_88 = arith.constant 0 : i32
      %dma_wait3A_89 = tpu.memref_slice %arg9[%rem3A_78, %dma_wait3A_87, %dma_wait3A_88] : memref<2x128x128xf32, #tpu.memory_space<vmem>> -> memref<1x128x128xf32, #tpu.memory_space<vmem>>
      %dma_wait3A_90 = tpu.memref_squeeze %dma_wait3A_89 : memref<1x128x128xf32, #tpu.memory_space<vmem>> -> memref<128x128xf32, #tpu.memory_space<vmem>>
      %dma_wait3A_91 = arith.constant 0 : i32
      %dma_wait3A_92 = tpu.memref_slice %arg7[%scan3A_77, %dma_wait3A_91] : memref<40x128xi32, #tpu.memory_space<vmem>> -> memref<1x128xi32, #tpu.memory_space<vmem>>
      %dma_wait3A_93 = tpu.memref_squeeze %dma_wait3A_92 : memref<1x128xi32, #tpu.memory_space<vmem>> -> memref<128xi32, #tpu.memory_space<vmem>>
      %dma_wait3A_94 = arith.constant 0 : i32
      %dma_wait3A_95 = arith.constant 0 : i32
      %dma_wait3A_96 = tpu.memref_slice %arg2[%dma_wait3A_94, %dma_wait3A_95] : memref<20000x128xf32, #tpu.memory_space<hbm>> -> memref<20000x128xf32, #tpu.memory_space<hbm>>
      %dma_wait3A_97 = tpu.memref_slice %arg10[%rem3A_78] : memref<2x!tpu.dma_semaphore, #tpu.memory_space<semaphore_mem>> -> memref<1x!tpu.dma_semaphore, #tpu.memory_space<semaphore_mem>>
      %dma_wait3A_98 = tpu.memref_squeeze %dma_wait3A_97 : memref<1x!tpu.dma_semaphore, #tpu.memory_space<semaphore_mem>> -> memref<!tpu.dma_semaphore, #tpu.memory_space<semaphore_mem>>
      tpu.wait_indirect_dma semaphore(%dma_wait3A_98 : memref<!tpu.dma_semaphore, #tpu.memory_space<semaphore_mem>>) src(%dma_wait3A_96 : memref<20000x128xf32, #tpu.memory_space<hbm>>) dst(%dma_wait3A_90 : memref<128x128xf32, #tpu.memory_space<vmem>>)
      %dma_start3A_99 = arith.constant 0 : i32
      %dma_start3A_100 = arith.constant 0 : i32
      %dma_start3A_101 = tpu.memref_slice %arg9[%rem3A_78, %dma_start3A_99, %dma_start3A_100] : memref<2x128x128xf32, #tpu.memory_space<vmem>> -> memref<1x128x128xf32, #tpu.memory_space<vmem>>
      %dma_start3A_102 = tpu.memref_squeeze %dma_start3A_101 : memref<1x128x128xf32, #tpu.memory_space<vmem>> -> memref<128x128xf32, #tpu.memory_space<vmem>>
      %dma_start3A_103 = arith.constant 0 : i32
      %dma_start3A_104 = tpu.memref_slice %arg8[%scan3A_77, %dma_start3A_103] : memref<40x128xi32, #tpu.memory_space<vmem>> -> memref<1x128xi32, #tpu.memory_space<vmem>>
      %dma_start3A_105 = tpu.memref_squeeze %dma_start3A_104 : memref<1x128xi32, #tpu.memory_space<vmem>> -> memref<128xi32, #tpu.memory_space<vmem>>
      %dma_start3A_106 = arith.constant 0 : i32
      %dma_start3A_107 = arith.constant 0 : i32
      %dma_start3A_108 = tpu.memref_slice %arg12[%dma_start3A_106, %dma_start3A_107] : memref<10016x128xf32, #tpu.memory_space<vmem_shared>> -> memref<10016x128xf32, #tpu.memory_space<vmem_shared>>
      %dma_start3A_109 = tpu.memref_slice %arg11[%rem3A_78] : memref<2x!tpu.dma_semaphore, #tpu.memory_space<semaphore_mem>> -> memref<1x!tpu.dma_semaphore, #tpu.memory_space<semaphore_mem>>
      %dma_start3A_110 = tpu.memref_squeeze %dma_start3A_109 : memref<1x!tpu.dma_semaphore, #tpu.memory_space<semaphore_mem>> -> memref<!tpu.dma_semaphore, #tpu.memory_space<semaphore_mem>>
      tpu.enqueue_indirect_dma source(%dma_start3A_102 : memref<128x128xf32, #tpu.memory_space<vmem>>) target(%dma_start3A_108 : memref<10016x128xf32, #tpu.memory_space<vmem_shared>>) offsets(%dma_start3A_105 : memref<128xi32, #tpu.memory_space<vmem>>) semaphore(%dma_start3A_110 : memref<!tpu.dma_semaphore, #tpu.memory_space<semaphore_mem>>) {add = true}
    }
    %scan3A_19 = arith.constant 40 : i32
    %dma_wait3A = arith.constant 1 : i32
    %dma_wait3A_20 = arith.constant 39 : i32
    %dma_wait3A_21 = arith.constant 1 : i32
    %dma_wait3A_22 = arith.constant 0 : i32
    %dma_wait3A_23 = arith.constant 0 : i32
    %dma_wait3A_24 = tpu.memref_slice %arg9[%dma_wait3A, %dma_wait3A_22, %dma_wait3A_23] : memref<2x128x128xf32, #tpu.memory_space<vmem>> -> memref<1x128x128xf32, #tpu.memory_space<vmem>>
    %dma_wait3A_25 = tpu.memref_squeeze %dma_wait3A_24 : memref<1x128x128xf32, #tpu.memory_space<vmem>> -> memref<128x128xf32, #tpu.memory_space<vmem>>
    %dma_wait3A_26 = arith.constant 0 : i32
    %dma_wait3A_27 = tpu.memref_slice %arg8[%dma_wait3A_20, %dma_wait3A_26] : memref<40x128xi32, #tpu.memory_space<vmem>> -> memref<1x128xi32, #tpu.memory_space<vmem>>
    %dma_wait3A_28 = tpu.memref_squeeze %dma_wait3A_27 : memref<1x128xi32, #tpu.memory_space<vmem>> -> memref<128xi32, #tpu.memory_space<vmem>>
    %dma_wait3A_29 = arith.constant 0 : i32
    %dma_wait3A_30 = arith.constant 0 : i32
    %dma_wait3A_31 = tpu.memref_slice %arg12[%dma_wait3A_29, %dma_wait3A_30] : memref<10016x128xf32, #tpu.memory_space<vmem_shared>> -> memref<10016x128xf32, #tpu.memory_space<vmem_shared>>
    %dma_wait3A_32 = tpu.memref_slice %arg11[%dma_wait3A_21] : memref<2x!tpu.dma_semaphore, #tpu.memory_space<semaphore_mem>> -> memref<1x!tpu.dma_semaphore, #tpu.memory_space<semaphore_mem>>
    %dma_wait3A_33 = tpu.memref_squeeze %dma_wait3A_32 : memref<1x!tpu.dma_semaphore, #tpu.memory_space<semaphore_mem>> -> memref<!tpu.dma_semaphore, #tpu.memory_space<semaphore_mem>>
    tpu.wait_indirect_dma semaphore(%dma_wait3A_33 : memref<!tpu.dma_semaphore, #tpu.memory_space<semaphore_mem>>) src(%dma_wait3A_25 : memref<128x128xf32, #tpu.memory_space<vmem>>) dst(%dma_wait3A_31 : memref<10016x128xf32, #tpu.memory_space<vmem_shared>>)
    "tpu.region"() ({
      %run_scoped3A = tpu.sem_alloc : memref<!tpu.dma_semaphore, #tpu.memory_space<semaphore_mem>>
      %dma_start3A_77 = arith.constant 40 : i32
      %dma_start3A_78 = arith.constant 0 : i32
      %dma_start3A_79 = tpu.memref_slice %arg3[%arg0, %arg1, %dma_start3A_77, %dma_start3A_78] : memref<2x16x80x128xi32, #tpu.memory_space<hbm>> -> memref<1x1x40x128xi32, #tpu.memory_space<hbm>>
      %dma_start3A_80 = tpu.memref_squeeze %dma_start3A_79 : memref<1x1x40x128xi32, #tpu.memory_space<hbm>> -> memref<40x128xi32, #tpu.memory_space<hbm>>
      %dma_start3A_81 = arith.constant 40 : i32
      %dma_start3A_82 = arith.constant 0 : i32
      %dma_start3A_83 = tpu.memref_slice %arg3[%arg0, %arg1, %dma_start3A_81, %dma_start3A_82] : memref<2x16x80x128xi32, #tpu.memory_space<hbm>> -> memref<1x1x40x128xi32, #tpu.memory_space<hbm>>
      %dma_start3A_84 = tpu.memref_squeeze %dma_start3A_83 : memref<1x1x40x128xi32, #tpu.memory_space<hbm>> -> memref<40x128xi32, #tpu.memory_space<hbm>>
      tpu.enqueue_dma source(%dma_start3A_84 : memref<40x128xi32, #tpu.memory_space<hbm>>) target(%arg7 : memref<40x128xi32, #tpu.memory_space<vmem>>) target_semaphore(%run_scoped3A : memref<!tpu.dma_semaphore, #tpu.memory_space<semaphore_mem>>)
      %dma_wait3A_85 = arith.constant 40 : i32
      %dma_wait3A_86 = arith.constant 0 : i32
      %dma_wait3A_87 = tpu.memref_slice %arg3[%arg0, %arg1, %dma_wait3A_85, %dma_wait3A_86] : memref<2x16x80x128xi32, #tpu.memory_space<hbm>> -> memref<1x1x40x128xi32, #tpu.memory_space<hbm>>
      %dma_wait3A_88 = tpu.memref_squeeze %dma_wait3A_87 : memref<1x1x40x128xi32, #tpu.memory_space<hbm>> -> memref<40x128xi32, #tpu.memory_space<hbm>>
      %dma_wait3A_89 = arith.constant 40 : i32
      %dma_wait3A_90 = arith.constant 0 : i32
      %dma_wait3A_91 = tpu.memref_slice %arg3[%arg0, %arg1, %dma_wait3A_89, %dma_wait3A_90] : memref<2x16x80x128xi32, #tpu.memory_space<hbm>> -> memref<1x1x40x128xi32, #tpu.memory_space<hbm>>
      %dma_wait3A_92 = tpu.memref_squeeze %dma_wait3A_91 : memref<1x1x40x128xi32, #tpu.memory_space<hbm>> -> memref<40x128xi32, #tpu.memory_space<hbm>>
      tpu.wait_dma2 semaphore(%run_scoped3A : memref<!tpu.dma_semaphore, #tpu.memory_space<semaphore_mem>>) src(%dma_wait3A_92 : memref<40x128xi32, #tpu.memory_space<hbm>>) dst(%arg7 : memref<40x128xi32, #tpu.memory_space<vmem>>)
      tpu.yield
    }) : () -> ()
    "tpu.region"() ({
      %run_scoped3A = tpu.sem_alloc : memref<!tpu.dma_semaphore, #tpu.memory_space<semaphore_mem>>
      %dma_start3A_77 = arith.constant 40 : i32
      %dma_start3A_78 = arith.constant 0 : i32
      %dma_start3A_79 = tpu.memref_slice %arg4[%arg1, %dma_start3A_77, %dma_start3A_78] : memref<16x80x128xi32, #tpu.memory_space<hbm>> -> memref<1x40x128xi32, #tpu.memory_space<hbm>>
      %dma_start3A_80 = tpu.memref_squeeze %dma_start3A_79 : memref<1x40x128xi32, #tpu.memory_space<hbm>> -> memref<40x128xi32, #tpu.memory_space<hbm>>
      %dma_start3A_81 = arith.constant 40 : i32
      %dma_start3A_82 = arith.constant 0 : i32
      %dma_start3A_83 = tpu.memref_slice %arg4[%arg1, %dma_start3A_81, %dma_start3A_82] : memref<16x80x128xi32, #tpu.memory_space<hbm>> -> memref<1x40x128xi32, #tpu.memory_space<hbm>>
      %dma_start3A_84 = tpu.memref_squeeze %dma_start3A_83 : memref<1x40x128xi32, #tpu.memory_space<hbm>> -> memref<40x128xi32, #tpu.memory_space<hbm>>
      tpu.enqueue_dma source(%dma_start3A_84 : memref<40x128xi32, #tpu.memory_space<hbm>>) target(%arg8 : memref<40x128xi32, #tpu.memory_space<vmem>>) target_semaphore(%run_scoped3A : memref<!tpu.dma_semaphore, #tpu.memory_space<semaphore_mem>>)
      %dma_wait3A_85 = arith.constant 40 : i32
      %dma_wait3A_86 = arith.constant 0 : i32
      %dma_wait3A_87 = tpu.memref_slice %arg4[%arg1, %dma_wait3A_85, %dma_wait3A_86] : memref<16x80x128xi32, #tpu.memory_space<hbm>> -> memref<1x40x128xi32, #tpu.memory_space<hbm>>
      %dma_wait3A_88 = tpu.memref_squeeze %dma_wait3A_87 : memref<1x40x128xi32, #tpu.memory_space<hbm>> -> memref<40x128xi32, #tpu.memory_space<hbm>>
      %dma_wait3A_89 = arith.constant 40 : i32
      %dma_wait3A_90 = arith.constant 0 : i32
      %dma_wait3A_91 = tpu.memref_slice %arg4[%arg1, %dma_wait3A_89, %dma_wait3A_90] : memref<16x80x128xi32, #tpu.memory_space<hbm>> -> memref<1x40x128xi32, #tpu.memory_space<hbm>>
      %dma_wait3A_92 = tpu.memref_squeeze %dma_wait3A_91 : memref<1x40x128xi32, #tpu.memory_space<hbm>> -> memref<40x128xi32, #tpu.memory_space<hbm>>
      tpu.wait_dma2 semaphore(%run_scoped3A : memref<!tpu.dma_semaphore, #tpu.memory_space<semaphore_mem>>) src(%dma_wait3A_92 : memref<40x128xi32, #tpu.memory_space<hbm>>) dst(%arg8 : memref<40x128xi32, #tpu.memory_space<vmem>>)
      tpu.yield
    }) : () -> ()
    %dma_start3A_34 = arith.constant 0 : i32
    %dma_start3A_35 = arith.constant 0 : i32
    %dma_start3A_36 = arith.constant 0 : i32
    %dma_start3A_37 = arith.constant 0 : i32
    %dma_start3A_38 = arith.constant 0 : i32
    %dma_start3A_39 = tpu.memref_slice %arg9[%dma_start3A_35, %dma_start3A_37, %dma_start3A_38] : memref<2x128x128xf32, #tpu.memory_space<vmem>> -> memref<1x128x128xf32, #tpu.memory_space<vmem>>
    %dma_start3A_40 = tpu.memref_squeeze %dma_start3A_39 : memref<1x128x128xf32, #tpu.memory_space<vmem>> -> memref<128x128xf32, #tpu.memory_space<vmem>>
    %dma_start3A_41 = arith.constant 0 : i32
    %dma_start3A_42 = tpu.memref_slice %arg7[%dma_start3A_34, %dma_start3A_41] : memref<40x128xi32, #tpu.memory_space<vmem>> -> memref<1x128xi32, #tpu.memory_space<vmem>>
    %dma_start3A_43 = tpu.memref_squeeze %dma_start3A_42 : memref<1x128xi32, #tpu.memory_space<vmem>> -> memref<128xi32, #tpu.memory_space<vmem>>
    %dma_start3A_44 = arith.constant 0 : i32
    %dma_start3A_45 = arith.constant 0 : i32
    %dma_start3A_46 = tpu.memref_slice %arg2[%dma_start3A_44, %dma_start3A_45] : memref<20000x128xf32, #tpu.memory_space<hbm>> -> memref<20000x128xf32, #tpu.memory_space<hbm>>
    %dma_start3A_47 = tpu.memref_slice %arg10[%dma_start3A_36] : memref<2x!tpu.dma_semaphore, #tpu.memory_space<semaphore_mem>> -> memref<1x!tpu.dma_semaphore, #tpu.memory_space<semaphore_mem>>
    %dma_start3A_48 = tpu.memref_squeeze %dma_start3A_47 : memref<1x!tpu.dma_semaphore, #tpu.memory_space<semaphore_mem>> -> memref<!tpu.dma_semaphore, #tpu.memory_space<semaphore_mem>>
    tpu.enqueue_indirect_dma source(%dma_start3A_46 : memref<20000x128xf32, #tpu.memory_space<hbm>>) target(%dma_start3A_40 : memref<128x128xf32, #tpu.memory_space<vmem>>) offsets(%dma_start3A_43 : memref<128xi32, #tpu.memory_space<vmem>>) semaphore(%dma_start3A_48 : memref<!tpu.dma_semaphore, #tpu.memory_space<semaphore_mem>>)
    %scan3A_49 = arith.constant 0 : i32
    %scan3A_50 = arith.constant 0 : i32
    %scan3A_51 = arith.constant 40 : i32
    %scan3A_52 = arith.addi %scan3A_50, %scan3A_51 : i32
    %scan3A_53 = arith.constant 1 : i32
    scf.for %scan3A_77 = %scan3A_50 to %scan3A_52 step %scan3A_53  : i32 {
      %rem3A = arith.constant 2 : i32
      %rem3A_78 = arith.remsi %scan3A_77, %rem3A : i32
      %ge3A = arith.constant 1 : i32
      %ge3A_79 = arith.cmpi sge, %scan3A_77, %ge3A : i32
      %convert_element_type3A_80 = arith.extui %ge3A_79 : i1 to i32
      %cond3A_81 = arith.constant 0 : i32
      %cond3A_82 = arith.cmpi ne, %convert_element_type3A_80, %cond3A_81 : i32
      scf.if %cond3A_82 {
        %sub3A = arith.constant 1 : i32
        %sub3A_111 = arith.subi %scan3A_77, %sub3A : i32
        %rem3A_112 = arith.constant 2 : i32
        %rem3A_113 = arith.remsi %sub3A_111, %rem3A_112 : i32
        %sub3A_114 = arith.constant 1 : i32
        %sub3A_115 = arith.subi %scan3A_77, %sub3A_114 : i32
        %dma_wait3A_116 = arith.constant 0 : i32
        %dma_wait3A_117 = arith.constant 0 : i32
        %dma_wait3A_118 = tpu.memref_slice %arg9[%rem3A_113, %dma_wait3A_116, %dma_wait3A_117] : memref<2x128x128xf32, #tpu.memory_space<vmem>> -> memref<1x128x128xf32, #tpu.memory_space<vmem>>
        %dma_wait3A_119 = tpu.memref_squeeze %dma_wait3A_118 : memref<1x128x128xf32, #tpu.memory_space<vmem>> -> memref<128x128xf32, #tpu.memory_space<vmem>>
        %dma_wait3A_120 = arith.constant 0 : i32
        %dma_wait3A_121 = tpu.memref_slice %arg8[%sub3A_115, %dma_wait3A_120] : memref<40x128xi32, #tpu.memory_space<vmem>> -> memref<1x128xi32, #tpu.memory_space<vmem>>
        %dma_wait3A_122 = tpu.memref_squeeze %dma_wait3A_121 : memref<1x128xi32, #tpu.memory_space<vmem>> -> memref<128xi32, #tpu.memory_space<vmem>>
        %dma_wait3A_123 = arith.constant 0 : i32
        %dma_wait3A_124 = arith.constant 0 : i32
        %dma_wait3A_125 = tpu.memref_slice %arg12[%dma_wait3A_123, %dma_wait3A_124] : memref<10016x128xf32, #tpu.memory_space<vmem_shared>> -> memref<10016x128xf32, #tpu.memory_space<vmem_shared>>
        %dma_wait3A_126 = tpu.memref_slice %arg11[%rem3A_113] : memref<2x!tpu.dma_semaphore, #tpu.memory_space<semaphore_mem>> -> memref<1x!tpu.dma_semaphore, #tpu.memory_space<semaphore_mem>>
        %dma_wait3A_127 = tpu.memref_squeeze %dma_wait3A_126 : memref<1x!tpu.dma_semaphore, #tpu.memory_space<semaphore_mem>> -> memref<!tpu.dma_semaphore, #tpu.memory_space<semaphore_mem>>
        tpu.wait_indirect_dma semaphore(%dma_wait3A_127 : memref<!tpu.dma_semaphore, #tpu.memory_space<semaphore_mem>>) src(%dma_wait3A_119 : memref<128x128xf32, #tpu.memory_space<vmem>>) dst(%dma_wait3A_125 : memref<10016x128xf32, #tpu.memory_space<vmem_shared>>)
      } else {
      }
      %lt3A = arith.constant 39 : i32
      %lt3A_83 = arith.cmpi slt, %scan3A_77, %lt3A : i32
      %convert_element_type3A_84 = arith.extui %lt3A_83 : i1 to i32
      %cond3A_85 = arith.constant 0 : i32
      %cond3A_86 = arith.cmpi ne, %convert_element_type3A_84, %cond3A_85 : i32
      scf.if %cond3A_86 {
        %add3A = arith.constant 1 : i32
        %add3A_111 = arith.addi %scan3A_77, %add3A : i32
        %rem3A_112 = arith.constant 2 : i32
        %rem3A_113 = arith.remsi %add3A_111, %rem3A_112 : i32
        %add3A_114 = arith.constant 1 : i32
        %add3A_115 = arith.addi %scan3A_77, %add3A_114 : i32
        %dma_start3A_116 = arith.constant 0 : i32
        %dma_start3A_117 = arith.constant 0 : i32
        %dma_start3A_118 = tpu.memref_slice %arg9[%rem3A_113, %dma_start3A_116, %dma_start3A_117] : memref<2x128x128xf32, #tpu.memory_space<vmem>> -> memref<1x128x128xf32, #tpu.memory_space<vmem>>
        %dma_start3A_119 = tpu.memref_squeeze %dma_start3A_118 : memref<1x128x128xf32, #tpu.memory_space<vmem>> -> memref<128x128xf32, #tpu.memory_space<vmem>>
        %dma_start3A_120 = arith.constant 0 : i32
        %dma_start3A_121 = tpu.memref_slice %arg7[%add3A_115, %dma_start3A_120] : memref<40x128xi32, #tpu.memory_space<vmem>> -> memref<1x128xi32, #tpu.memory_space<vmem>>
        %dma_start3A_122 = tpu.memref_squeeze %dma_start3A_121 : memref<1x128xi32, #tpu.memory_space<vmem>> -> memref<128xi32, #tpu.memory_space<vmem>>
        %dma_start3A_123 = arith.constant 0 : i32
        %dma_start3A_124 = arith.constant 0 : i32
        %dma_start3A_125 = tpu.memref_slice %arg2[%dma_start3A_123, %dma_start3A_124] : memref<20000x128xf32, #tpu.memory_space<hbm>> -> memref<20000x128xf32, #tpu.memory_space<hbm>>
        %dma_start3A_126 = tpu.memref_slice %arg10[%rem3A_113] : memref<2x!tpu.dma_semaphore, #tpu.memory_space<semaphore_mem>> -> memref<1x!tpu.dma_semaphore, #tpu.memory_space<semaphore_mem>>
        %dma_start3A_127 = tpu.memref_squeeze %dma_start3A_126 : memref<1x!tpu.dma_semaphore, #tpu.memory_space<semaphore_mem>> -> memref<!tpu.dma_semaphore, #tpu.memory_space<semaphore_mem>>
        tpu.enqueue_indirect_dma source(%dma_start3A_125 : memref<20000x128xf32, #tpu.memory_space<hbm>>) target(%dma_start3A_119 : memref<128x128xf32, #tpu.memory_space<vmem>>) offsets(%dma_start3A_122 : memref<128xi32, #tpu.memory_space<vmem>>) semaphore(%dma_start3A_127 : memref<!tpu.dma_semaphore, #tpu.memory_space<semaphore_mem>>)
      } else {
      }
      %dma_wait3A_87 = arith.constant 0 : i32
      %dma_wait3A_88 = arith.constant 0 : i32
      %dma_wait3A_89 = tpu.memref_slice %arg9[%rem3A_78, %dma_wait3A_87, %dma_wait3A_88] : memref<2x128x128xf32, #tpu.memory_space<vmem>> -> memref<1x128x128xf32, #tpu.memory_space<vmem>>
      %dma_wait3A_90 = tpu.memref_squeeze %dma_wait3A_89 : memref<1x128x128xf32, #tpu.memory_space<vmem>> -> memref<128x128xf32, #tpu.memory_space<vmem>>
      %dma_wait3A_91 = arith.constant 0 : i32
      %dma_wait3A_92 = tpu.memref_slice %arg7[%scan3A_77, %dma_wait3A_91] : memref<40x128xi32, #tpu.memory_space<vmem>> -> memref<1x128xi32, #tpu.memory_space<vmem>>
      %dma_wait3A_93 = tpu.memref_squeeze %dma_wait3A_92 : memref<1x128xi32, #tpu.memory_space<vmem>> -> memref<128xi32, #tpu.memory_space<vmem>>
      %dma_wait3A_94 = arith.constant 0 : i32
      %dma_wait3A_95 = arith.constant 0 : i32
      %dma_wait3A_96 = tpu.memref_slice %arg2[%dma_wait3A_94, %dma_wait3A_95] : memref<20000x128xf32, #tpu.memory_space<hbm>> -> memref<20000x128xf32, #tpu.memory_space<hbm>>
      %dma_wait3A_97 = tpu.memref_slice %arg10[%rem3A_78] : memref<2x!tpu.dma_semaphore, #tpu.memory_space<semaphore_mem>> -> memref<1x!tpu.dma_semaphore, #tpu.memory_space<semaphore_mem>>
      %dma_wait3A_98 = tpu.memref_squeeze %dma_wait3A_97 : memref<1x!tpu.dma_semaphore, #tpu.memory_space<semaphore_mem>> -> memref<!tpu.dma_semaphore, #tpu.memory_space<semaphore_mem>>
      tpu.wait_indirect_dma semaphore(%dma_wait3A_98 : memref<!tpu.dma_semaphore, #tpu.memory_space<semaphore_mem>>) src(%dma_wait3A_96 : memref<20000x128xf32, #tpu.memory_space<hbm>>) dst(%dma_wait3A_90 : memref<128x128xf32, #tpu.memory_space<vmem>>)
      %dma_start3A_99 = arith.constant 0 : i32
      %dma_start3A_100 = arith.constant 0 : i32
      %dma_start3A_101 = tpu.memref_slice %arg9[%rem3A_78, %dma_start3A_99, %dma_start3A_100] : memref<2x128x128xf32, #tpu.memory_space<vmem>> -> memref<1x128x128xf32, #tpu.memory_space<vmem>>
      %dma_start3A_102 = tpu.memref_squeeze %dma_start3A_101 : memref<1x128x128xf32, #tpu.memory_space<vmem>> -> memref<128x128xf32, #tpu.memory_space<vmem>>
      %dma_start3A_103 = arith.constant 0 : i32
      %dma_start3A_104 = tpu.memref_slice %arg8[%scan3A_77, %dma_start3A_103] : memref<40x128xi32, #tpu.memory_space<vmem>> -> memref<1x128xi32, #tpu.memory_space<vmem>>
      %dma_start3A_105 = tpu.memref_squeeze %dma_start3A_104 : memref<1x128xi32, #tpu.memory_space<vmem>> -> memref<128xi32, #tpu.memory_space<vmem>>
      %dma_start3A_106 = arith.constant 0 : i32
      %dma_start3A_107 = arith.constant 0 : i32
      %dma_start3A_108 = tpu.memref_slice %arg12[%dma_start3A_106, %dma_start3A_107] : memref<10016x128xf32, #tpu.memory_space<vmem_shared>> -> memref<10016x128xf32, #tpu.memory_space<vmem_shared>>
      %dma_start3A_109 = tpu.memref_slice %arg11[%rem3A_78] : memref<2x!tpu.dma_semaphore, #tpu.memory_space<semaphore_mem>> -> memref<1x!tpu.dma_semaphore, #tpu.memory_space<semaphore_mem>>
      %dma_start3A_110 = tpu.memref_squeeze %dma_start3A_109 : memref<1x!tpu.dma_semaphore, #tpu.memory_space<semaphore_mem>> -> memref<!tpu.dma_semaphore, #tpu.memory_space<semaphore_mem>>
      tpu.enqueue_indirect_dma source(%dma_start3A_102 : memref<128x128xf32, #tpu.memory_space<vmem>>) target(%dma_start3A_108 : memref<10016x128xf32, #tpu.memory_space<vmem_shared>>) offsets(%dma_start3A_105 : memref<128xi32, #tpu.memory_space<vmem>>) semaphore(%dma_start3A_110 : memref<!tpu.dma_semaphore, #tpu.memory_space<semaphore_mem>>) {add = true}
    }
    %scan3A_54 = arith.constant 40 : i32
    %dma_wait3A_55 = arith.constant 1 : i32
    %dma_wait3A_56 = arith.constant 39 : i32
    %dma_wait3A_57 = arith.constant 1 : i32
    %dma_wait3A_58 = arith.constant 0 : i32
    %dma_wait3A_59 = arith.constant 0 : i32
    %dma_wait3A_60 = tpu.memref_slice %arg9[%dma_wait3A_55, %dma_wait3A_58, %dma_wait3A_59] : memref<2x128x128xf32, #tpu.memory_space<vmem>> -> memref<1x128x128xf32, #tpu.memory_space<vmem>>
    %dma_wait3A_61 = tpu.memref_squeeze %dma_wait3A_60 : memref<1x128x128xf32, #tpu.memory_space<vmem>> -> memref<128x128xf32, #tpu.memory_space<vmem>>
    %dma_wait3A_62 = arith.constant 0 : i32
    %dma_wait3A_63 = tpu.memref_slice %arg8[%dma_wait3A_56, %dma_wait3A_62] : memref<40x128xi32, #tpu.memory_space<vmem>> -> memref<1x128xi32, #tpu.memory_space<vmem>>
    %dma_wait3A_64 = tpu.memref_squeeze %dma_wait3A_63 : memref<1x128xi32, #tpu.memory_space<vmem>> -> memref<128xi32, #tpu.memory_space<vmem>>
    %dma_wait3A_65 = arith.constant 0 : i32
    %dma_wait3A_66 = arith.constant 0 : i32
    %dma_wait3A_67 = tpu.memref_slice %arg12[%dma_wait3A_65, %dma_wait3A_66] : memref<10016x128xf32, #tpu.memory_space<vmem_shared>> -> memref<10016x128xf32, #tpu.memory_space<vmem_shared>>
    %dma_wait3A_68 = tpu.memref_slice %arg11[%dma_wait3A_57] : memref<2x!tpu.dma_semaphore, #tpu.memory_space<semaphore_mem>> -> memref<1x!tpu.dma_semaphore, #tpu.memory_space<semaphore_mem>>
    %dma_wait3A_69 = tpu.memref_squeeze %dma_wait3A_68 : memref<1x!tpu.dma_semaphore, #tpu.memory_space<semaphore_mem>> -> memref<!tpu.dma_semaphore, #tpu.memory_space<semaphore_mem>>
    tpu.wait_indirect_dma semaphore(%dma_wait3A_69 : memref<!tpu.dma_semaphore, #tpu.memory_space<semaphore_mem>>) src(%dma_wait3A_61 : memref<128x128xf32, #tpu.memory_space<vmem>>) dst(%dma_wait3A_67 : memref<10016x128xf32, #tpu.memory_space<vmem_shared>>)
    %barrier3A_70 = arith.constant 0 : index
    tpu.barrier barrier_id(%barrier3A_70)
    %mul3A_71 = arith.constant 624 : i32
    %mul3A_72 = arith.muli %arg1, %mul3A_71 : i32
    %mul3A_73 = arith.constant 624 : i32
    %mul3A_74 = arith.muli %arg1, %mul3A_73 : i32
    "tpu.region"() ({
      %run_scoped3A = tpu.sem_alloc : memref<!tpu.dma_semaphore, #tpu.memory_space<semaphore_mem>>
      %dma_start3A_77 = arith.constant 0 : i32
      %dma_start3A_78 = tpu.memref_slice %arg6[%arg0, %mul3A_74, %dma_start3A_77] : memref<2x10000x128xf32, #tpu.memory_space<hbm>> -> memref<1x624x128xf32, #tpu.memory_space<hbm>>
      %dma_start3A_79 = tpu.memref_squeeze %dma_start3A_78 : memref<1x624x128xf32, #tpu.memory_space<hbm>> -> memref<624x128xf32, #tpu.memory_space<hbm>>
      %dma_start3A_80 = arith.constant 0 : i32
      %dma_start3A_81 = tpu.memref_slice %arg12[%mul3A_72, %dma_start3A_80] : memref<10016x128xf32, #tpu.memory_space<vmem_shared>> -> memref<624x128xf32, #tpu.memory_space<vmem_shared>>
      tpu.enqueue_dma source(%dma_start3A_81 : memref<624x128xf32, #tpu.memory_space<vmem_shared>>) target(%dma_start3A_79 : memref<624x128xf32, #tpu.memory_space<hbm>>) target_semaphore(%run_scoped3A : memref<!tpu.dma_semaphore, #tpu.memory_space<semaphore_mem>>)
      %dma_wait3A_82 = arith.constant 0 : i32
      %dma_wait3A_83 = tpu.memref_slice %arg6[%arg0, %mul3A_74, %dma_wait3A_82] : memref<2x10000x128xf32, #tpu.memory_space<hbm>> -> memref<1x624x128xf32, #tpu.memory_space<hbm>>
      %dma_wait3A_84 = tpu.memref_squeeze %dma_wait3A_83 : memref<1x624x128xf32, #tpu.memory_space<hbm>> -> memref<624x128xf32, #tpu.memory_space<hbm>>
      %dma_wait3A_85 = arith.constant 0 : i32
      %dma_wait3A_86 = tpu.memref_slice %arg12[%mul3A_72, %dma_wait3A_85] : memref<10016x128xf32, #tpu.memory_space<vmem_shared>> -> memref<624x128xf32, #tpu.memory_space<vmem_shared>>
      tpu.wait_dma2 semaphore(%run_scoped3A : memref<!tpu.dma_semaphore, #tpu.memory_space<semaphore_mem>>) src(%dma_wait3A_86 : memref<624x128xf32, #tpu.memory_space<vmem_shared>>) dst(%dma_wait3A_84 : memref<624x128xf32, #tpu.memory_space<hbm>>)
      tpu.yield
    }) : () -> ()
    %eq3A = arith.constant 15 : i32
    %eq3A_75 = arith.cmpi eq, %arg1, %eq3A : i32
    %convert_element_type3A = arith.extui %eq3A_75 : i1 to i32
    %cond3A = arith.constant 0 : i32
    %cond3A_76 = arith.cmpi ne, %convert_element_type3A, %cond3A : i32
    scf.if %cond3A_76 {
      "tpu.region"() ({
        %run_scoped3A = tpu.sem_alloc : memref<!tpu.dma_semaphore, #tpu.memory_space<semaphore_mem>>
        %dma_start3A_77 = arith.constant 9984 : i32
        %dma_start3A_78 = arith.constant 0 : i32
        %dma_start3A_79 = tpu.memref_slice %arg6[%arg0, %dma_start3A_77, %dma_start3A_78] : memref<2x10000x128xf32, #tpu.memory_space<hbm>> -> memref<1x16x128xf32, #tpu.memory_space<hbm>>
        %dma_start3A_80 = tpu.memref_squeeze %dma_start3A_79 : memref<1x16x128xf32, #tpu.memory_space<hbm>> -> memref<16x128xf32, #tpu.memory_space<hbm>>
        %dma_start3A_81 = arith.constant 9984 : i32
        %dma_start3A_82 = arith.constant 0 : i32
        %dma_start3A_83 = tpu.memref_slice %arg12[%dma_start3A_81, %dma_start3A_82] : memref<10016x128xf32, #tpu.memory_space<vmem_shared>> -> memref<16x128xf32, #tpu.memory_space<vmem_shared>>
        tpu.enqueue_dma source(%dma_start3A_83 : memref<16x128xf32, #tpu.memory_space<vmem_shared>>) target(%dma_start3A_80 : memref<16x128xf32, #tpu.memory_space<hbm>>) target_semaphore(%run_scoped3A : memref<!tpu.dma_semaphore, #tpu.memory_space<semaphore_mem>>)
        %dma_wait3A_84 = arith.constant 9984 : i32
        %dma_wait3A_85 = arith.constant 0 : i32
        %dma_wait3A_86 = tpu.memref_slice %arg6[%arg0, %dma_wait3A_84, %dma_wait3A_85] : memref<2x10000x128xf32, #tpu.memory_space<hbm>> -> memref<1x16x128xf32, #tpu.memory_space<hbm>>
        %dma_wait3A_87 = tpu.memref_squeeze %dma_wait3A_86 : memref<1x16x128xf32, #tpu.memory_space<hbm>> -> memref<16x128xf32, #tpu.memory_space<hbm>>
        %dma_wait3A_88 = arith.constant 9984 : i32
        %dma_wait3A_89 = arith.constant 0 : i32
        %dma_wait3A_90 = tpu.memref_slice %arg12[%dma_wait3A_88, %dma_wait3A_89] : memref<10016x128xf32, #tpu.memory_space<vmem_shared>> -> memref<16x128xf32, #tpu.memory_space<vmem_shared>>
        tpu.wait_dma2 semaphore(%run_scoped3A : memref<!tpu.dma_semaphore, #tpu.memory_space<semaphore_mem>>) src(%dma_wait3A_90 : memref<16x128xf32, #tpu.memory_space<vmem_shared>>) dst(%dma_wait3A_87 : memref<16x128xf32, #tpu.memory_space<hbm>>)
        tpu.yield
      }) : () -> ()
    } else {
    }
    return
  }
}

#map = affine_map<(d0, d1) -> (0, 0)>
#map1 = affine_map<(d0, d1) -> (0, 0, 0, 0)>
#map2 = affine_map<(d0, d1) -> (0, 0, 0)>
module attributes {stable_mosaic.version = 14 : i64} {
  func.func @_seg_body(%arg0: i32, %arg1: i32, %arg2: memref<20000x128xf32, #tpu.memory_space<hbm>>, %arg3: memref<2x16x80x128xi32, #tpu.memory_space<hbm>>, %arg4: memref<16x80x128xi32, #tpu.memory_space<hbm>>, %arg5: memref<626x128xf32, #tpu.memory_space<hbm>>, %arg6: memref<2x10000x128xf32, #tpu.memory_space<hbm>>, %arg7: memref<40x128xi32, #tpu.memory_space<vmem>>, %arg8: memref<40x128xi32, #tpu.memory_space<vmem>>, %arg9: memref<2x128x128xf32, #tpu.memory_space<vmem>>, %arg10: memref<2x!tpu.dma_semaphore, #tpu.memory_space<semaphore_mem>>, %arg11: memref<2x!tpu.dma_semaphore, #tpu.memory_space<semaphore_mem>>, %arg12: memref<10016x128xf32, #tpu.memory_space<vmem_shared>>) attributes {dimension_semantics = [#tpu.dimension_semantics<core_parallel>, #tpu.dimension_semantics<subcore_parallel>], iteration_bounds = array<i64: 2, 16>, scalar_prefetch = 0 : i64, scratch_operands = 6 : i64, tpu.core_type = #tpu.core_type<sc_vector_subcore>, window_params = [{transform_indices = #map}, {transform_indices = #map1}, {transform_indices = #map2}, {transform_indices = #map}, {transform_indices = #map2}]} {
    %mul3A = arith.constant 626 : i32
    %mul3A_0 = arith.muli %arg1, %mul3A : i32
    "tpu.region"() ({
      %run_scoped3A = tpu.sem_alloc : memref<!tpu.dma_semaphore, #tpu.memory_space<semaphore_mem>>
      %dma_start3A_77 = arith.constant 0 : i32
      %dma_start3A_78 = tpu.memref_slice %arg12[%mul3A_0, %dma_start3A_77] : memref<10016x128xf32, #tpu.memory_space<vmem_shared>> -> memref<626x128xf32, #tpu.memory_space<vmem_shared>>
      tpu.enqueue_dma source(%arg5 : memref<626x128xf32, #tpu.memory_space<hbm>>) target(%dma_start3A_78 : memref<626x128xf32, #tpu.memory_space<vmem_shared>>) target_semaphore(%run_scoped3A : memref<!tpu.dma_semaphore, #tpu.memory_space<semaphore_mem>>)
      %dma_wait3A_79 = arith.constant 0 : i32
      %dma_wait3A_80 = tpu.memref_slice %arg12[%mul3A_0, %dma_wait3A_79] : memref<10016x128xf32, #tpu.memory_space<vmem_shared>> -> memref<626x128xf32, #tpu.memory_space<vmem_shared>>
      tpu.wait_dma2 semaphore(%run_scoped3A : memref<!tpu.dma_semaphore, #tpu.memory_space<semaphore_mem>>) src(%arg5 : memref<626x128xf32, #tpu.memory_space<hbm>>) dst(%dma_wait3A_80 : memref<626x128xf32, #tpu.memory_space<vmem_shared>>)
      tpu.yield
    }) : () -> ()
    %barrier3A = arith.constant 0 : index
    tpu.barrier barrier_id(%barrier3A)
    "tpu.region"() ({
      %run_scoped3A = tpu.sem_alloc : memref<!tpu.dma_semaphore, #tpu.memory_space<semaphore_mem>>
      %dma_start3A_77 = arith.constant 0 : i32
      %dma_start3A_78 = arith.constant 0 : i32
      %dma_start3A_79 = tpu.memref_slice %arg3[%arg0, %arg1, %dma_start3A_77, %dma_start3A_78] : memref<2x16x80x128xi32, #tpu.memory_space<hbm>> -> memref<1x1x40x128xi32, #tpu.memory_space<hbm>>
      %dma_start3A_80 = tpu.memref_squeeze %dma_start3A_79 : memref<1x1x40x128xi32, #tpu.memory_space<hbm>> -> memref<40x128xi32, #tpu.memory_space<hbm>>
      %dma_start3A_81 = arith.constant 0 : i32
      %dma_start3A_82 = arith.constant 0 : i32
      %dma_start3A_83 = tpu.memref_slice %arg3[%arg0, %arg1, %dma_start3A_81, %dma_start3A_82] : memref<2x16x80x128xi32, #tpu.memory_space<hbm>> -> memref<1x1x40x128xi32, #tpu.memory_space<hbm>>
      %dma_start3A_84 = tpu.memref_squeeze %dma_start3A_83 : memref<1x1x40x128xi32, #tpu.memory_space<hbm>> -> memref<40x128xi32, #tpu.memory_space<hbm>>
      tpu.enqueue_dma source(%dma_start3A_84 : memref<40x128xi32, #tpu.memory_space<hbm>>) target(%arg7 : memref<40x128xi32, #tpu.memory_space<vmem>>) target_semaphore(%run_scoped3A : memref<!tpu.dma_semaphore, #tpu.memory_space<semaphore_mem>>)
      %dma_wait3A_85 = arith.constant 0 : i32
      %dma_wait3A_86 = arith.constant 0 : i32
      %dma_wait3A_87 = tpu.memref_slice %arg3[%arg0, %arg1, %dma_wait3A_85, %dma_wait3A_86] : memref<2x16x80x128xi32, #tpu.memory_space<hbm>> -> memref<1x1x40x128xi32, #tpu.memory_space<hbm>>
      %dma_wait3A_88 = tpu.memref_squeeze %dma_wait3A_87 : memref<1x1x40x128xi32, #tpu.memory_space<hbm>> -> memref<40x128xi32, #tpu.memory_space<hbm>>
      %dma_wait3A_89 = arith.constant 0 : i32
      %dma_wait3A_90 = arith.constant 0 : i32
      %dma_wait3A_91 = tpu.memref_slice %arg3[%arg0, %arg1, %dma_wait3A_89, %dma_wait3A_90] : memref<2x16x80x128xi32, #tpu.memory_space<hbm>> -> memref<1x1x40x128xi32, #tpu.memory_space<hbm>>
      %dma_wait3A_92 = tpu.memref_squeeze %dma_wait3A_91 : memref<1x1x40x128xi32, #tpu.memory_space<hbm>> -> memref<40x128xi32, #tpu.memory_space<hbm>>
      tpu.wait_dma2 semaphore(%run_scoped3A : memref<!tpu.dma_semaphore, #tpu.memory_space<semaphore_mem>>) src(%dma_wait3A_92 : memref<40x128xi32, #tpu.memory_space<hbm>>) dst(%arg7 : memref<40x128xi32, #tpu.memory_space<vmem>>)
      tpu.yield
    }) : () -> ()
    "tpu.region"() ({
      %run_scoped3A = tpu.sem_alloc : memref<!tpu.dma_semaphore, #tpu.memory_space<semaphore_mem>>
      %dma_start3A_77 = arith.constant 0 : i32
      %dma_start3A_78 = arith.constant 0 : i32
      %dma_start3A_79 = tpu.memref_slice %arg4[%arg1, %dma_start3A_77, %dma_start3A_78] : memref<16x80x128xi32, #tpu.memory_space<hbm>> -> memref<1x40x128xi32, #tpu.memory_space<hbm>>
      %dma_start3A_80 = tpu.memref_squeeze %dma_start3A_79 : memref<1x40x128xi32, #tpu.memory_space<hbm>> -> memref<40x128xi32, #tpu.memory_space<hbm>>
      %dma_start3A_81 = arith.constant 0 : i32
      %dma_start3A_82 = arith.constant 0 : i32
      %dma_start3A_83 = tpu.memref_slice %arg4[%arg1, %dma_start3A_81, %dma_start3A_82] : memref<16x80x128xi32, #tpu.memory_space<hbm>> -> memref<1x40x128xi32, #tpu.memory_space<hbm>>
      %dma_start3A_84 = tpu.memref_squeeze %dma_start3A_83 : memref<1x40x128xi32, #tpu.memory_space<hbm>> -> memref<40x128xi32, #tpu.memory_space<hbm>>
      tpu.enqueue_dma source(%dma_start3A_84 : memref<40x128xi32, #tpu.memory_space<hbm>>) target(%arg8 : memref<40x128xi32, #tpu.memory_space<vmem>>) target_semaphore(%run_scoped3A : memref<!tpu.dma_semaphore, #tpu.memory_space<semaphore_mem>>)
      %dma_wait3A_85 = arith.constant 0 : i32
      %dma_wait3A_86 = arith.constant 0 : i32
      %dma_wait3A_87 = tpu.memref_slice %arg4[%arg1, %dma_wait3A_85, %dma_wait3A_86] : memref<16x80x128xi32, #tpu.memory_space<hbm>> -> memref<1x40x128xi32, #tpu.memory_space<hbm>>
      %dma_wait3A_88 = tpu.memref_squeeze %dma_wait3A_87 : memref<1x40x128xi32, #tpu.memory_space<hbm>> -> memref<40x128xi32, #tpu.memory_space<hbm>>
      %dma_wait3A_89 = arith.constant 0 : i32
      %dma_wait3A_90 = arith.constant 0 : i32
      %dma_wait3A_91 = tpu.memref_slice %arg4[%arg1, %dma_wait3A_89, %dma_wait3A_90] : memref<16x80x128xi32, #tpu.memory_space<hbm>> -> memref<1x40x128xi32, #tpu.memory_space<hbm>>
      %dma_wait3A_92 = tpu.memref_squeeze %dma_wait3A_91 : memref<1x40x128xi32, #tpu.memory_space<hbm>> -> memref<40x128xi32, #tpu.memory_space<hbm>>
      tpu.wait_dma2 semaphore(%run_scoped3A : memref<!tpu.dma_semaphore, #tpu.memory_space<semaphore_mem>>) src(%dma_wait3A_92 : memref<40x128xi32, #tpu.memory_space<hbm>>) dst(%arg8 : memref<40x128xi32, #tpu.memory_space<vmem>>)
      tpu.yield
    }) : () -> ()
    %dma_start3A = arith.constant 0 : i32
    %dma_start3A_1 = arith.constant 0 : i32
    %dma_start3A_2 = arith.constant 0 : i32
    %dma_start3A_3 = arith.constant 0 : i32
    %dma_start3A_4 = arith.constant 0 : i32
    %dma_start3A_5 = tpu.memref_slice %arg9[%dma_start3A_1, %dma_start3A_3, %dma_start3A_4] : memref<2x128x128xf32, #tpu.memory_space<vmem>> -> memref<1x128x128xf32, #tpu.memory_space<vmem>>
    %dma_start3A_6 = tpu.memref_squeeze %dma_start3A_5 : memref<1x128x128xf32, #tpu.memory_space<vmem>> -> memref<128x128xf32, #tpu.memory_space<vmem>>
    %dma_start3A_7 = arith.constant 0 : i32
    %dma_start3A_8 = tpu.memref_slice %arg7[%dma_start3A, %dma_start3A_7] : memref<40x128xi32, #tpu.memory_space<vmem>> -> memref<1x128xi32, #tpu.memory_space<vmem>>
    %dma_start3A_9 = tpu.memref_squeeze %dma_start3A_8 : memref<1x128xi32, #tpu.memory_space<vmem>> -> memref<128xi32, #tpu.memory_space<vmem>>
    %dma_start3A_10 = arith.constant 0 : i32
    %dma_start3A_11 = arith.constant 0 : i32
    %dma_start3A_12 = tpu.memref_slice %arg2[%dma_start3A_10, %dma_start3A_11] : memref<20000x128xf32, #tpu.memory_space<hbm>> -> memref<20000x128xf32, #tpu.memory_space<hbm>>
    %dma_start3A_13 = tpu.memref_slice %arg10[%dma_start3A_2] : memref<2x!tpu.dma_semaphore, #tpu.memory_space<semaphore_mem>> -> memref<1x!tpu.dma_semaphore, #tpu.memory_space<semaphore_mem>>
    %dma_start3A_14 = tpu.memref_squeeze %dma_start3A_13 : memref<1x!tpu.dma_semaphore, #tpu.memory_space<semaphore_mem>> -> memref<!tpu.dma_semaphore, #tpu.memory_space<semaphore_mem>>
    tpu.enqueue_indirect_dma source(%dma_start3A_12 : memref<20000x128xf32, #tpu.memory_space<hbm>>) target(%dma_start3A_6 : memref<128x128xf32, #tpu.memory_space<vmem>>) offsets(%dma_start3A_9 : memref<128xi32, #tpu.memory_space<vmem>>) semaphore(%dma_start3A_14 : memref<!tpu.dma_semaphore, #tpu.memory_space<semaphore_mem>>)
    %scan3A = arith.constant 0 : i32
    %scan3A_15 = arith.constant 0 : i32
    %scan3A_16 = arith.constant 40 : i32
    %scan3A_17 = arith.addi %scan3A_15, %scan3A_16 : i32
    %scan3A_18 = arith.constant 1 : i32
    scf.for %scan3A_77 = %scan3A_15 to %scan3A_17 step %scan3A_18  : i32 {
      %rem3A = arith.constant 2 : i32
      %rem3A_78 = arith.remsi %scan3A_77, %rem3A : i32
      %ge3A = arith.constant 1 : i32
      %ge3A_79 = arith.cmpi sge, %scan3A_77, %ge3A : i32
      %convert_element_type3A_80 = arith.extui %ge3A_79 : i1 to i32
      %cond3A_81 = arith.constant 0 : i32
      %cond3A_82 = arith.cmpi ne, %convert_element_type3A_80, %cond3A_81 : i32
      scf.if %cond3A_82 {
        %sub3A = arith.constant 1 : i32
        %sub3A_111 = arith.subi %scan3A_77, %sub3A : i32
        %rem3A_112 = arith.constant 2 : i32
        %rem3A_113 = arith.remsi %sub3A_111, %rem3A_112 : i32
        %sub3A_114 = arith.constant 1 : i32
        %sub3A_115 = arith.subi %scan3A_77, %sub3A_114 : i32
        %dma_wait3A_116 = arith.constant 0 : i32
        %dma_wait3A_117 = arith.constant 0 : i32
        %dma_wait3A_118 = tpu.memref_slice %arg9[%rem3A_113, %dma_wait3A_116, %dma_wait3A_117] : memref<2x128x128xf32, #tpu.memory_space<vmem>> -> memref<1x128x128xf32, #tpu.memory_space<vmem>>
        %dma_wait3A_119 = tpu.memref_squeeze %dma_wait3A_118 : memref<1x128x128xf32, #tpu.memory_space<vmem>> -> memref<128x128xf32, #tpu.memory_space<vmem>>
        %dma_wait3A_120 = arith.constant 0 : i32
        %dma_wait3A_121 = tpu.memref_slice %arg8[%sub3A_115, %dma_wait3A_120] : memref<40x128xi32, #tpu.memory_space<vmem>> -> memref<1x128xi32, #tpu.memory_space<vmem>>
        %dma_wait3A_122 = tpu.memref_squeeze %dma_wait3A_121 : memref<1x128xi32, #tpu.memory_space<vmem>> -> memref<128xi32, #tpu.memory_space<vmem>>
        %dma_wait3A_123 = arith.constant 0 : i32
        %dma_wait3A_124 = arith.constant 0 : i32
        %dma_wait3A_125 = tpu.memref_slice %arg12[%dma_wait3A_123, %dma_wait3A_124] : memref<10016x128xf32, #tpu.memory_space<vmem_shared>> -> memref<10016x128xf32, #tpu.memory_space<vmem_shared>>
        %dma_wait3A_126 = tpu.memref_slice %arg11[%rem3A_113] : memref<2x!tpu.dma_semaphore, #tpu.memory_space<semaphore_mem>> -> memref<1x!tpu.dma_semaphore, #tpu.memory_space<semaphore_mem>>
        %dma_wait3A_127 = tpu.memref_squeeze %dma_wait3A_126 : memref<1x!tpu.dma_semaphore, #tpu.memory_space<semaphore_mem>> -> memref<!tpu.dma_semaphore, #tpu.memory_space<semaphore_mem>>
        tpu.wait_indirect_dma semaphore(%dma_wait3A_127 : memref<!tpu.dma_semaphore, #tpu.memory_space<semaphore_mem>>) src(%dma_wait3A_119 : memref<128x128xf32, #tpu.memory_space<vmem>>) dst(%dma_wait3A_125 : memref<10016x128xf32, #tpu.memory_space<vmem_shared>>)
      } else {
      }
      %lt3A = arith.constant 39 : i32
      %lt3A_83 = arith.cmpi slt, %scan3A_77, %lt3A : i32
      %convert_element_type3A_84 = arith.extui %lt3A_83 : i1 to i32
      %cond3A_85 = arith.constant 0 : i32
      %cond3A_86 = arith.cmpi ne, %convert_element_type3A_84, %cond3A_85 : i32
      scf.if %cond3A_86 {
        %add3A = arith.constant 1 : i32
        %add3A_111 = arith.addi %scan3A_77, %add3A : i32
        %rem3A_112 = arith.constant 2 : i32
        %rem3A_113 = arith.remsi %add3A_111, %rem3A_112 : i32
        %add3A_114 = arith.constant 1 : i32
        %add3A_115 = arith.addi %scan3A_77, %add3A_114 : i32
        %dma_start3A_116 = arith.constant 0 : i32
        %dma_start3A_117 = arith.constant 0 : i32
        %dma_start3A_118 = tpu.memref_slice %arg9[%rem3A_113, %dma_start3A_116, %dma_start3A_117] : memref<2x128x128xf32, #tpu.memory_space<vmem>> -> memref<1x128x128xf32, #tpu.memory_space<vmem>>
        %dma_start3A_119 = tpu.memref_squeeze %dma_start3A_118 : memref<1x128x128xf32, #tpu.memory_space<vmem>> -> memref<128x128xf32, #tpu.memory_space<vmem>>
        %dma_start3A_120 = arith.constant 0 : i32
        %dma_start3A_121 = tpu.memref_slice %arg7[%add3A_115, %dma_start3A_120] : memref<40x128xi32, #tpu.memory_space<vmem>> -> memref<1x128xi32, #tpu.memory_space<vmem>>
        %dma_start3A_122 = tpu.memref_squeeze %dma_start3A_121 : memref<1x128xi32, #tpu.memory_space<vmem>> -> memref<128xi32, #tpu.memory_space<vmem>>
        %dma_start3A_123 = arith.constant 0 : i32
        %dma_start3A_124 = arith.constant 0 : i32
        %dma_start3A_125 = tpu.memref_slice %arg2[%dma_start3A_123, %dma_start3A_124] : memref<20000x128xf32, #tpu.memory_space<hbm>> -> memref<20000x128xf32, #tpu.memory_space<hbm>>
        %dma_start3A_126 = tpu.memref_slice %arg10[%rem3A_113] : memref<2x!tpu.dma_semaphore, #tpu.memory_space<semaphore_mem>> -> memref<1x!tpu.dma_semaphore, #tpu.memory_space<semaphore_mem>>
        %dma_start3A_127 = tpu.memref_squeeze %dma_start3A_126 : memref<1x!tpu.dma_semaphore, #tpu.memory_space<semaphore_mem>> -> memref<!tpu.dma_semaphore, #tpu.memory_space<semaphore_mem>>
        tpu.enqueue_indirect_dma source(%dma_start3A_125 : memref<20000x128xf32, #tpu.memory_space<hbm>>) target(%dma_start3A_119 : memref<128x128xf32, #tpu.memory_space<vmem>>) offsets(%dma_start3A_122 : memref<128xi32, #tpu.memory_space<vmem>>) semaphore(%dma_start3A_127 : memref<!tpu.dma_semaphore, #tpu.memory_space<semaphore_mem>>)
      } else {
      }
      %dma_wait3A_87 = arith.constant 0 : i32
      %dma_wait3A_88 = arith.constant 0 : i32
      %dma_wait3A_89 = tpu.memref_slice %arg9[%rem3A_78, %dma_wait3A_87, %dma_wait3A_88] : memref<2x128x128xf32, #tpu.memory_space<vmem>> -> memref<1x128x128xf32, #tpu.memory_space<vmem>>
      %dma_wait3A_90 = tpu.memref_squeeze %dma_wait3A_89 : memref<1x128x128xf32, #tpu.memory_space<vmem>> -> memref<128x128xf32, #tpu.memory_space<vmem>>
      %dma_wait3A_91 = arith.constant 0 : i32
      %dma_wait3A_92 = tpu.memref_slice %arg7[%scan3A_77, %dma_wait3A_91] : memref<40x128xi32, #tpu.memory_space<vmem>> -> memref<1x128xi32, #tpu.memory_space<vmem>>
      %dma_wait3A_93 = tpu.memref_squeeze %dma_wait3A_92 : memref<1x128xi32, #tpu.memory_space<vmem>> -> memref<128xi32, #tpu.memory_space<vmem>>
      %dma_wait3A_94 = arith.constant 0 : i32
      %dma_wait3A_95 = arith.constant 0 : i32
      %dma_wait3A_96 = tpu.memref_slice %arg2[%dma_wait3A_94, %dma_wait3A_95] : memref<20000x128xf32, #tpu.memory_space<hbm>> -> memref<20000x128xf32, #tpu.memory_space<hbm>>
      %dma_wait3A_97 = tpu.memref_slice %arg10[%rem3A_78] : memref<2x!tpu.dma_semaphore, #tpu.memory_space<semaphore_mem>> -> memref<1x!tpu.dma_semaphore, #tpu.memory_space<semaphore_mem>>
      %dma_wait3A_98 = tpu.memref_squeeze %dma_wait3A_97 : memref<1x!tpu.dma_semaphore, #tpu.memory_space<semaphore_mem>> -> memref<!tpu.dma_semaphore, #tpu.memory_space<semaphore_mem>>
      tpu.wait_indirect_dma semaphore(%dma_wait3A_98 : memref<!tpu.dma_semaphore, #tpu.memory_space<semaphore_mem>>) src(%dma_wait3A_96 : memref<20000x128xf32, #tpu.memory_space<hbm>>) dst(%dma_wait3A_90 : memref<128x128xf32, #tpu.memory_space<vmem>>)
      %dma_start3A_99 = arith.constant 0 : i32
      %dma_start3A_100 = arith.constant 0 : i32
      %dma_start3A_101 = tpu.memref_slice %arg9[%rem3A_78, %dma_start3A_99, %dma_start3A_100] : memref<2x128x128xf32, #tpu.memory_space<vmem>> -> memref<1x128x128xf32, #tpu.memory_space<vmem>>
      %dma_start3A_102 = tpu.memref_squeeze %dma_start3A_101 : memref<1x128x128xf32, #tpu.memory_space<vmem>> -> memref<128x128xf32, #tpu.memory_space<vmem>>
      %dma_start3A_103 = arith.constant 0 : i32
      %dma_start3A_104 = tpu.memref_slice %arg8[%scan3A_77, %dma_start3A_103] : memref<40x128xi32, #tpu.memory_space<vmem>> -> memref<1x128xi32, #tpu.memory_space<vmem>>
      %dma_start3A_105 = tpu.memref_squeeze %dma_start3A_104 : memref<1x128xi32, #tpu.memory_space<vmem>> -> memref<128xi32, #tpu.memory_space<vmem>>
      %dma_start3A_106 = arith.constant 0 : i32
      %dma_start3A_107 = arith.constant 0 : i32
      %dma_start3A_108 = tpu.memref_slice %arg12[%dma_start3A_106, %dma_start3A_107] : memref<10016x128xf32, #tpu.memory_space<vmem_shared>> -> memref<10016x128xf32, #tpu.memory_space<vmem_shared>>
      %dma_start3A_109 = tpu.memref_slice %arg11[%rem3A_78] : memref<2x!tpu.dma_semaphore, #tpu.memory_space<semaphore_mem>> -> memref<1x!tpu.dma_semaphore, #tpu.memory_space<semaphore_mem>>
      %dma_start3A_110 = tpu.memref_squeeze %dma_start3A_109 : memref<1x!tpu.dma_semaphore, #tpu.memory_space<semaphore_mem>> -> memref<!tpu.dma_semaphore, #tpu.memory_space<semaphore_mem>>
      tpu.enqueue_indirect_dma source(%dma_start3A_102 : memref<128x128xf32, #tpu.memory_space<vmem>>) target(%dma_start3A_108 : memref<10016x128xf32, #tpu.memory_space<vmem_shared>>) offsets(%dma_start3A_105 : memref<128xi32, #tpu.memory_space<vmem>>) semaphore(%dma_start3A_110 : memref<!tpu.dma_semaphore, #tpu.memory_space<semaphore_mem>>) {add = true}
    }
    %scan3A_19 = arith.constant 40 : i32
    %dma_wait3A = arith.constant 1 : i32
    %dma_wait3A_20 = arith.constant 39 : i32
    %dma_wait3A_21 = arith.constant 1 : i32
    %dma_wait3A_22 = arith.constant 0 : i32
    %dma_wait3A_23 = arith.constant 0 : i32
    %dma_wait3A_24 = tpu.memref_slice %arg9[%dma_wait3A, %dma_wait3A_22, %dma_wait3A_23] : memref<2x128x128xf32, #tpu.memory_space<vmem>> -> memref<1x128x128xf32, #tpu.memory_space<vmem>>
    %dma_wait3A_25 = tpu.memref_squeeze %dma_wait3A_24 : memref<1x128x128xf32, #tpu.memory_space<vmem>> -> memref<128x128xf32, #tpu.memory_space<vmem>>
    %dma_wait3A_26 = arith.constant 0 : i32
    %dma_wait3A_27 = tpu.memref_slice %arg8[%dma_wait3A_20, %dma_wait3A_26] : memref<40x128xi32, #tpu.memory_space<vmem>> -> memref<1x128xi32, #tpu.memory_space<vmem>>
    %dma_wait3A_28 = tpu.memref_squeeze %dma_wait3A_27 : memref<1x128xi32, #tpu.memory_space<vmem>> -> memref<128xi32, #tpu.memory_space<vmem>>
    %dma_wait3A_29 = arith.constant 0 : i32
    %dma_wait3A_30 = arith.constant 0 : i32
    %dma_wait3A_31 = tpu.memref_slice %arg12[%dma_wait3A_29, %dma_wait3A_30] : memref<10016x128xf32, #tpu.memory_space<vmem_shared>> -> memref<10016x128xf32, #tpu.memory_space<vmem_shared>>
    %dma_wait3A_32 = tpu.memref_slice %arg11[%dma_wait3A_21] : memref<2x!tpu.dma_semaphore, #tpu.memory_space<semaphore_mem>> -> memref<1x!tpu.dma_semaphore, #tpu.memory_space<semaphore_mem>>
    %dma_wait3A_33 = tpu.memref_squeeze %dma_wait3A_32 : memref<1x!tpu.dma_semaphore, #tpu.memory_space<semaphore_mem>> -> memref<!tpu.dma_semaphore, #tpu.memory_space<semaphore_mem>>
    tpu.wait_indirect_dma semaphore(%dma_wait3A_33 : memref<!tpu.dma_semaphore, #tpu.memory_space<semaphore_mem>>) src(%dma_wait3A_25 : memref<128x128xf32, #tpu.memory_space<vmem>>) dst(%dma_wait3A_31 : memref<10016x128xf32, #tpu.memory_space<vmem_shared>>)
    "tpu.region"() ({
      %run_scoped3A = tpu.sem_alloc : memref<!tpu.dma_semaphore, #tpu.memory_space<semaphore_mem>>
      %dma_start3A_77 = arith.constant 40 : i32
      %dma_start3A_78 = arith.constant 0 : i32
      %dma_start3A_79 = tpu.memref_slice %arg3[%arg0, %arg1, %dma_start3A_77, %dma_start3A_78] : memref<2x16x80x128xi32, #tpu.memory_space<hbm>> -> memref<1x1x40x128xi32, #tpu.memory_space<hbm>>
      %dma_start3A_80 = tpu.memref_squeeze %dma_start3A_79 : memref<1x1x40x128xi32, #tpu.memory_space<hbm>> -> memref<40x128xi32, #tpu.memory_space<hbm>>
      %dma_start3A_81 = arith.constant 40 : i32
      %dma_start3A_82 = arith.constant 0 : i32
      %dma_start3A_83 = tpu.memref_slice %arg3[%arg0, %arg1, %dma_start3A_81, %dma_start3A_82] : memref<2x16x80x128xi32, #tpu.memory_space<hbm>> -> memref<1x1x40x128xi32, #tpu.memory_space<hbm>>
      %dma_start3A_84 = tpu.memref_squeeze %dma_start3A_83 : memref<1x1x40x128xi32, #tpu.memory_space<hbm>> -> memref<40x128xi32, #tpu.memory_space<hbm>>
      tpu.enqueue_dma source(%dma_start3A_84 : memref<40x128xi32, #tpu.memory_space<hbm>>) target(%arg7 : memref<40x128xi32, #tpu.memory_space<vmem>>) target_semaphore(%run_scoped3A : memref<!tpu.dma_semaphore, #tpu.memory_space<semaphore_mem>>)
      %dma_wait3A_85 = arith.constant 40 : i32
      %dma_wait3A_86 = arith.constant 0 : i32
      %dma_wait3A_87 = tpu.memref_slice %arg3[%arg0, %arg1, %dma_wait3A_85, %dma_wait3A_86] : memref<2x16x80x128xi32, #tpu.memory_space<hbm>> -> memref<1x1x40x128xi32, #tpu.memory_space<hbm>>
      %dma_wait3A_88 = tpu.memref_squeeze %dma_wait3A_87 : memref<1x1x40x128xi32, #tpu.memory_space<hbm>> -> memref<40x128xi32, #tpu.memory_space<hbm>>
      %dma_wait3A_89 = arith.constant 40 : i32
      %dma_wait3A_90 = arith.constant 0 : i32
      %dma_wait3A_91 = tpu.memref_slice %arg3[%arg0, %arg1, %dma_wait3A_89, %dma_wait3A_90] : memref<2x16x80x128xi32, #tpu.memory_space<hbm>> -> memref<1x1x40x128xi32, #tpu.memory_space<hbm>>
      %dma_wait3A_92 = tpu.memref_squeeze %dma_wait3A_91 : memref<1x1x40x128xi32, #tpu.memory_space<hbm>> -> memref<40x128xi32, #tpu.memory_space<hbm>>
      tpu.wait_dma2 semaphore(%run_scoped3A : memref<!tpu.dma_semaphore, #tpu.memory_space<semaphore_mem>>) src(%dma_wait3A_92 : memref<40x128xi32, #tpu.memory_space<hbm>>) dst(%arg7 : memref<40x128xi32, #tpu.memory_space<vmem>>)
      tpu.yield
    }) : () -> ()
    "tpu.region"() ({
      %run_scoped3A = tpu.sem_alloc : memref<!tpu.dma_semaphore, #tpu.memory_space<semaphore_mem>>
      %dma_start3A_77 = arith.constant 40 : i32
      %dma_start3A_78 = arith.constant 0 : i32
      %dma_start3A_79 = tpu.memref_slice %arg4[%arg1, %dma_start3A_77, %dma_start3A_78] : memref<16x80x128xi32, #tpu.memory_space<hbm>> -> memref<1x40x128xi32, #tpu.memory_space<hbm>>
      %dma_start3A_80 = tpu.memref_squeeze %dma_start3A_79 : memref<1x40x128xi32, #tpu.memory_space<hbm>> -> memref<40x128xi32, #tpu.memory_space<hbm>>
      %dma_start3A_81 = arith.constant 40 : i32
      %dma_start3A_82 = arith.constant 0 : i32
      %dma_start3A_83 = tpu.memref_slice %arg4[%arg1, %dma_start3A_81, %dma_start3A_82] : memref<16x80x128xi32, #tpu.memory_space<hbm>> -> memref<1x40x128xi32, #tpu.memory_space<hbm>>
      %dma_start3A_84 = tpu.memref_squeeze %dma_start3A_83 : memref<1x40x128xi32, #tpu.memory_space<hbm>> -> memref<40x128xi32, #tpu.memory_space<hbm>>
      tpu.enqueue_dma source(%dma_start3A_84 : memref<40x128xi32, #tpu.memory_space<hbm>>) target(%arg8 : memref<40x128xi32, #tpu.memory_space<vmem>>) target_semaphore(%run_scoped3A : memref<!tpu.dma_semaphore, #tpu.memory_space<semaphore_mem>>)
      %dma_wait3A_85 = arith.constant 40 : i32
      %dma_wait3A_86 = arith.constant 0 : i32
      %dma_wait3A_87 = tpu.memref_slice %arg4[%arg1, %dma_wait3A_85, %dma_wait3A_86] : memref<16x80x128xi32, #tpu.memory_space<hbm>> -> memref<1x40x128xi32, #tpu.memory_space<hbm>>
      %dma_wait3A_88 = tpu.memref_squeeze %dma_wait3A_87 : memref<1x40x128xi32, #tpu.memory_space<hbm>> -> memref<40x128xi32, #tpu.memory_space<hbm>>
      %dma_wait3A_89 = arith.constant 40 : i32
      %dma_wait3A_90 = arith.constant 0 : i32
      %dma_wait3A_91 = tpu.memref_slice %arg4[%arg1, %dma_wait3A_89, %dma_wait3A_90] : memref<16x80x128xi32, #tpu.memory_space<hbm>> -> memref<1x40x128xi32, #tpu.memory_space<hbm>>
      %dma_wait3A_92 = tpu.memref_squeeze %dma_wait3A_91 : memref<1x40x128xi32, #tpu.memory_space<hbm>> -> memref<40x128xi32, #tpu.memory_space<hbm>>
      tpu.wait_dma2 semaphore(%run_scoped3A : memref<!tpu.dma_semaphore, #tpu.memory_space<semaphore_mem>>) src(%dma_wait3A_92 : memref<40x128xi32, #tpu.memory_space<hbm>>) dst(%arg8 : memref<40x128xi32, #tpu.memory_space<vmem>>)
      tpu.yield
    }) : () -> ()
    %dma_start3A_34 = arith.constant 0 : i32
    %dma_start3A_35 = arith.constant 0 : i32
    %dma_start3A_36 = arith.constant 0 : i32
    %dma_start3A_37 = arith.constant 0 : i32
    %dma_start3A_38 = arith.constant 0 : i32
    %dma_start3A_39 = tpu.memref_slice %arg9[%dma_start3A_35, %dma_start3A_37, %dma_start3A_38] : memref<2x128x128xf32, #tpu.memory_space<vmem>> -> memref<1x128x128xf32, #tpu.memory_space<vmem>>
    %dma_start3A_40 = tpu.memref_squeeze %dma_start3A_39 : memref<1x128x128xf32, #tpu.memory_space<vmem>> -> memref<128x128xf32, #tpu.memory_space<vmem>>
    %dma_start3A_41 = arith.constant 0 : i32
    %dma_start3A_42 = tpu.memref_slice %arg7[%dma_start3A_34, %dma_start3A_41] : memref<40x128xi32, #tpu.memory_space<vmem>> -> memref<1x128xi32, #tpu.memory_space<vmem>>
    %dma_start3A_43 = tpu.memref_squeeze %dma_start3A_42 : memref<1x128xi32, #tpu.memory_space<vmem>> -> memref<128xi32, #tpu.memory_space<vmem>>
    %dma_start3A_44 = arith.constant 0 : i32
    %dma_start3A_45 = arith.constant 0 : i32
    %dma_start3A_46 = tpu.memref_slice %arg2[%dma_start3A_44, %dma_start3A_45] : memref<20000x128xf32, #tpu.memory_space<hbm>> -> memref<20000x128xf32, #tpu.memory_space<hbm>>
    %dma_start3A_47 = tpu.memref_slice %arg10[%dma_start3A_36] : memref<2x!tpu.dma_semaphore, #tpu.memory_space<semaphore_mem>> -> memref<1x!tpu.dma_semaphore, #tpu.memory_space<semaphore_mem>>
    %dma_start3A_48 = tpu.memref_squeeze %dma_start3A_47 : memref<1x!tpu.dma_semaphore, #tpu.memory_space<semaphore_mem>> -> memref<!tpu.dma_semaphore, #tpu.memory_space<semaphore_mem>>
    tpu.enqueue_indirect_dma source(%dma_start3A_46 : memref<20000x128xf32, #tpu.memory_space<hbm>>) target(%dma_start3A_40 : memref<128x128xf32, #tpu.memory_space<vmem>>) offsets(%dma_start3A_43 : memref<128xi32, #tpu.memory_space<vmem>>) semaphore(%dma_start3A_48 : memref<!tpu.dma_semaphore, #tpu.memory_space<semaphore_mem>>)
    %scan3A_49 = arith.constant 0 : i32
    %scan3A_50 = arith.constant 0 : i32
    %scan3A_51 = arith.constant 40 : i32
    %scan3A_52 = arith.addi %scan3A_50, %scan3A_51 : i32
    %scan3A_53 = arith.constant 1 : i32
    scf.for %scan3A_77 = %scan3A_50 to %scan3A_52 step %scan3A_53  : i32 {
      %rem3A = arith.constant 2 : i32
      %rem3A_78 = arith.remsi %scan3A_77, %rem3A : i32
      %ge3A = arith.constant 1 : i32
      %ge3A_79 = arith.cmpi sge, %scan3A_77, %ge3A : i32
      %convert_element_type3A_80 = arith.extui %ge3A_79 : i1 to i32
      %cond3A_81 = arith.constant 0 : i32
      %cond3A_82 = arith.cmpi ne, %convert_element_type3A_80, %cond3A_81 : i32
      scf.if %cond3A_82 {
        %sub3A = arith.constant 1 : i32
        %sub3A_111 = arith.subi %scan3A_77, %sub3A : i32
        %rem3A_112 = arith.constant 2 : i32
        %rem3A_113 = arith.remsi %sub3A_111, %rem3A_112 : i32
        %sub3A_114 = arith.constant 1 : i32
        %sub3A_115 = arith.subi %scan3A_77, %sub3A_114 : i32
        %dma_wait3A_116 = arith.constant 0 : i32
        %dma_wait3A_117 = arith.constant 0 : i32
        %dma_wait3A_118 = tpu.memref_slice %arg9[%rem3A_113, %dma_wait3A_116, %dma_wait3A_117] : memref<2x128x128xf32, #tpu.memory_space<vmem>> -> memref<1x128x128xf32, #tpu.memory_space<vmem>>
        %dma_wait3A_119 = tpu.memref_squeeze %dma_wait3A_118 : memref<1x128x128xf32, #tpu.memory_space<vmem>> -> memref<128x128xf32, #tpu.memory_space<vmem>>
        %dma_wait3A_120 = arith.constant 0 : i32
        %dma_wait3A_121 = tpu.memref_slice %arg8[%sub3A_115, %dma_wait3A_120] : memref<40x128xi32, #tpu.memory_space<vmem>> -> memref<1x128xi32, #tpu.memory_space<vmem>>
        %dma_wait3A_122 = tpu.memref_squeeze %dma_wait3A_121 : memref<1x128xi32, #tpu.memory_space<vmem>> -> memref<128xi32, #tpu.memory_space<vmem>>
        %dma_wait3A_123 = arith.constant 0 : i32
        %dma_wait3A_124 = arith.constant 0 : i32
        %dma_wait3A_125 = tpu.memref_slice %arg12[%dma_wait3A_123, %dma_wait3A_124] : memref<10016x128xf32, #tpu.memory_space<vmem_shared>> -> memref<10016x128xf32, #tpu.memory_space<vmem_shared>>
        %dma_wait3A_126 = tpu.memref_slice %arg11[%rem3A_113] : memref<2x!tpu.dma_semaphore, #tpu.memory_space<semaphore_mem>> -> memref<1x!tpu.dma_semaphore, #tpu.memory_space<semaphore_mem>>
        %dma_wait3A_127 = tpu.memref_squeeze %dma_wait3A_126 : memref<1x!tpu.dma_semaphore, #tpu.memory_space<semaphore_mem>> -> memref<!tpu.dma_semaphore, #tpu.memory_space<semaphore_mem>>
        tpu.wait_indirect_dma semaphore(%dma_wait3A_127 : memref<!tpu.dma_semaphore, #tpu.memory_space<semaphore_mem>>) src(%dma_wait3A_119 : memref<128x128xf32, #tpu.memory_space<vmem>>) dst(%dma_wait3A_125 : memref<10016x128xf32, #tpu.memory_space<vmem_shared>>)
      } else {
      }
      %lt3A = arith.constant 39 : i32
      %lt3A_83 = arith.cmpi slt, %scan3A_77, %lt3A : i32
      %convert_element_type3A_84 = arith.extui %lt3A_83 : i1 to i32
      %cond3A_85 = arith.constant 0 : i32
      %cond3A_86 = arith.cmpi ne, %convert_element_type3A_84, %cond3A_85 : i32
      scf.if %cond3A_86 {
        %add3A = arith.constant 1 : i32
        %add3A_111 = arith.addi %scan3A_77, %add3A : i32
        %rem3A_112 = arith.constant 2 : i32
        %rem3A_113 = arith.remsi %add3A_111, %rem3A_112 : i32
        %add3A_114 = arith.constant 1 : i32
        %add3A_115 = arith.addi %scan3A_77, %add3A_114 : i32
        %dma_start3A_116 = arith.constant 0 : i32
        %dma_start3A_117 = arith.constant 0 : i32
        %dma_start3A_118 = tpu.memref_slice %arg9[%rem3A_113, %dma_start3A_116, %dma_start3A_117] : memref<2x128x128xf32, #tpu.memory_space<vmem>> -> memref<1x128x128xf32, #tpu.memory_space<vmem>>
        %dma_start3A_119 = tpu.memref_squeeze %dma_start3A_118 : memref<1x128x128xf32, #tpu.memory_space<vmem>> -> memref<128x128xf32, #tpu.memory_space<vmem>>
        %dma_start3A_120 = arith.constant 0 : i32
        %dma_start3A_121 = tpu.memref_slice %arg7[%add3A_115, %dma_start3A_120] : memref<40x128xi32, #tpu.memory_space<vmem>> -> memref<1x128xi32, #tpu.memory_space<vmem>>
        %dma_start3A_122 = tpu.memref_squeeze %dma_start3A_121 : memref<1x128xi32, #tpu.memory_space<vmem>> -> memref<128xi32, #tpu.memory_space<vmem>>
        %dma_start3A_123 = arith.constant 0 : i32
        %dma_start3A_124 = arith.constant 0 : i32
        %dma_start3A_125 = tpu.memref_slice %arg2[%dma_start3A_123, %dma_start3A_124] : memref<20000x128xf32, #tpu.memory_space<hbm>> -> memref<20000x128xf32, #tpu.memory_space<hbm>>
        %dma_start3A_126 = tpu.memref_slice %arg10[%rem3A_113] : memref<2x!tpu.dma_semaphore, #tpu.memory_space<semaphore_mem>> -> memref<1x!tpu.dma_semaphore, #tpu.memory_space<semaphore_mem>>
        %dma_start3A_127 = tpu.memref_squeeze %dma_start3A_126 : memref<1x!tpu.dma_semaphore, #tpu.memory_space<semaphore_mem>> -> memref<!tpu.dma_semaphore, #tpu.memory_space<semaphore_mem>>
        tpu.enqueue_indirect_dma source(%dma_start3A_125 : memref<20000x128xf32, #tpu.memory_space<hbm>>) target(%dma_start3A_119 : memref<128x128xf32, #tpu.memory_space<vmem>>) offsets(%dma_start3A_122 : memref<128xi32, #tpu.memory_space<vmem>>) semaphore(%dma_start3A_127 : memref<!tpu.dma_semaphore, #tpu.memory_space<semaphore_mem>>)
      } else {
      }
      %dma_wait3A_87 = arith.constant 0 : i32
      %dma_wait3A_88 = arith.constant 0 : i32
      %dma_wait3A_89 = tpu.memref_slice %arg9[%rem3A_78, %dma_wait3A_87, %dma_wait3A_88] : memref<2x128x128xf32, #tpu.memory_space<vmem>> -> memref<1x128x128xf32, #tpu.memory_space<vmem>>
      %dma_wait3A_90 = tpu.memref_squeeze %dma_wait3A_89 : memref<1x128x128xf32, #tpu.memory_space<vmem>> -> memref<128x128xf32, #tpu.memory_space<vmem>>
      %dma_wait3A_91 = arith.constant 0 : i32
      %dma_wait3A_92 = tpu.memref_slice %arg7[%scan3A_77, %dma_wait3A_91] : memref<40x128xi32, #tpu.memory_space<vmem>> -> memref<1x128xi32, #tpu.memory_space<vmem>>
      %dma_wait3A_93 = tpu.memref_squeeze %dma_wait3A_92 : memref<1x128xi32, #tpu.memory_space<vmem>> -> memref<128xi32, #tpu.memory_space<vmem>>
      %dma_wait3A_94 = arith.constant 0 : i32
      %dma_wait3A_95 = arith.constant 0 : i32
      %dma_wait3A_96 = tpu.memref_slice %arg2[%dma_wait3A_94, %dma_wait3A_95] : memref<20000x128xf32, #tpu.memory_space<hbm>> -> memref<20000x128xf32, #tpu.memory_space<hbm>>
      %dma_wait3A_97 = tpu.memref_slice %arg10[%rem3A_78] : memref<2x!tpu.dma_semaphore, #tpu.memory_space<semaphore_mem>> -> memref<1x!tpu.dma_semaphore, #tpu.memory_space<semaphore_mem>>
      %dma_wait3A_98 = tpu.memref_squeeze %dma_wait3A_97 : memref<1x!tpu.dma_semaphore, #tpu.memory_space<semaphore_mem>> -> memref<!tpu.dma_semaphore, #tpu.memory_space<semaphore_mem>>
      tpu.wait_indirect_dma semaphore(%dma_wait3A_98 : memref<!tpu.dma_semaphore, #tpu.memory_space<semaphore_mem>>) src(%dma_wait3A_96 : memref<20000x128xf32, #tpu.memory_space<hbm>>) dst(%dma_wait3A_90 : memref<128x128xf32, #tpu.memory_space<vmem>>)
      %dma_start3A_99 = arith.constant 0 : i32
      %dma_start3A_100 = arith.constant 0 : i32
      %dma_start3A_101 = tpu.memref_slice %arg9[%rem3A_78, %dma_start3A_99, %dma_start3A_100] : memref<2x128x128xf32, #tpu.memory_space<vmem>> -> memref<1x128x128xf32, #tpu.memory_space<vmem>>
      %dma_start3A_102 = tpu.memref_squeeze %dma_start3A_101 : memref<1x128x128xf32, #tpu.memory_space<vmem>> -> memref<128x128xf32, #tpu.memory_space<vmem>>
      %dma_start3A_103 = arith.constant 0 : i32
      %dma_start3A_104 = tpu.memref_slice %arg8[%scan3A_77, %dma_start3A_103] : memref<40x128xi32, #tpu.memory_space<vmem>> -> memref<1x128xi32, #tpu.memory_space<vmem>>
      %dma_start3A_105 = tpu.memref_squeeze %dma_start3A_104 : memref<1x128xi32, #tpu.memory_space<vmem>> -> memref<128xi32, #tpu.memory_space<vmem>>
      %dma_start3A_106 = arith.constant 0 : i32
      %dma_start3A_107 = arith.constant 0 : i32
      %dma_start3A_108 = tpu.memref_slice %arg12[%dma_start3A_106, %dma_start3A_107] : memref<10016x128xf32, #tpu.memory_space<vmem_shared>> -> memref<10016x128xf32, #tpu.memory_space<vmem_shared>>
      %dma_start3A_109 = tpu.memref_slice %arg11[%rem3A_78] : memref<2x!tpu.dma_semaphore, #tpu.memory_space<semaphore_mem>> -> memref<1x!tpu.dma_semaphore, #tpu.memory_space<semaphore_mem>>
      %dma_start3A_110 = tpu.memref_squeeze %dma_start3A_109 : memref<1x!tpu.dma_semaphore, #tpu.memory_space<semaphore_mem>> -> memref<!tpu.dma_semaphore, #tpu.memory_space<semaphore_mem>>
      tpu.enqueue_indirect_dma source(%dma_start3A_102 : memref<128x128xf32, #tpu.memory_space<vmem>>) target(%dma_start3A_108 : memref<10016x128xf32, #tpu.memory_space<vmem_shared>>) offsets(%dma_start3A_105 : memref<128xi32, #tpu.memory_space<vmem>>) semaphore(%dma_start3A_110 : memref<!tpu.dma_semaphore, #tpu.memory_space<semaphore_mem>>) {add = true}
    }
    %scan3A_54 = arith.constant 40 : i32
    %dma_wait3A_55 = arith.constant 1 : i32
    %dma_wait3A_56 = arith.constant 39 : i32
    %dma_wait3A_57 = arith.constant 1 : i32
    %dma_wait3A_58 = arith.constant 0 : i32
    %dma_wait3A_59 = arith.constant 0 : i32
    %dma_wait3A_60 = tpu.memref_slice %arg9[%dma_wait3A_55, %dma_wait3A_58, %dma_wait3A_59] : memref<2x128x128xf32, #tpu.memory_space<vmem>> -> memref<1x128x128xf32, #tpu.memory_space<vmem>>
    %dma_wait3A_61 = tpu.memref_squeeze %dma_wait3A_60 : memref<1x128x128xf32, #tpu.memory_space<vmem>> -> memref<128x128xf32, #tpu.memory_space<vmem>>
    %dma_wait3A_62 = arith.constant 0 : i32
    %dma_wait3A_63 = tpu.memref_slice %arg8[%dma_wait3A_56, %dma_wait3A_62] : memref<40x128xi32, #tpu.memory_space<vmem>> -> memref<1x128xi32, #tpu.memory_space<vmem>>
    %dma_wait3A_64 = tpu.memref_squeeze %dma_wait3A_63 : memref<1x128xi32, #tpu.memory_space<vmem>> -> memref<128xi32, #tpu.memory_space<vmem>>
    %dma_wait3A_65 = arith.constant 0 : i32
    %dma_wait3A_66 = arith.constant 0 : i32
    %dma_wait3A_67 = tpu.memref_slice %arg12[%dma_wait3A_65, %dma_wait3A_66] : memref<10016x128xf32, #tpu.memory_space<vmem_shared>> -> memref<10016x128xf32, #tpu.memory_space<vmem_shared>>
    %dma_wait3A_68 = tpu.memref_slice %arg11[%dma_wait3A_57] : memref<2x!tpu.dma_semaphore, #tpu.memory_space<semaphore_mem>> -> memref<1x!tpu.dma_semaphore, #tpu.memory_space<semaphore_mem>>
    %dma_wait3A_69 = tpu.memref_squeeze %dma_wait3A_68 : memref<1x!tpu.dma_semaphore, #tpu.memory_space<semaphore_mem>> -> memref<!tpu.dma_semaphore, #tpu.memory_space<semaphore_mem>>
    tpu.wait_indirect_dma semaphore(%dma_wait3A_69 : memref<!tpu.dma_semaphore, #tpu.memory_space<semaphore_mem>>) src(%dma_wait3A_61 : memref<128x128xf32, #tpu.memory_space<vmem>>) dst(%dma_wait3A_67 : memref<10016x128xf32, #tpu.memory_space<vmem_shared>>)
    %barrier3A_70 = arith.constant 0 : index
    tpu.barrier barrier_id(%barrier3A_70)
    %mul3A_71 = arith.constant 624 : i32
    %mul3A_72 = arith.muli %arg1, %mul3A_71 : i32
    %mul3A_73 = arith.constant 624 : i32
    %mul3A_74 = arith.muli %arg1, %mul3A_73 : i32
    "tpu.region"() ({
      %run_scoped3A = tpu.sem_alloc : memref<!tpu.dma_semaphore, #tpu.memory_space<semaphore_mem>>
      %dma_start3A_77 = arith.constant 0 : i32
      %dma_start3A_78 = tpu.memref_slice %arg6[%arg0, %mul3A_74, %dma_start3A_77] : memref<2x10000x128xf32, #tpu.memory_space<hbm>> -> memref<1x624x128xf32, #tpu.memory_space<hbm>>
      %dma_start3A_79 = tpu.memref_squeeze %dma_start3A_78 : memref<1x624x128xf32, #tpu.memory_space<hbm>> -> memref<624x128xf32, #tpu.memory_space<hbm>>
      %dma_start3A_80 = arith.constant 0 : i32
      %dma_start3A_81 = tpu.memref_slice %arg12[%mul3A_72, %dma_start3A_80] : memref<10016x128xf32, #tpu.memory_space<vmem_shared>> -> memref<624x128xf32, #tpu.memory_space<vmem_shared>>
      tpu.enqueue_dma source(%dma_start3A_81 : memref<624x128xf32, #tpu.memory_space<vmem_shared>>) target(%dma_start3A_79 : memref<624x128xf32, #tpu.memory_space<hbm>>) target_semaphore(%run_scoped3A : memref<!tpu.dma_semaphore, #tpu.memory_space<semaphore_mem>>)
      %dma_wait3A_82 = arith.constant 0 : i32
      %dma_wait3A_83 = tpu.memref_slice %arg6[%arg0, %mul3A_74, %dma_wait3A_82] : memref<2x10000x128xf32, #tpu.memory_space<hbm>> -> memref<1x624x128xf32, #tpu.memory_space<hbm>>
      %dma_wait3A_84 = tpu.memref_squeeze %dma_wait3A_83 : memref<1x624x128xf32, #tpu.memory_space<hbm>> -> memref<624x128xf32, #tpu.memory_space<hbm>>
      %dma_wait3A_85 = arith.constant 0 : i32
      %dma_wait3A_86 = tpu.memref_slice %arg12[%mul3A_72, %dma_wait3A_85] : memref<10016x128xf32, #tpu.memory_space<vmem_shared>> -> memref<624x128xf32, #tpu.memory_space<vmem_shared>>
      tpu.wait_dma2 semaphore(%run_scoped3A : memref<!tpu.dma_semaphore, #tpu.memory_space<semaphore_mem>>) src(%dma_wait3A_86 : memref<624x128xf32, #tpu.memory_space<vmem_shared>>) dst(%dma_wait3A_84 : memref<624x128xf32, #tpu.memory_space<hbm>>)
      tpu.yield
    }) : () -> ()
    %eq3A = arith.constant 15 : i32
    %eq3A_75 = arith.cmpi eq, %arg1, %eq3A : i32
    %convert_element_type3A = arith.extui %eq3A_75 : i1 to i32
    %cond3A = arith.constant 0 : i32
    %cond3A_76 = arith.cmpi ne, %convert_element_type3A, %cond3A : i32
    scf.if %cond3A_76 {
      "tpu.region"() ({
        %run_scoped3A = tpu.sem_alloc : memref<!tpu.dma_semaphore, #tpu.memory_space<semaphore_mem>>
        %dma_start3A_77 = arith.constant 9984 : i32
        %dma_start3A_78 = arith.constant 0 : i32
        %dma_start3A_79 = tpu.memref_slice %arg6[%arg0, %dma_start3A_77, %dma_start3A_78] : memref<2x10000x128xf32, #tpu.memory_space<hbm>> -> memref<1x16x128xf32, #tpu.memory_space<hbm>>
        %dma_start3A_80 = tpu.memref_squeeze %dma_start3A_79 : memref<1x16x128xf32, #tpu.memory_space<hbm>> -> memref<16x128xf32, #tpu.memory_space<hbm>>
        %dma_start3A_81 = arith.constant 9984 : i32
        %dma_start3A_82 = arith.constant 0 : i32
        %dma_start3A_83 = tpu.memref_slice %arg12[%dma_start3A_81, %dma_start3A_82] : memref<10016x128xf32, #tpu.memory_space<vmem_shared>> -> memref<16x128xf32, #tpu.memory_space<vmem_shared>>
        tpu.enqueue_dma source(%dma_start3A_83 : memref<16x128xf32, #tpu.memory_space<vmem_shared>>) target(%dma_start3A_80 : memref<16x128xf32, #tpu.memory_space<hbm>>) target_semaphore(%run_scoped3A : memref<!tpu.dma_semaphore, #tpu.memory_space<semaphore_mem>>)
        %dma_wait3A_84 = arith.constant 9984 : i32
        %dma_wait3A_85 = arith.constant 0 : i32
        %dma_wait3A_86 = tpu.memref_slice %arg6[%arg0, %dma_wait3A_84, %dma_wait3A_85] : memref<2x10000x128xf32, #tpu.memory_space<hbm>> -> memref<1x16x128xf32, #tpu.memory_space<hbm>>
        %dma_wait3A_87 = tpu.memref_squeeze %dma_wait3A_86 : memref<1x16x128xf32, #tpu.memory_space<hbm>> -> memref<16x128xf32, #tpu.memory_space<hbm>>
        %dma_wait3A_88 = arith.constant 9984 : i32
        %dma_wait3A_89 = arith.constant 0 : i32
        %dma_wait3A_90 = tpu.memref_slice %arg12[%dma_wait3A_88, %dma_wait3A_89] : memref<10016x128xf32, #tpu.memory_space<vmem_shared>> -> memref<16x128xf32, #tpu.memory_space<vmem_shared>>
        tpu.wait_dma2 semaphore(%run_scoped3A : memref<!tpu.dma_semaphore, #tpu.memory_space<semaphore_mem>>) src(%dma_wait3A_90 : memref<16x128xf32, #tpu.memory_space<vmem_shared>>) dst(%dma_wait3A_87 : memref<16x128xf32, #tpu.memory_space<hbm>>)
        tpu.yield
      }) : () -> ()
    } else {
    }
    return
  }
}

#map = affine_map<(d0, d1) -> (0, 0)>
#map1 = affine_map<(d0, d1) -> (0, 0, 0, 0)>
#map2 = affine_map<(d0, d1) -> (0, 0, 0)>
module attributes {stable_mosaic.version = 14 : i64} {
  func.func @_seg_body(%arg0: i32, %arg1: i32, %arg2: memref<20000x128xf32, #tpu.memory_space<hbm>>, %arg3: memref<2x16x80x128xi32, #tpu.memory_space<hbm>>, %arg4: memref<16x80x128xi32, #tpu.memory_space<hbm>>, %arg5: memref<626x128xf32, #tpu.memory_space<hbm>>, %arg6: memref<2x10000x128xf32, #tpu.memory_space<hbm>>, %arg7: memref<40x128xi32, #tpu.memory_space<vmem>>, %arg8: memref<40x128xi32, #tpu.memory_space<vmem>>, %arg9: memref<2x128x128xf32, #tpu.memory_space<vmem>>, %arg10: memref<2x!tpu.dma_semaphore, #tpu.memory_space<semaphore_mem>>, %arg11: memref<2x!tpu.dma_semaphore, #tpu.memory_space<semaphore_mem>>, %arg12: memref<10016x128xf32, #tpu.memory_space<vmem_shared>>) attributes {dimension_semantics = [#tpu.dimension_semantics<core_parallel>, #tpu.dimension_semantics<subcore_parallel>], iteration_bounds = array<i64: 2, 16>, scalar_prefetch = 0 : i64, scratch_operands = 6 : i64, tpu.core_type = #tpu.core_type<sc_vector_subcore>, window_params = [{transform_indices = #map}, {transform_indices = #map1}, {transform_indices = #map2}, {transform_indices = #map}, {transform_indices = #map2}]} {
    %mul3A = arith.constant 626 : i32
    %mul3A_0 = arith.muli %arg1, %mul3A : i32
    "tpu.region"() ({
      %run_scoped3A = tpu.sem_alloc : memref<!tpu.dma_semaphore, #tpu.memory_space<semaphore_mem>>
      %dma_start3A_77 = arith.constant 0 : i32
      %dma_start3A_78 = tpu.memref_slice %arg12[%mul3A_0, %dma_start3A_77] : memref<10016x128xf32, #tpu.memory_space<vmem_shared>> -> memref<626x128xf32, #tpu.memory_space<vmem_shared>>
      tpu.enqueue_dma source(%arg5 : memref<626x128xf32, #tpu.memory_space<hbm>>) target(%dma_start3A_78 : memref<626x128xf32, #tpu.memory_space<vmem_shared>>) target_semaphore(%run_scoped3A : memref<!tpu.dma_semaphore, #tpu.memory_space<semaphore_mem>>)
      %dma_wait3A_79 = arith.constant 0 : i32
      %dma_wait3A_80 = tpu.memref_slice %arg12[%mul3A_0, %dma_wait3A_79] : memref<10016x128xf32, #tpu.memory_space<vmem_shared>> -> memref<626x128xf32, #tpu.memory_space<vmem_shared>>
      tpu.wait_dma2 semaphore(%run_scoped3A : memref<!tpu.dma_semaphore, #tpu.memory_space<semaphore_mem>>) src(%arg5 : memref<626x128xf32, #tpu.memory_space<hbm>>) dst(%dma_wait3A_80 : memref<626x128xf32, #tpu.memory_space<vmem_shared>>)
      tpu.yield
    }) : () -> ()
    %barrier3A = arith.constant 0 : index
    tpu.barrier barrier_id(%barrier3A)
    "tpu.region"() ({
      %run_scoped3A = tpu.sem_alloc : memref<!tpu.dma_semaphore, #tpu.memory_space<semaphore_mem>>
      %dma_start3A_77 = arith.constant 0 : i32
      %dma_start3A_78 = arith.constant 0 : i32
      %dma_start3A_79 = tpu.memref_slice %arg3[%arg0, %arg1, %dma_start3A_77, %dma_start3A_78] : memref<2x16x80x128xi32, #tpu.memory_space<hbm>> -> memref<1x1x40x128xi32, #tpu.memory_space<hbm>>
      %dma_start3A_80 = tpu.memref_squeeze %dma_start3A_79 : memref<1x1x40x128xi32, #tpu.memory_space<hbm>> -> memref<40x128xi32, #tpu.memory_space<hbm>>
      %dma_start3A_81 = arith.constant 0 : i32
      %dma_start3A_82 = arith.constant 0 : i32
      %dma_start3A_83 = tpu.memref_slice %arg3[%arg0, %arg1, %dma_start3A_81, %dma_start3A_82] : memref<2x16x80x128xi32, #tpu.memory_space<hbm>> -> memref<1x1x40x128xi32, #tpu.memory_space<hbm>>
      %dma_start3A_84 = tpu.memref_squeeze %dma_start3A_83 : memref<1x1x40x128xi32, #tpu.memory_space<hbm>> -> memref<40x128xi32, #tpu.memory_space<hbm>>
      tpu.enqueue_dma source(%dma_start3A_84 : memref<40x128xi32, #tpu.memory_space<hbm>>) target(%arg7 : memref<40x128xi32, #tpu.memory_space<vmem>>) target_semaphore(%run_scoped3A : memref<!tpu.dma_semaphore, #tpu.memory_space<semaphore_mem>>)
      %dma_wait3A_85 = arith.constant 0 : i32
      %dma_wait3A_86 = arith.constant 0 : i32
      %dma_wait3A_87 = tpu.memref_slice %arg3[%arg0, %arg1, %dma_wait3A_85, %dma_wait3A_86] : memref<2x16x80x128xi32, #tpu.memory_space<hbm>> -> memref<1x1x40x128xi32, #tpu.memory_space<hbm>>
      %dma_wait3A_88 = tpu.memref_squeeze %dma_wait3A_87 : memref<1x1x40x128xi32, #tpu.memory_space<hbm>> -> memref<40x128xi32, #tpu.memory_space<hbm>>
      %dma_wait3A_89 = arith.constant 0 : i32
      %dma_wait3A_90 = arith.constant 0 : i32
      %dma_wait3A_91 = tpu.memref_slice %arg3[%arg0, %arg1, %dma_wait3A_89, %dma_wait3A_90] : memref<2x16x80x128xi32, #tpu.memory_space<hbm>> -> memref<1x1x40x128xi32, #tpu.memory_space<hbm>>
      %dma_wait3A_92 = tpu.memref_squeeze %dma_wait3A_91 : memref<1x1x40x128xi32, #tpu.memory_space<hbm>> -> memref<40x128xi32, #tpu.memory_space<hbm>>
      tpu.wait_dma2 semaphore(%run_scoped3A : memref<!tpu.dma_semaphore, #tpu.memory_space<semaphore_mem>>) src(%dma_wait3A_92 : memref<40x128xi32, #tpu.memory_space<hbm>>) dst(%arg7 : memref<40x128xi32, #tpu.memory_space<vmem>>)
      tpu.yield
    }) : () -> ()
    "tpu.region"() ({
      %run_scoped3A = tpu.sem_alloc : memref<!tpu.dma_semaphore, #tpu.memory_space<semaphore_mem>>
      %dma_start3A_77 = arith.constant 0 : i32
      %dma_start3A_78 = arith.constant 0 : i32
      %dma_start3A_79 = tpu.memref_slice %arg4[%arg1, %dma_start3A_77, %dma_start3A_78] : memref<16x80x128xi32, #tpu.memory_space<hbm>> -> memref<1x40x128xi32, #tpu.memory_space<hbm>>
      %dma_start3A_80 = tpu.memref_squeeze %dma_start3A_79 : memref<1x40x128xi32, #tpu.memory_space<hbm>> -> memref<40x128xi32, #tpu.memory_space<hbm>>
      %dma_start3A_81 = arith.constant 0 : i32
      %dma_start3A_82 = arith.constant 0 : i32
      %dma_start3A_83 = tpu.memref_slice %arg4[%arg1, %dma_start3A_81, %dma_start3A_82] : memref<16x80x128xi32, #tpu.memory_space<hbm>> -> memref<1x40x128xi32, #tpu.memory_space<hbm>>
      %dma_start3A_84 = tpu.memref_squeeze %dma_start3A_83 : memref<1x40x128xi32, #tpu.memory_space<hbm>> -> memref<40x128xi32, #tpu.memory_space<hbm>>
      tpu.enqueue_dma source(%dma_start3A_84 : memref<40x128xi32, #tpu.memory_space<hbm>>) target(%arg8 : memref<40x128xi32, #tpu.memory_space<vmem>>) target_semaphore(%run_scoped3A : memref<!tpu.dma_semaphore, #tpu.memory_space<semaphore_mem>>)
      %dma_wait3A_85 = arith.constant 0 : i32
      %dma_wait3A_86 = arith.constant 0 : i32
      %dma_wait3A_87 = tpu.memref_slice %arg4[%arg1, %dma_wait3A_85, %dma_wait3A_86] : memref<16x80x128xi32, #tpu.memory_space<hbm>> -> memref<1x40x128xi32, #tpu.memory_space<hbm>>
      %dma_wait3A_88 = tpu.memref_squeeze %dma_wait3A_87 : memref<1x40x128xi32, #tpu.memory_space<hbm>> -> memref<40x128xi32, #tpu.memory_space<hbm>>
      %dma_wait3A_89 = arith.constant 0 : i32
      %dma_wait3A_90 = arith.constant 0 : i32
      %dma_wait3A_91 = tpu.memref_slice %arg4[%arg1, %dma_wait3A_89, %dma_wait3A_90] : memref<16x80x128xi32, #tpu.memory_space<hbm>> -> memref<1x40x128xi32, #tpu.memory_space<hbm>>
      %dma_wait3A_92 = tpu.memref_squeeze %dma_wait3A_91 : memref<1x40x128xi32, #tpu.memory_space<hbm>> -> memref<40x128xi32, #tpu.memory_space<hbm>>
      tpu.wait_dma2 semaphore(%run_scoped3A : memref<!tpu.dma_semaphore, #tpu.memory_space<semaphore_mem>>) src(%dma_wait3A_92 : memref<40x128xi32, #tpu.memory_space<hbm>>) dst(%arg8 : memref<40x128xi32, #tpu.memory_space<vmem>>)
      tpu.yield
    }) : () -> ()
    %dma_start3A = arith.constant 0 : i32
    %dma_start3A_1 = arith.constant 0 : i32
    %dma_start3A_2 = arith.constant 0 : i32
    %dma_start3A_3 = arith.constant 0 : i32
    %dma_start3A_4 = arith.constant 0 : i32
    %dma_start3A_5 = tpu.memref_slice %arg9[%dma_start3A_1, %dma_start3A_3, %dma_start3A_4] : memref<2x128x128xf32, #tpu.memory_space<vmem>> -> memref<1x128x128xf32, #tpu.memory_space<vmem>>
    %dma_start3A_6 = tpu.memref_squeeze %dma_start3A_5 : memref<1x128x128xf32, #tpu.memory_space<vmem>> -> memref<128x128xf32, #tpu.memory_space<vmem>>
    %dma_start3A_7 = arith.constant 0 : i32
    %dma_start3A_8 = tpu.memref_slice %arg7[%dma_start3A, %dma_start3A_7] : memref<40x128xi32, #tpu.memory_space<vmem>> -> memref<1x128xi32, #tpu.memory_space<vmem>>
    %dma_start3A_9 = tpu.memref_squeeze %dma_start3A_8 : memref<1x128xi32, #tpu.memory_space<vmem>> -> memref<128xi32, #tpu.memory_space<vmem>>
    %dma_start3A_10 = arith.constant 0 : i32
    %dma_start3A_11 = arith.constant 0 : i32
    %dma_start3A_12 = tpu.memref_slice %arg2[%dma_start3A_10, %dma_start3A_11] : memref<20000x128xf32, #tpu.memory_space<hbm>> -> memref<20000x128xf32, #tpu.memory_space<hbm>>
    %dma_start3A_13 = tpu.memref_slice %arg10[%dma_start3A_2] : memref<2x!tpu.dma_semaphore, #tpu.memory_space<semaphore_mem>> -> memref<1x!tpu.dma_semaphore, #tpu.memory_space<semaphore_mem>>
    %dma_start3A_14 = tpu.memref_squeeze %dma_start3A_13 : memref<1x!tpu.dma_semaphore, #tpu.memory_space<semaphore_mem>> -> memref<!tpu.dma_semaphore, #tpu.memory_space<semaphore_mem>>
    tpu.enqueue_indirect_dma source(%dma_start3A_12 : memref<20000x128xf32, #tpu.memory_space<hbm>>) target(%dma_start3A_6 : memref<128x128xf32, #tpu.memory_space<vmem>>) offsets(%dma_start3A_9 : memref<128xi32, #tpu.memory_space<vmem>>) semaphore(%dma_start3A_14 : memref<!tpu.dma_semaphore, #tpu.memory_space<semaphore_mem>>)
    %scan3A = arith.constant 0 : i32
    %scan3A_15 = arith.constant 0 : i32
    %scan3A_16 = arith.constant 40 : i32
    %scan3A_17 = arith.addi %scan3A_15, %scan3A_16 : i32
    %scan3A_18 = arith.constant 1 : i32
    scf.for %scan3A_77 = %scan3A_15 to %scan3A_17 step %scan3A_18  : i32 {
      %rem3A = arith.constant 2 : i32
      %rem3A_78 = arith.remsi %scan3A_77, %rem3A : i32
      %ge3A = arith.constant 1 : i32
      %ge3A_79 = arith.cmpi sge, %scan3A_77, %ge3A : i32
      %convert_element_type3A_80 = arith.extui %ge3A_79 : i1 to i32
      %cond3A_81 = arith.constant 0 : i32
      %cond3A_82 = arith.cmpi ne, %convert_element_type3A_80, %cond3A_81 : i32
      scf.if %cond3A_82 {
        %sub3A = arith.constant 1 : i32
        %sub3A_111 = arith.subi %scan3A_77, %sub3A : i32
        %rem3A_112 = arith.constant 2 : i32
        %rem3A_113 = arith.remsi %sub3A_111, %rem3A_112 : i32
        %sub3A_114 = arith.constant 1 : i32
        %sub3A_115 = arith.subi %scan3A_77, %sub3A_114 : i32
        %dma_wait3A_116 = arith.constant 0 : i32
        %dma_wait3A_117 = arith.constant 0 : i32
        %dma_wait3A_118 = tpu.memref_slice %arg9[%rem3A_113, %dma_wait3A_116, %dma_wait3A_117] : memref<2x128x128xf32, #tpu.memory_space<vmem>> -> memref<1x128x128xf32, #tpu.memory_space<vmem>>
        %dma_wait3A_119 = tpu.memref_squeeze %dma_wait3A_118 : memref<1x128x128xf32, #tpu.memory_space<vmem>> -> memref<128x128xf32, #tpu.memory_space<vmem>>
        %dma_wait3A_120 = arith.constant 0 : i32
        %dma_wait3A_121 = tpu.memref_slice %arg8[%sub3A_115, %dma_wait3A_120] : memref<40x128xi32, #tpu.memory_space<vmem>> -> memref<1x128xi32, #tpu.memory_space<vmem>>
        %dma_wait3A_122 = tpu.memref_squeeze %dma_wait3A_121 : memref<1x128xi32, #tpu.memory_space<vmem>> -> memref<128xi32, #tpu.memory_space<vmem>>
        %dma_wait3A_123 = arith.constant 0 : i32
        %dma_wait3A_124 = arith.constant 0 : i32
        %dma_wait3A_125 = tpu.memref_slice %arg12[%dma_wait3A_123, %dma_wait3A_124] : memref<10016x128xf32, #tpu.memory_space<vmem_shared>> -> memref<10016x128xf32, #tpu.memory_space<vmem_shared>>
        %dma_wait3A_126 = tpu.memref_slice %arg11[%rem3A_113] : memref<2x!tpu.dma_semaphore, #tpu.memory_space<semaphore_mem>> -> memref<1x!tpu.dma_semaphore, #tpu.memory_space<semaphore_mem>>
        %dma_wait3A_127 = tpu.memref_squeeze %dma_wait3A_126 : memref<1x!tpu.dma_semaphore, #tpu.memory_space<semaphore_mem>> -> memref<!tpu.dma_semaphore, #tpu.memory_space<semaphore_mem>>
        tpu.wait_indirect_dma semaphore(%dma_wait3A_127 : memref<!tpu.dma_semaphore, #tpu.memory_space<semaphore_mem>>) src(%dma_wait3A_119 : memref<128x128xf32, #tpu.memory_space<vmem>>) dst(%dma_wait3A_125 : memref<10016x128xf32, #tpu.memory_space<vmem_shared>>)
      } else {
      }
      %lt3A = arith.constant 39 : i32
      %lt3A_83 = arith.cmpi slt, %scan3A_77, %lt3A : i32
      %convert_element_type3A_84 = arith.extui %lt3A_83 : i1 to i32
      %cond3A_85 = arith.constant 0 : i32
      %cond3A_86 = arith.cmpi ne, %convert_element_type3A_84, %cond3A_85 : i32
      scf.if %cond3A_86 {
        %add3A = arith.constant 1 : i32
        %add3A_111 = arith.addi %scan3A_77, %add3A : i32
        %rem3A_112 = arith.constant 2 : i32
        %rem3A_113 = arith.remsi %add3A_111, %rem3A_112 : i32
        %add3A_114 = arith.constant 1 : i32
        %add3A_115 = arith.addi %scan3A_77, %add3A_114 : i32
        %dma_start3A_116 = arith.constant 0 : i32
        %dma_start3A_117 = arith.constant 0 : i32
        %dma_start3A_118 = tpu.memref_slice %arg9[%rem3A_113, %dma_start3A_116, %dma_start3A_117] : memref<2x128x128xf32, #tpu.memory_space<vmem>> -> memref<1x128x128xf32, #tpu.memory_space<vmem>>
        %dma_start3A_119 = tpu.memref_squeeze %dma_start3A_118 : memref<1x128x128xf32, #tpu.memory_space<vmem>> -> memref<128x128xf32, #tpu.memory_space<vmem>>
        %dma_start3A_120 = arith.constant 0 : i32
        %dma_start3A_121 = tpu.memref_slice %arg7[%add3A_115, %dma_start3A_120] : memref<40x128xi32, #tpu.memory_space<vmem>> -> memref<1x128xi32, #tpu.memory_space<vmem>>
        %dma_start3A_122 = tpu.memref_squeeze %dma_start3A_121 : memref<1x128xi32, #tpu.memory_space<vmem>> -> memref<128xi32, #tpu.memory_space<vmem>>
        %dma_start3A_123 = arith.constant 0 : i32
        %dma_start3A_124 = arith.constant 0 : i32
        %dma_start3A_125 = tpu.memref_slice %arg2[%dma_start3A_123, %dma_start3A_124] : memref<20000x128xf32, #tpu.memory_space<hbm>> -> memref<20000x128xf32, #tpu.memory_space<hbm>>
        %dma_start3A_126 = tpu.memref_slice %arg10[%rem3A_113] : memref<2x!tpu.dma_semaphore, #tpu.memory_space<semaphore_mem>> -> memref<1x!tpu.dma_semaphore, #tpu.memory_space<semaphore_mem>>
        %dma_start3A_127 = tpu.memref_squeeze %dma_start3A_126 : memref<1x!tpu.dma_semaphore, #tpu.memory_space<semaphore_mem>> -> memref<!tpu.dma_semaphore, #tpu.memory_space<semaphore_mem>>
        tpu.enqueue_indirect_dma source(%dma_start3A_125 : memref<20000x128xf32, #tpu.memory_space<hbm>>) target(%dma_start3A_119 : memref<128x128xf32, #tpu.memory_space<vmem>>) offsets(%dma_start3A_122 : memref<128xi32, #tpu.memory_space<vmem>>) semaphore(%dma_start3A_127 : memref<!tpu.dma_semaphore, #tpu.memory_space<semaphore_mem>>)
      } else {
      }
      %dma_wait3A_87 = arith.constant 0 : i32
      %dma_wait3A_88 = arith.constant 0 : i32
      %dma_wait3A_89 = tpu.memref_slice %arg9[%rem3A_78, %dma_wait3A_87, %dma_wait3A_88] : memref<2x128x128xf32, #tpu.memory_space<vmem>> -> memref<1x128x128xf32, #tpu.memory_space<vmem>>
      %dma_wait3A_90 = tpu.memref_squeeze %dma_wait3A_89 : memref<1x128x128xf32, #tpu.memory_space<vmem>> -> memref<128x128xf32, #tpu.memory_space<vmem>>
      %dma_wait3A_91 = arith.constant 0 : i32
      %dma_wait3A_92 = tpu.memref_slice %arg7[%scan3A_77, %dma_wait3A_91] : memref<40x128xi32, #tpu.memory_space<vmem>> -> memref<1x128xi32, #tpu.memory_space<vmem>>
      %dma_wait3A_93 = tpu.memref_squeeze %dma_wait3A_92 : memref<1x128xi32, #tpu.memory_space<vmem>> -> memref<128xi32, #tpu.memory_space<vmem>>
      %dma_wait3A_94 = arith.constant 0 : i32
      %dma_wait3A_95 = arith.constant 0 : i32
      %dma_wait3A_96 = tpu.memref_slice %arg2[%dma_wait3A_94, %dma_wait3A_95] : memref<20000x128xf32, #tpu.memory_space<hbm>> -> memref<20000x128xf32, #tpu.memory_space<hbm>>
      %dma_wait3A_97 = tpu.memref_slice %arg10[%rem3A_78] : memref<2x!tpu.dma_semaphore, #tpu.memory_space<semaphore_mem>> -> memref<1x!tpu.dma_semaphore, #tpu.memory_space<semaphore_mem>>
      %dma_wait3A_98 = tpu.memref_squeeze %dma_wait3A_97 : memref<1x!tpu.dma_semaphore, #tpu.memory_space<semaphore_mem>> -> memref<!tpu.dma_semaphore, #tpu.memory_space<semaphore_mem>>
      tpu.wait_indirect_dma semaphore(%dma_wait3A_98 : memref<!tpu.dma_semaphore, #tpu.memory_space<semaphore_mem>>) src(%dma_wait3A_96 : memref<20000x128xf32, #tpu.memory_space<hbm>>) dst(%dma_wait3A_90 : memref<128x128xf32, #tpu.memory_space<vmem>>)
      %dma_start3A_99 = arith.constant 0 : i32
      %dma_start3A_100 = arith.constant 0 : i32
      %dma_start3A_101 = tpu.memref_slice %arg9[%rem3A_78, %dma_start3A_99, %dma_start3A_100] : memref<2x128x128xf32, #tpu.memory_space<vmem>> -> memref<1x128x128xf32, #tpu.memory_space<vmem>>
      %dma_start3A_102 = tpu.memref_squeeze %dma_start3A_101 : memref<1x128x128xf32, #tpu.memory_space<vmem>> -> memref<128x128xf32, #tpu.memory_space<vmem>>
      %dma_start3A_103 = arith.constant 0 : i32
      %dma_start3A_104 = tpu.memref_slice %arg8[%scan3A_77, %dma_start3A_103] : memref<40x128xi32, #tpu.memory_space<vmem>> -> memref<1x128xi32, #tpu.memory_space<vmem>>
      %dma_start3A_105 = tpu.memref_squeeze %dma_start3A_104 : memref<1x128xi32, #tpu.memory_space<vmem>> -> memref<128xi32, #tpu.memory_space<vmem>>
      %dma_start3A_106 = arith.constant 0 : i32
      %dma_start3A_107 = arith.constant 0 : i32
      %dma_start3A_108 = tpu.memref_slice %arg12[%dma_start3A_106, %dma_start3A_107] : memref<10016x128xf32, #tpu.memory_space<vmem_shared>> -> memref<10016x128xf32, #tpu.memory_space<vmem_shared>>
      %dma_start3A_109 = tpu.memref_slice %arg11[%rem3A_78] : memref<2x!tpu.dma_semaphore, #tpu.memory_space<semaphore_mem>> -> memref<1x!tpu.dma_semaphore, #tpu.memory_space<semaphore_mem>>
      %dma_start3A_110 = tpu.memref_squeeze %dma_start3A_109 : memref<1x!tpu.dma_semaphore, #tpu.memory_space<semaphore_mem>> -> memref<!tpu.dma_semaphore, #tpu.memory_space<semaphore_mem>>
      tpu.enqueue_indirect_dma source(%dma_start3A_102 : memref<128x128xf32, #tpu.memory_space<vmem>>) target(%dma_start3A_108 : memref<10016x128xf32, #tpu.memory_space<vmem_shared>>) offsets(%dma_start3A_105 : memref<128xi32, #tpu.memory_space<vmem>>) semaphore(%dma_start3A_110 : memref<!tpu.dma_semaphore, #tpu.memory_space<semaphore_mem>>) {add = true}
    }
    %scan3A_19 = arith.constant 40 : i32
    %dma_wait3A = arith.constant 1 : i32
    %dma_wait3A_20 = arith.constant 39 : i32
    %dma_wait3A_21 = arith.constant 1 : i32
    %dma_wait3A_22 = arith.constant 0 : i32
    %dma_wait3A_23 = arith.constant 0 : i32
    %dma_wait3A_24 = tpu.memref_slice %arg9[%dma_wait3A, %dma_wait3A_22, %dma_wait3A_23] : memref<2x128x128xf32, #tpu.memory_space<vmem>> -> memref<1x128x128xf32, #tpu.memory_space<vmem>>
    %dma_wait3A_25 = tpu.memref_squeeze %dma_wait3A_24 : memref<1x128x128xf32, #tpu.memory_space<vmem>> -> memref<128x128xf32, #tpu.memory_space<vmem>>
    %dma_wait3A_26 = arith.constant 0 : i32
    %dma_wait3A_27 = tpu.memref_slice %arg8[%dma_wait3A_20, %dma_wait3A_26] : memref<40x128xi32, #tpu.memory_space<vmem>> -> memref<1x128xi32, #tpu.memory_space<vmem>>
    %dma_wait3A_28 = tpu.memref_squeeze %dma_wait3A_27 : memref<1x128xi32, #tpu.memory_space<vmem>> -> memref<128xi32, #tpu.memory_space<vmem>>
    %dma_wait3A_29 = arith.constant 0 : i32
    %dma_wait3A_30 = arith.constant 0 : i32
    %dma_wait3A_31 = tpu.memref_slice %arg12[%dma_wait3A_29, %dma_wait3A_30] : memref<10016x128xf32, #tpu.memory_space<vmem_shared>> -> memref<10016x128xf32, #tpu.memory_space<vmem_shared>>
    %dma_wait3A_32 = tpu.memref_slice %arg11[%dma_wait3A_21] : memref<2x!tpu.dma_semaphore, #tpu.memory_space<semaphore_mem>> -> memref<1x!tpu.dma_semaphore, #tpu.memory_space<semaphore_mem>>
    %dma_wait3A_33 = tpu.memref_squeeze %dma_wait3A_32 : memref<1x!tpu.dma_semaphore, #tpu.memory_space<semaphore_mem>> -> memref<!tpu.dma_semaphore, #tpu.memory_space<semaphore_mem>>
    tpu.wait_indirect_dma semaphore(%dma_wait3A_33 : memref<!tpu.dma_semaphore, #tpu.memory_space<semaphore_mem>>) src(%dma_wait3A_25 : memref<128x128xf32, #tpu.memory_space<vmem>>) dst(%dma_wait3A_31 : memref<10016x128xf32, #tpu.memory_space<vmem_shared>>)
    "tpu.region"() ({
      %run_scoped3A = tpu.sem_alloc : memref<!tpu.dma_semaphore, #tpu.memory_space<semaphore_mem>>
      %dma_start3A_77 = arith.constant 40 : i32
      %dma_start3A_78 = arith.constant 0 : i32
      %dma_start3A_79 = tpu.memref_slice %arg3[%arg0, %arg1, %dma_start3A_77, %dma_start3A_78] : memref<2x16x80x128xi32, #tpu.memory_space<hbm>> -> memref<1x1x40x128xi32, #tpu.memory_space<hbm>>
      %dma_start3A_80 = tpu.memref_squeeze %dma_start3A_79 : memref<1x1x40x128xi32, #tpu.memory_space<hbm>> -> memref<40x128xi32, #tpu.memory_space<hbm>>
      %dma_start3A_81 = arith.constant 40 : i32
      %dma_start3A_82 = arith.constant 0 : i32
      %dma_start3A_83 = tpu.memref_slice %arg3[%arg0, %arg1, %dma_start3A_81, %dma_start3A_82] : memref<2x16x80x128xi32, #tpu.memory_space<hbm>> -> memref<1x1x40x128xi32, #tpu.memory_space<hbm>>
      %dma_start3A_84 = tpu.memref_squeeze %dma_start3A_83 : memref<1x1x40x128xi32, #tpu.memory_space<hbm>> -> memref<40x128xi32, #tpu.memory_space<hbm>>
      tpu.enqueue_dma source(%dma_start3A_84 : memref<40x128xi32, #tpu.memory_space<hbm>>) target(%arg7 : memref<40x128xi32, #tpu.memory_space<vmem>>) target_semaphore(%run_scoped3A : memref<!tpu.dma_semaphore, #tpu.memory_space<semaphore_mem>>)
      %dma_wait3A_85 = arith.constant 40 : i32
      %dma_wait3A_86 = arith.constant 0 : i32
      %dma_wait3A_87 = tpu.memref_slice %arg3[%arg0, %arg1, %dma_wait3A_85, %dma_wait3A_86] : memref<2x16x80x128xi32, #tpu.memory_space<hbm>> -> memref<1x1x40x128xi32, #tpu.memory_space<hbm>>
      %dma_wait3A_88 = tpu.memref_squeeze %dma_wait3A_87 : memref<1x1x40x128xi32, #tpu.memory_space<hbm>> -> memref<40x128xi32, #tpu.memory_space<hbm>>
      %dma_wait3A_89 = arith.constant 40 : i32
      %dma_wait3A_90 = arith.constant 0 : i32
      %dma_wait3A_91 = tpu.memref_slice %arg3[%arg0, %arg1, %dma_wait3A_89, %dma_wait3A_90] : memref<2x16x80x128xi32, #tpu.memory_space<hbm>> -> memref<1x1x40x128xi32, #tpu.memory_space<hbm>>
      %dma_wait3A_92 = tpu.memref_squeeze %dma_wait3A_91 : memref<1x1x40x128xi32, #tpu.memory_space<hbm>> -> memref<40x128xi32, #tpu.memory_space<hbm>>
      tpu.wait_dma2 semaphore(%run_scoped3A : memref<!tpu.dma_semaphore, #tpu.memory_space<semaphore_mem>>) src(%dma_wait3A_92 : memref<40x128xi32, #tpu.memory_space<hbm>>) dst(%arg7 : memref<40x128xi32, #tpu.memory_space<vmem>>)
      tpu.yield
    }) : () -> ()
    "tpu.region"() ({
      %run_scoped3A = tpu.sem_alloc : memref<!tpu.dma_semaphore, #tpu.memory_space<semaphore_mem>>
      %dma_start3A_77 = arith.constant 40 : i32
      %dma_start3A_78 = arith.constant 0 : i32
      %dma_start3A_79 = tpu.memref_slice %arg4[%arg1, %dma_start3A_77, %dma_start3A_78] : memref<16x80x128xi32, #tpu.memory_space<hbm>> -> memref<1x40x128xi32, #tpu.memory_space<hbm>>
      %dma_start3A_80 = tpu.memref_squeeze %dma_start3A_79 : memref<1x40x128xi32, #tpu.memory_space<hbm>> -> memref<40x128xi32, #tpu.memory_space<hbm>>
      %dma_start3A_81 = arith.constant 40 : i32
      %dma_start3A_82 = arith.constant 0 : i32
      %dma_start3A_83 = tpu.memref_slice %arg4[%arg1, %dma_start3A_81, %dma_start3A_82] : memref<16x80x128xi32, #tpu.memory_space<hbm>> -> memref<1x40x128xi32, #tpu.memory_space<hbm>>
      %dma_start3A_84 = tpu.memref_squeeze %dma_start3A_83 : memref<1x40x128xi32, #tpu.memory_space<hbm>> -> memref<40x128xi32, #tpu.memory_space<hbm>>
      tpu.enqueue_dma source(%dma_start3A_84 : memref<40x128xi32, #tpu.memory_space<hbm>>) target(%arg8 : memref<40x128xi32, #tpu.memory_space<vmem>>) target_semaphore(%run_scoped3A : memref<!tpu.dma_semaphore, #tpu.memory_space<semaphore_mem>>)
      %dma_wait3A_85 = arith.constant 40 : i32
      %dma_wait3A_86 = arith.constant 0 : i32
      %dma_wait3A_87 = tpu.memref_slice %arg4[%arg1, %dma_wait3A_85, %dma_wait3A_86] : memref<16x80x128xi32, #tpu.memory_space<hbm>> -> memref<1x40x128xi32, #tpu.memory_space<hbm>>
      %dma_wait3A_88 = tpu.memref_squeeze %dma_wait3A_87 : memref<1x40x128xi32, #tpu.memory_space<hbm>> -> memref<40x128xi32, #tpu.memory_space<hbm>>
      %dma_wait3A_89 = arith.constant 40 : i32
      %dma_wait3A_90 = arith.constant 0 : i32
      %dma_wait3A_91 = tpu.memref_slice %arg4[%arg1, %dma_wait3A_89, %dma_wait3A_90] : memref<16x80x128xi32, #tpu.memory_space<hbm>> -> memref<1x40x128xi32, #tpu.memory_space<hbm>>
      %dma_wait3A_92 = tpu.memref_squeeze %dma_wait3A_91 : memref<1x40x128xi32, #tpu.memory_space<hbm>> -> memref<40x128xi32, #tpu.memory_space<hbm>>
      tpu.wait_dma2 semaphore(%run_scoped3A : memref<!tpu.dma_semaphore, #tpu.memory_space<semaphore_mem>>) src(%dma_wait3A_92 : memref<40x128xi32, #tpu.memory_space<hbm>>) dst(%arg8 : memref<40x128xi32, #tpu.memory_space<vmem>>)
      tpu.yield
    }) : () -> ()
    %dma_start3A_34 = arith.constant 0 : i32
    %dma_start3A_35 = arith.constant 0 : i32
    %dma_start3A_36 = arith.constant 0 : i32
    %dma_start3A_37 = arith.constant 0 : i32
    %dma_start3A_38 = arith.constant 0 : i32
    %dma_start3A_39 = tpu.memref_slice %arg9[%dma_start3A_35, %dma_start3A_37, %dma_start3A_38] : memref<2x128x128xf32, #tpu.memory_space<vmem>> -> memref<1x128x128xf32, #tpu.memory_space<vmem>>
    %dma_start3A_40 = tpu.memref_squeeze %dma_start3A_39 : memref<1x128x128xf32, #tpu.memory_space<vmem>> -> memref<128x128xf32, #tpu.memory_space<vmem>>
    %dma_start3A_41 = arith.constant 0 : i32
    %dma_start3A_42 = tpu.memref_slice %arg7[%dma_start3A_34, %dma_start3A_41] : memref<40x128xi32, #tpu.memory_space<vmem>> -> memref<1x128xi32, #tpu.memory_space<vmem>>
    %dma_start3A_43 = tpu.memref_squeeze %dma_start3A_42 : memref<1x128xi32, #tpu.memory_space<vmem>> -> memref<128xi32, #tpu.memory_space<vmem>>
    %dma_start3A_44 = arith.constant 0 : i32
    %dma_start3A_45 = arith.constant 0 : i32
    %dma_start3A_46 = tpu.memref_slice %arg2[%dma_start3A_44, %dma_start3A_45] : memref<20000x128xf32, #tpu.memory_space<hbm>> -> memref<20000x128xf32, #tpu.memory_space<hbm>>
    %dma_start3A_47 = tpu.memref_slice %arg10[%dma_start3A_36] : memref<2x!tpu.dma_semaphore, #tpu.memory_space<semaphore_mem>> -> memref<1x!tpu.dma_semaphore, #tpu.memory_space<semaphore_mem>>
    %dma_start3A_48 = tpu.memref_squeeze %dma_start3A_47 : memref<1x!tpu.dma_semaphore, #tpu.memory_space<semaphore_mem>> -> memref<!tpu.dma_semaphore, #tpu.memory_space<semaphore_mem>>
    tpu.enqueue_indirect_dma source(%dma_start3A_46 : memref<20000x128xf32, #tpu.memory_space<hbm>>) target(%dma_start3A_40 : memref<128x128xf32, #tpu.memory_space<vmem>>) offsets(%dma_start3A_43 : memref<128xi32, #tpu.memory_space<vmem>>) semaphore(%dma_start3A_48 : memref<!tpu.dma_semaphore, #tpu.memory_space<semaphore_mem>>)
    %scan3A_49 = arith.constant 0 : i32
    %scan3A_50 = arith.constant 0 : i32
    %scan3A_51 = arith.constant 40 : i32
    %scan3A_52 = arith.addi %scan3A_50, %scan3A_51 : i32
    %scan3A_53 = arith.constant 1 : i32
    scf.for %scan3A_77 = %scan3A_50 to %scan3A_52 step %scan3A_53  : i32 {
      %rem3A = arith.constant 2 : i32
      %rem3A_78 = arith.remsi %scan3A_77, %rem3A : i32
      %ge3A = arith.constant 1 : i32
      %ge3A_79 = arith.cmpi sge, %scan3A_77, %ge3A : i32
      %convert_element_type3A_80 = arith.extui %ge3A_79 : i1 to i32
      %cond3A_81 = arith.constant 0 : i32
      %cond3A_82 = arith.cmpi ne, %convert_element_type3A_80, %cond3A_81 : i32
      scf.if %cond3A_82 {
        %sub3A = arith.constant 1 : i32
        %sub3A_111 = arith.subi %scan3A_77, %sub3A : i32
        %rem3A_112 = arith.constant 2 : i32
        %rem3A_113 = arith.remsi %sub3A_111, %rem3A_112 : i32
        %sub3A_114 = arith.constant 1 : i32
        %sub3A_115 = arith.subi %scan3A_77, %sub3A_114 : i32
        %dma_wait3A_116 = arith.constant 0 : i32
        %dma_wait3A_117 = arith.constant 0 : i32
        %dma_wait3A_118 = tpu.memref_slice %arg9[%rem3A_113, %dma_wait3A_116, %dma_wait3A_117] : memref<2x128x128xf32, #tpu.memory_space<vmem>> -> memref<1x128x128xf32, #tpu.memory_space<vmem>>
        %dma_wait3A_119 = tpu.memref_squeeze %dma_wait3A_118 : memref<1x128x128xf32, #tpu.memory_space<vmem>> -> memref<128x128xf32, #tpu.memory_space<vmem>>
        %dma_wait3A_120 = arith.constant 0 : i32
        %dma_wait3A_121 = tpu.memref_slice %arg8[%sub3A_115, %dma_wait3A_120] : memref<40x128xi32, #tpu.memory_space<vmem>> -> memref<1x128xi32, #tpu.memory_space<vmem>>
        %dma_wait3A_122 = tpu.memref_squeeze %dma_wait3A_121 : memref<1x128xi32, #tpu.memory_space<vmem>> -> memref<128xi32, #tpu.memory_space<vmem>>
        %dma_wait3A_123 = arith.constant 0 : i32
        %dma_wait3A_124 = arith.constant 0 : i32
        %dma_wait3A_125 = tpu.memref_slice %arg12[%dma_wait3A_123, %dma_wait3A_124] : memref<10016x128xf32, #tpu.memory_space<vmem_shared>> -> memref<10016x128xf32, #tpu.memory_space<vmem_shared>>
        %dma_wait3A_126 = tpu.memref_slice %arg11[%rem3A_113] : memref<2x!tpu.dma_semaphore, #tpu.memory_space<semaphore_mem>> -> memref<1x!tpu.dma_semaphore, #tpu.memory_space<semaphore_mem>>
        %dma_wait3A_127 = tpu.memref_squeeze %dma_wait3A_126 : memref<1x!tpu.dma_semaphore, #tpu.memory_space<semaphore_mem>> -> memref<!tpu.dma_semaphore, #tpu.memory_space<semaphore_mem>>
        tpu.wait_indirect_dma semaphore(%dma_wait3A_127 : memref<!tpu.dma_semaphore, #tpu.memory_space<semaphore_mem>>) src(%dma_wait3A_119 : memref<128x128xf32, #tpu.memory_space<vmem>>) dst(%dma_wait3A_125 : memref<10016x128xf32, #tpu.memory_space<vmem_shared>>)
      } else {
      }
      %lt3A = arith.constant 39 : i32
      %lt3A_83 = arith.cmpi slt, %scan3A_77, %lt3A : i32
      %convert_element_type3A_84 = arith.extui %lt3A_83 : i1 to i32
      %cond3A_85 = arith.constant 0 : i32
      %cond3A_86 = arith.cmpi ne, %convert_element_type3A_84, %cond3A_85 : i32
      scf.if %cond3A_86 {
        %add3A = arith.constant 1 : i32
        %add3A_111 = arith.addi %scan3A_77, %add3A : i32
        %rem3A_112 = arith.constant 2 : i32
        %rem3A_113 = arith.remsi %add3A_111, %rem3A_112 : i32
        %add3A_114 = arith.constant 1 : i32
        %add3A_115 = arith.addi %scan3A_77, %add3A_114 : i32
        %dma_start3A_116 = arith.constant 0 : i32
        %dma_start3A_117 = arith.constant 0 : i32
        %dma_start3A_118 = tpu.memref_slice %arg9[%rem3A_113, %dma_start3A_116, %dma_start3A_117] : memref<2x128x128xf32, #tpu.memory_space<vmem>> -> memref<1x128x128xf32, #tpu.memory_space<vmem>>
        %dma_start3A_119 = tpu.memref_squeeze %dma_start3A_118 : memref<1x128x128xf32, #tpu.memory_space<vmem>> -> memref<128x128xf32, #tpu.memory_space<vmem>>
        %dma_start3A_120 = arith.constant 0 : i32
        %dma_start3A_121 = tpu.memref_slice %arg7[%add3A_115, %dma_start3A_120] : memref<40x128xi32, #tpu.memory_space<vmem>> -> memref<1x128xi32, #tpu.memory_space<vmem>>
        %dma_start3A_122 = tpu.memref_squeeze %dma_start3A_121 : memref<1x128xi32, #tpu.memory_space<vmem>> -> memref<128xi32, #tpu.memory_space<vmem>>
        %dma_start3A_123 = arith.constant 0 : i32
        %dma_start3A_124 = arith.constant 0 : i32
        %dma_start3A_125 = tpu.memref_slice %arg2[%dma_start3A_123, %dma_start3A_124] : memref<20000x128xf32, #tpu.memory_space<hbm>> -> memref<20000x128xf32, #tpu.memory_space<hbm>>
        %dma_start3A_126 = tpu.memref_slice %arg10[%rem3A_113] : memref<2x!tpu.dma_semaphore, #tpu.memory_space<semaphore_mem>> -> memref<1x!tpu.dma_semaphore, #tpu.memory_space<semaphore_mem>>
        %dma_start3A_127 = tpu.memref_squeeze %dma_start3A_126 : memref<1x!tpu.dma_semaphore, #tpu.memory_space<semaphore_mem>> -> memref<!tpu.dma_semaphore, #tpu.memory_space<semaphore_mem>>
        tpu.enqueue_indirect_dma source(%dma_start3A_125 : memref<20000x128xf32, #tpu.memory_space<hbm>>) target(%dma_start3A_119 : memref<128x128xf32, #tpu.memory_space<vmem>>) offsets(%dma_start3A_122 : memref<128xi32, #tpu.memory_space<vmem>>) semaphore(%dma_start3A_127 : memref<!tpu.dma_semaphore, #tpu.memory_space<semaphore_mem>>)
      } else {
      }
      %dma_wait3A_87 = arith.constant 0 : i32
      %dma_wait3A_88 = arith.constant 0 : i32
      %dma_wait3A_89 = tpu.memref_slice %arg9[%rem3A_78, %dma_wait3A_87, %dma_wait3A_88] : memref<2x128x128xf32, #tpu.memory_space<vmem>> -> memref<1x128x128xf32, #tpu.memory_space<vmem>>
      %dma_wait3A_90 = tpu.memref_squeeze %dma_wait3A_89 : memref<1x128x128xf32, #tpu.memory_space<vmem>> -> memref<128x128xf32, #tpu.memory_space<vmem>>
      %dma_wait3A_91 = arith.constant 0 : i32
      %dma_wait3A_92 = tpu.memref_slice %arg7[%scan3A_77, %dma_wait3A_91] : memref<40x128xi32, #tpu.memory_space<vmem>> -> memref<1x128xi32, #tpu.memory_space<vmem>>
      %dma_wait3A_93 = tpu.memref_squeeze %dma_wait3A_92 : memref<1x128xi32, #tpu.memory_space<vmem>> -> memref<128xi32, #tpu.memory_space<vmem>>
      %dma_wait3A_94 = arith.constant 0 : i32
      %dma_wait3A_95 = arith.constant 0 : i32
      %dma_wait3A_96 = tpu.memref_slice %arg2[%dma_wait3A_94, %dma_wait3A_95] : memref<20000x128xf32, #tpu.memory_space<hbm>> -> memref<20000x128xf32, #tpu.memory_space<hbm>>
      %dma_wait3A_97 = tpu.memref_slice %arg10[%rem3A_78] : memref<2x!tpu.dma_semaphore, #tpu.memory_space<semaphore_mem>> -> memref<1x!tpu.dma_semaphore, #tpu.memory_space<semaphore_mem>>
      %dma_wait3A_98 = tpu.memref_squeeze %dma_wait3A_97 : memref<1x!tpu.dma_semaphore, #tpu.memory_space<semaphore_mem>> -> memref<!tpu.dma_semaphore, #tpu.memory_space<semaphore_mem>>
      tpu.wait_indirect_dma semaphore(%dma_wait3A_98 : memref<!tpu.dma_semaphore, #tpu.memory_space<semaphore_mem>>) src(%dma_wait3A_96 : memref<20000x128xf32, #tpu.memory_space<hbm>>) dst(%dma_wait3A_90 : memref<128x128xf32, #tpu.memory_space<vmem>>)
      %dma_start3A_99 = arith.constant 0 : i32
      %dma_start3A_100 = arith.constant 0 : i32
      %dma_start3A_101 = tpu.memref_slice %arg9[%rem3A_78, %dma_start3A_99, %dma_start3A_100] : memref<2x128x128xf32, #tpu.memory_space<vmem>> -> memref<1x128x128xf32, #tpu.memory_space<vmem>>
      %dma_start3A_102 = tpu.memref_squeeze %dma_start3A_101 : memref<1x128x128xf32, #tpu.memory_space<vmem>> -> memref<128x128xf32, #tpu.memory_space<vmem>>
      %dma_start3A_103 = arith.constant 0 : i32
      %dma_start3A_104 = tpu.memref_slice %arg8[%scan3A_77, %dma_start3A_103] : memref<40x128xi32, #tpu.memory_space<vmem>> -> memref<1x128xi32, #tpu.memory_space<vmem>>
      %dma_start3A_105 = tpu.memref_squeeze %dma_start3A_104 : memref<1x128xi32, #tpu.memory_space<vmem>> -> memref<128xi32, #tpu.memory_space<vmem>>
      %dma_start3A_106 = arith.constant 0 : i32
      %dma_start3A_107 = arith.constant 0 : i32
      %dma_start3A_108 = tpu.memref_slice %arg12[%dma_start3A_106, %dma_start3A_107] : memref<10016x128xf32, #tpu.memory_space<vmem_shared>> -> memref<10016x128xf32, #tpu.memory_space<vmem_shared>>
      %dma_start3A_109 = tpu.memref_slice %arg11[%rem3A_78] : memref<2x!tpu.dma_semaphore, #tpu.memory_space<semaphore_mem>> -> memref<1x!tpu.dma_semaphore, #tpu.memory_space<semaphore_mem>>
      %dma_start3A_110 = tpu.memref_squeeze %dma_start3A_109 : memref<1x!tpu.dma_semaphore, #tpu.memory_space<semaphore_mem>> -> memref<!tpu.dma_semaphore, #tpu.memory_space<semaphore_mem>>
      tpu.enqueue_indirect_dma source(%dma_start3A_102 : memref<128x128xf32, #tpu.memory_space<vmem>>) target(%dma_start3A_108 : memref<10016x128xf32, #tpu.memory_space<vmem_shared>>) offsets(%dma_start3A_105 : memref<128xi32, #tpu.memory_space<vmem>>) semaphore(%dma_start3A_110 : memref<!tpu.dma_semaphore, #tpu.memory_space<semaphore_mem>>) {add = true}
    }
    %scan3A_54 = arith.constant 40 : i32
    %dma_wait3A_55 = arith.constant 1 : i32
    %dma_wait3A_56 = arith.constant 39 : i32
    %dma_wait3A_57 = arith.constant 1 : i32
    %dma_wait3A_58 = arith.constant 0 : i32
    %dma_wait3A_59 = arith.constant 0 : i32
    %dma_wait3A_60 = tpu.memref_slice %arg9[%dma_wait3A_55, %dma_wait3A_58, %dma_wait3A_59] : memref<2x128x128xf32, #tpu.memory_space<vmem>> -> memref<1x128x128xf32, #tpu.memory_space<vmem>>
    %dma_wait3A_61 = tpu.memref_squeeze %dma_wait3A_60 : memref<1x128x128xf32, #tpu.memory_space<vmem>> -> memref<128x128xf32, #tpu.memory_space<vmem>>
    %dma_wait3A_62 = arith.constant 0 : i32
    %dma_wait3A_63 = tpu.memref_slice %arg8[%dma_wait3A_56, %dma_wait3A_62] : memref<40x128xi32, #tpu.memory_space<vmem>> -> memref<1x128xi32, #tpu.memory_space<vmem>>
    %dma_wait3A_64 = tpu.memref_squeeze %dma_wait3A_63 : memref<1x128xi32, #tpu.memory_space<vmem>> -> memref<128xi32, #tpu.memory_space<vmem>>
    %dma_wait3A_65 = arith.constant 0 : i32
    %dma_wait3A_66 = arith.constant 0 : i32
    %dma_wait3A_67 = tpu.memref_slice %arg12[%dma_wait3A_65, %dma_wait3A_66] : memref<10016x128xf32, #tpu.memory_space<vmem_shared>> -> memref<10016x128xf32, #tpu.memory_space<vmem_shared>>
    %dma_wait3A_68 = tpu.memref_slice %arg11[%dma_wait3A_57] : memref<2x!tpu.dma_semaphore, #tpu.memory_space<semaphore_mem>> -> memref<1x!tpu.dma_semaphore, #tpu.memory_space<semaphore_mem>>
    %dma_wait3A_69 = tpu.memref_squeeze %dma_wait3A_68 : memref<1x!tpu.dma_semaphore, #tpu.memory_space<semaphore_mem>> -> memref<!tpu.dma_semaphore, #tpu.memory_space<semaphore_mem>>
    tpu.wait_indirect_dma semaphore(%dma_wait3A_69 : memref<!tpu.dma_semaphore, #tpu.memory_space<semaphore_mem>>) src(%dma_wait3A_61 : memref<128x128xf32, #tpu.memory_space<vmem>>) dst(%dma_wait3A_67 : memref<10016x128xf32, #tpu.memory_space<vmem_shared>>)
    %barrier3A_70 = arith.constant 0 : index
    tpu.barrier barrier_id(%barrier3A_70)
    %mul3A_71 = arith.constant 624 : i32
    %mul3A_72 = arith.muli %arg1, %mul3A_71 : i32
    %mul3A_73 = arith.constant 624 : i32
    %mul3A_74 = arith.muli %arg1, %mul3A_73 : i32
    "tpu.region"() ({
      %run_scoped3A = tpu.sem_alloc : memref<!tpu.dma_semaphore, #tpu.memory_space<semaphore_mem>>
      %dma_start3A_77 = arith.constant 0 : i32
      %dma_start3A_78 = tpu.memref_slice %arg6[%arg0, %mul3A_74, %dma_start3A_77] : memref<2x10000x128xf32, #tpu.memory_space<hbm>> -> memref<1x624x128xf32, #tpu.memory_space<hbm>>
      %dma_start3A_79 = tpu.memref_squeeze %dma_start3A_78 : memref<1x624x128xf32, #tpu.memory_space<hbm>> -> memref<624x128xf32, #tpu.memory_space<hbm>>
      %dma_start3A_80 = arith.constant 0 : i32
      %dma_start3A_81 = tpu.memref_slice %arg12[%mul3A_72, %dma_start3A_80] : memref<10016x128xf32, #tpu.memory_space<vmem_shared>> -> memref<624x128xf32, #tpu.memory_space<vmem_shared>>
      tpu.enqueue_dma source(%dma_start3A_81 : memref<624x128xf32, #tpu.memory_space<vmem_shared>>) target(%dma_start3A_79 : memref<624x128xf32, #tpu.memory_space<hbm>>) target_semaphore(%run_scoped3A : memref<!tpu.dma_semaphore, #tpu.memory_space<semaphore_mem>>)
      %dma_wait3A_82 = arith.constant 0 : i32
      %dma_wait3A_83 = tpu.memref_slice %arg6[%arg0, %mul3A_74, %dma_wait3A_82] : memref<2x10000x128xf32, #tpu.memory_space<hbm>> -> memref<1x624x128xf32, #tpu.memory_space<hbm>>
      %dma_wait3A_84 = tpu.memref_squeeze %dma_wait3A_83 : memref<1x624x128xf32, #tpu.memory_space<hbm>> -> memref<624x128xf32, #tpu.memory_space<hbm>>
      %dma_wait3A_85 = arith.constant 0 : i32
      %dma_wait3A_86 = tpu.memref_slice %arg12[%mul3A_72, %dma_wait3A_85] : memref<10016x128xf32, #tpu.memory_space<vmem_shared>> -> memref<624x128xf32, #tpu.memory_space<vmem_shared>>
      tpu.wait_dma2 semaphore(%run_scoped3A : memref<!tpu.dma_semaphore, #tpu.memory_space<semaphore_mem>>) src(%dma_wait3A_86 : memref<624x128xf32, #tpu.memory_space<vmem_shared>>) dst(%dma_wait3A_84 : memref<624x128xf32, #tpu.memory_space<hbm>>)
      tpu.yield
    }) : () -> ()
    %eq3A = arith.constant 15 : i32
    %eq3A_75 = arith.cmpi eq, %arg1, %eq3A : i32
    %convert_element_type3A = arith.extui %eq3A_75 : i1 to i32
    %cond3A = arith.constant 0 : i32
    %cond3A_76 = arith.cmpi ne, %convert_element_type3A, %cond3A : i32
    scf.if %cond3A_76 {
      "tpu.region"() ({
        %run_scoped3A = tpu.sem_alloc : memref<!tpu.dma_semaphore, #tpu.memory_space<semaphore_mem>>
        %dma_start3A_77 = arith.constant 9984 : i32
        %dma_start3A_78 = arith.constant 0 : i32
        %dma_start3A_79 = tpu.memref_slice %arg6[%arg0, %dma_start3A_77, %dma_start3A_78] : memref<2x10000x128xf32, #tpu.memory_space<hbm>> -> memref<1x16x128xf32, #tpu.memory_space<hbm>>
        %dma_start3A_80 = tpu.memref_squeeze %dma_start3A_79 : memref<1x16x128xf32, #tpu.memory_space<hbm>> -> memref<16x128xf32, #tpu.memory_space<hbm>>
        %dma_start3A_81 = arith.constant 9984 : i32
        %dma_start3A_82 = arith.constant 0 : i32
        %dma_start3A_83 = tpu.memref_slice %arg12[%dma_start3A_81, %dma_start3A_82] : memref<10016x128xf32, #tpu.memory_space<vmem_shared>> -> memref<16x128xf32, #tpu.memory_space<vmem_shared>>
        tpu.enqueue_dma source(%dma_start3A_83 : memref<16x128xf32, #tpu.memory_space<vmem_shared>>) target(%dma_start3A_80 : memref<16x128xf32, #tpu.memory_space<hbm>>) target_semaphore(%run_scoped3A : memref<!tpu.dma_semaphore, #tpu.memory_space<semaphore_mem>>)
        %dma_wait3A_84 = arith.constant 9984 : i32
        %dma_wait3A_85 = arith.constant 0 : i32
        %dma_wait3A_86 = tpu.memref_slice %arg6[%arg0, %dma_wait3A_84, %dma_wait3A_85] : memref<2x10000x128xf32, #tpu.memory_space<hbm>> -> memref<1x16x128xf32, #tpu.memory_space<hbm>>
        %dma_wait3A_87 = tpu.memref_squeeze %dma_wait3A_86 : memref<1x16x128xf32, #tpu.memory_space<hbm>> -> memref<16x128xf32, #tpu.memory_space<hbm>>
        %dma_wait3A_88 = arith.constant 9984 : i32
        %dma_wait3A_89 = arith.constant 0 : i32
        %dma_wait3A_90 = tpu.memref_slice %arg12[%dma_wait3A_88, %dma_wait3A_89] : memref<10016x128xf32, #tpu.memory_space<vmem_shared>> -> memref<16x128xf32, #tpu.memory_space<vmem_shared>>
        tpu.wait_dma2 semaphore(%run_scoped3A : memref<!tpu.dma_semaphore, #tpu.memory_space<semaphore_mem>>) src(%dma_wait3A_90 : memref<16x128xf32, #tpu.memory_space<vmem_shared>>) dst(%dma_wait3A_87 : memref<16x128xf32, #tpu.memory_space<hbm>>)
        tpu.yield
      }) : () -> ()
    } else {
    }
    return
  }
}

module attributes {stable_mosaic.version = 14 : i64} {
  func.func @_mlp_body(%arg0: i32, %arg1: memref<1x1xf32, #tpu.memory_space<smem>>, %arg2: memref<2x2000x128xf32, #tpu.memory_space<vmem>>, %arg3: memref<2x2000x128xf32, #tpu.memory_space<vmem>>, %arg4: memref<256x256xf32, #tpu.memory_space<vmem>>, %arg5: memref<1x256xf32, #tpu.memory_space<vmem>>, %arg6: memref<1x256xf32, #tpu.memory_space<vmem>>, %arg7: memref<1x256xf32, #tpu.memory_space<vmem>>, %arg8: memref<256x256xf32, #tpu.memory_space<vmem>>, %arg9: memref<1x256xf32, #tpu.memory_space<vmem>>, %arg10: memref<1x256xf32, #tpu.memory_space<vmem>>, %arg11: memref<1x256xf32, #tpu.memory_space<vmem>>, %arg12: memref<2x2000x128xf32, #tpu.memory_space<vmem>>, %arg13: memref<2000x256xf32, #tpu.memory_space<vmem>>) attributes {dimension_semantics = [#tpu.dimension_semantics<arbitrary>], iteration_bounds = array<i64: 5>, scalar_prefetch = 0 : i64, scratch_operands = 0 : i64, tpu.core_type = #tpu.core_type<tc>, window_params = [{transform_indices = @transform_0, window_bounds = array<i64: 1, 1>}, {transform_indices = @transform_1, window_bounds = array<i64: 2, 2000, 128>}, {transform_indices = @transform_2, window_bounds = array<i64: 2, 2000, 128>}, {pipeline_mode = #tpu.pipeline_mode<synchronous>, transform_indices = @transform_3, window_bounds = array<i64: 256, 256>}, {pipeline_mode = #tpu.pipeline_mode<synchronous>, transform_indices = @transform_4, window_bounds = array<i64: 1, 256>}, {pipeline_mode = #tpu.pipeline_mode<synchronous>, transform_indices = @transform_5, window_bounds = array<i64: 1, 256>}, {pipeline_mode = #tpu.pipeline_mode<synchronous>, transform_indices = @transform_6, window_bounds = array<i64: 1, 256>}, {pipeline_mode = #tpu.pipeline_mode<synchronous>, transform_indices = @transform_7, window_bounds = array<i64: 256, 256>}, {pipeline_mode = #tpu.pipeline_mode<synchronous>, transform_indices = @transform_8, window_bounds = array<i64: 1, 256>}, {pipeline_mode = #tpu.pipeline_mode<synchronous>, transform_indices = @transform_9, window_bounds = array<i64: 1, 256>}, {pipeline_mode = #tpu.pipeline_mode<synchronous>, transform_indices = @transform_10, window_bounds = array<i64: 1, 256>}, {transform_indices = @transform_11, window_bounds = array<i64: 2, 2000, 128>}, {transform_indices = @transform_12, window_bounds = array<i64: 2000, 256>}]} {
    %get3A = arith.constant 0 : index
    %get3A_0 = arith.constant 0 : index
    %get3A_1 = memref.load %arg1[%get3A, %get3A_0] : memref<1x1xf32, #tpu.memory_space<smem>>
    %add3A = arith.constant 1.000000e+00 : f32
    %add3A_2 = arith.addf %add3A, %get3A_1 : f32
    %get3A_3 = arith.constant 0 : index
    %get3A_4 = arith.constant 0 : index
    %get3A_5 = arith.constant 0 : index
    %get3A_6 = vector.load %arg2[%get3A_3, %get3A_4, %get3A_5] : memref<2x2000x128xf32, #tpu.memory_space<vmem>>, vector<1x2000x128xf32>
    %get3A_7 = vector.shape_cast %get3A_6 : vector<1x2000x128xf32> to vector<2000x128xf32>
    %mul3A = vector.broadcast %add3A_2 : f32 to vector<2000x128xf32>
    %mul3A_8 = arith.mulf %mul3A, %get3A_7 : vector<2000x128xf32>
    %get3A_9 = arith.constant 0 : index
    %get3A_10 = arith.constant 0 : index
    %get3A_11 = arith.constant 0 : index
    %get3A_12 = vector.load %arg3[%get3A_9, %get3A_10, %get3A_11] : memref<2x2000x128xf32, #tpu.memory_space<vmem>>, vector<1x2000x128xf32>
    %get3A_13 = vector.shape_cast %get3A_12 : vector<1x2000x128xf32> to vector<2000x128xf32>
    %add3A_14 = arith.addf %mul3A_8, %get3A_13 : vector<2000x128xf32>
    %add3A_15 = arith.constant 1.000000e+00 : f32
    %add3A_16 = arith.addf %add3A_15, %get3A_1 : f32
    %get3A_17 = arith.constant 1 : index
    %get3A_18 = arith.constant 0 : index
    %get3A_19 = arith.constant 0 : index
    %get3A_20 = vector.load %arg2[%get3A_17, %get3A_18, %get3A_19] : memref<2x2000x128xf32, #tpu.memory_space<vmem>>, vector<1x2000x128xf32>
    %get3A_21 = vector.shape_cast %get3A_20 : vector<1x2000x128xf32> to vector<2000x128xf32>
    %mul3A_22 = vector.broadcast %add3A_16 : f32 to vector<2000x128xf32>
    %mul3A_23 = arith.mulf %mul3A_22, %get3A_21 : vector<2000x128xf32>
    %get3A_24 = arith.constant 1 : index
    %get3A_25 = arith.constant 0 : index
    %get3A_26 = arith.constant 0 : index
    %get3A_27 = vector.load %arg3[%get3A_24, %get3A_25, %get3A_26] : memref<2x2000x128xf32, #tpu.memory_space<vmem>>, vector<1x2000x128xf32>
    %get3A_28 = vector.shape_cast %get3A_27 : vector<1x2000x128xf32> to vector<2000x128xf32>
    %add3A_29 = arith.addf %mul3A_23, %get3A_28 : vector<2000x128xf32>
    %get3A_30 = arith.constant 0 : index
    %get3A_31 = arith.constant 0 : index
    %get3A_32 = vector.load %arg4[%get3A_30, %get3A_31] : memref<256x256xf32, #tpu.memory_space<vmem>>, vector<128x256xf32>
    %dot_general3A = arith.constant dense<0.000000e+00> : vector<2000x256xf32>
    %dot_general3A_33 = tpu.matmul %add3A_14, %get3A_32, %dot_general3A {dimension_numbers = #tpu.dot_dimension_numbers<[1], [0], [0], [1], [0, 0, 1, 1], [], []>, transpose_lhs_hint = false} : vector<2000x128xf32>, vector<128x256xf32>, vector<2000x256xf32> -> vector<2000x256xf32>
    %get3A_34 = arith.constant 128 : index
    %get3A_35 = arith.constant 0 : index
    %get3A_36 = vector.load %arg4[%get3A_34, %get3A_35] : memref<256x256xf32, #tpu.memory_space<vmem>>, vector<128x256xf32>
    %dot_general3A_37 = arith.constant dense<0.000000e+00> : vector<2000x256xf32>
    %dot_general3A_38 = tpu.matmul %add3A_29, %get3A_36, %dot_general3A_37 {dimension_numbers = #tpu.dot_dimension_numbers<[1], [0], [0], [1], [0, 0, 1, 1], [], []>, transpose_lhs_hint = false} : vector<2000x128xf32>, vector<128x256xf32>, vector<2000x256xf32> -> vector<2000x256xf32>
    %add3A_39 = arith.addf %dot_general3A_33, %dot_general3A_38 : vector<2000x256xf32>
    %get3A_40 = arith.constant 0 : index
    %get3A_41 = arith.constant 0 : index
    %get3A_42 = vector.load %arg6[%get3A_40, %get3A_41] : memref<1x256xf32, #tpu.memory_space<vmem>>, vector<1x256xf32>
    %mul3A_43 = arith.constant 0.999994993 : f32
    %mul3A_44 = vector.broadcast %mul3A_43 : f32 to vector<1x256xf32>
    %mul3A_45 = arith.mulf %get3A_42, %mul3A_44 : vector<1x256xf32>
    %mul3A_46 = vector.broadcast %mul3A_45 : vector<1x256xf32> to vector<2000x256xf32>
    %mul3A_47 = arith.mulf %add3A_39, %mul3A_46 : vector<2000x256xf32>
    %get3A_48 = arith.constant 0 : index
    %get3A_49 = arith.constant 0 : index
    %get3A_50 = vector.load %arg5[%get3A_48, %get3A_49] : memref<1x256xf32, #tpu.memory_space<vmem>>, vector<1x256xf32>
    %mul3A_51 = arith.mulf %get3A_50, %mul3A_45 : vector<1x256xf32>
    %get3A_52 = arith.constant 0 : index
    %get3A_53 = arith.constant 0 : index
    %get3A_54 = vector.load %arg7[%get3A_52, %get3A_53] : memref<1x256xf32, #tpu.memory_space<vmem>>, vector<1x256xf32>
    %add3A_55 = arith.addf %mul3A_51, %get3A_54 : vector<1x256xf32>
    %add3A_56 = vector.broadcast %add3A_55 : vector<1x256xf32> to vector<2000x256xf32>
    %add3A_57 = arith.addf %mul3A_47, %add3A_56 : vector<2000x256xf32>
    %gt3A = arith.constant 0.000000e+00 : f32
    %gt3A_58 = vector.broadcast %gt3A : f32 to vector<2000x256xf32>
    %gt3A_59 = arith.cmpf ogt, %add3A_57, %gt3A_58 : vector<2000x256xf32>
    %mul3A_60 = arith.constant 0.00999999977 : f32
    %mul3A_61 = vector.broadcast %mul3A_60 : f32 to vector<2000x256xf32>
    %mul3A_62 = arith.mulf %mul3A_61, %add3A_57 : vector<2000x256xf32>
    %select_n3A = arith.select %gt3A_59, %add3A_57, %mul3A_62 : vector<2000x256xi1>, vector<2000x256xf32>
    %get3A_63 = arith.constant 0 : index
    %get3A_64 = arith.constant 0 : index
    %get3A_65 = vector.load %arg8[%get3A_63, %get3A_64] : memref<256x256xf32, #tpu.memory_space<vmem>>, vector<256x256xf32>
    %dot_general3A_66 = arith.constant dense<0.000000e+00> : vector<2000x256xf32>
    %dot_general3A_67 = tpu.matmul %select_n3A, %get3A_65, %dot_general3A_66 {dimension_numbers = #tpu.dot_dimension_numbers<[1], [0], [0], [1], [0, 0, 1, 1], [], []>, transpose_lhs_hint = false} : vector<2000x256xf32>, vector<256x256xf32>, vector<2000x256xf32> -> vector<2000x256xf32>
    %get3A_68 = arith.constant 0 : index
    %get3A_69 = arith.constant 0 : index
    %get3A_70 = vector.load %arg10[%get3A_68, %get3A_69] : memref<1x256xf32, #tpu.memory_space<vmem>>, vector<1x256xf32>
    %mul3A_71 = arith.constant 0.999994993 : f32
    %mul3A_72 = vector.broadcast %mul3A_71 : f32 to vector<1x256xf32>
    %mul3A_73 = arith.mulf %get3A_70, %mul3A_72 : vector<1x256xf32>
    %mul3A_74 = vector.broadcast %mul3A_73 : vector<1x256xf32> to vector<2000x256xf32>
    %mul3A_75 = arith.mulf %dot_general3A_67, %mul3A_74 : vector<2000x256xf32>
    %get3A_76 = arith.constant 0 : index
    %get3A_77 = arith.constant 0 : index
    %get3A_78 = vector.load %arg9[%get3A_76, %get3A_77] : memref<1x256xf32, #tpu.memory_space<vmem>>, vector<1x256xf32>
    %mul3A_79 = arith.mulf %get3A_78, %mul3A_73 : vector<1x256xf32>
    %get3A_80 = arith.constant 0 : index
    %get3A_81 = arith.constant 0 : index
    %get3A_82 = vector.load %arg11[%get3A_80, %get3A_81] : memref<1x256xf32, #tpu.memory_space<vmem>>, vector<1x256xf32>
    %add3A_83 = arith.addf %mul3A_79, %get3A_82 : vector<1x256xf32>
    %add3A_84 = vector.broadcast %add3A_83 : vector<1x256xf32> to vector<2000x256xf32>
    %add3A_85 = arith.addf %mul3A_75, %add3A_84 : vector<2000x256xf32>
    %gt3A_86 = arith.constant 0.000000e+00 : f32
    %gt3A_87 = vector.broadcast %gt3A_86 : f32 to vector<2000x256xf32>
    %gt3A_88 = arith.cmpf ogt, %add3A_85, %gt3A_87 : vector<2000x256xf32>
    %mul3A_89 = arith.constant 0.00999999977 : f32
    %mul3A_90 = vector.broadcast %mul3A_89 : f32 to vector<2000x256xf32>
    %mul3A_91 = arith.mulf %mul3A_90, %add3A_85 : vector<2000x256xf32>
    %select_n3A_92 = arith.select %gt3A_88, %add3A_85, %mul3A_91 : vector<2000x256xi1>, vector<2000x256xf32>
    %slice3A = vector.extract_strided_slice %select_n3A_92 {offsets = [0, 0], sizes = [2000, 128], strides = [1, 1]} : vector<2000x256xf32> to vector<2000x128xf32>
    %swap3A = arith.constant 0 : index
    %swap3A_93 = arith.constant 0 : index
    %swap3A_94 = arith.constant 0 : index
    %swap3A_95 = vector.load %arg12[%swap3A, %swap3A_93, %swap3A_94] : memref<2x2000x128xf32, #tpu.memory_space<vmem>>, vector<1x2000x128xf32>
    %swap3A_96 = vector.shape_cast %swap3A_95 : vector<1x2000x128xf32> to vector<2000x128xf32>
    %swap3A_97 = vector.shape_cast %slice3A : vector<2000x128xf32> to vector<1x2000x128xf32>
    tpu.vector_store %arg12[%swap3A, %swap3A_93, %swap3A_94], %swap3A_97 {strides = array<i32>} : memref<2x2000x128xf32, #tpu.memory_space<vmem>>, vector<1x2000x128xf32>,
    %slice3A_98 = vector.extract_strided_slice %select_n3A_92 {offsets = [0, 128], sizes = [2000, 128], strides = [1, 1]} : vector<2000x256xf32> to vector<2000x128xf32>
    %swap3A_99 = arith.constant 1 : index
    %swap3A_100 = arith.constant 0 : index
    %swap3A_101 = arith.constant 0 : index
    %swap3A_102 = vector.load %arg12[%swap3A_99, %swap3A_100, %swap3A_101] : memref<2x2000x128xf32, #tpu.memory_space<vmem>>, vector<1x2000x128xf32>
    %swap3A_103 = vector.shape_cast %swap3A_102 : vector<1x2000x128xf32> to vector<2000x128xf32>
    %swap3A_104 = vector.shape_cast %slice3A_98 : vector<2000x128xf32> to vector<1x2000x128xf32>
    tpu.vector_store %arg12[%swap3A_99, %swap3A_100, %swap3A_101], %swap3A_104 {strides = array<i32>} : memref<2x2000x128xf32, #tpu.memory_space<vmem>>, vector<1x2000x128xf32>,
    %swap3A_105 = arith.constant 0 : index
    %swap3A_106 = arith.constant 0 : index
    %swap3A_107 = vector.load %arg13[%swap3A_105, %swap3A_106] : memref<2000x256xf32, #tpu.memory_space<vmem>>, vector<2000x256xf32>
    tpu.vector_store %arg13[%swap3A_105, %swap3A_106], %select_n3A_92 {strides = array<i32>} : memref<2000x256xf32, #tpu.memory_space<vmem>>, vector<2000x256xf32>,
    return
  }
  func.func @transform_0(%arg0: i32) -> (i32, i32) {
    %c0_i32 = arith.constant 0 : i32
    %c0_i32_0 = arith.constant 0 : i32
    %c0_i32_1 = arith.constant 0 : i32
    return %c0_i32, %c0_i32_0 : i32, i32
  }
  func.func @transform_1(%arg0: i32) -> (i32, i32, i32) {
    %c0_i32 = arith.constant 0 : i32
    %c0_i32_0 = arith.constant 0 : i32
    %c0_i32_1 = arith.constant 0 : i32
    return %c0_i32, %arg0, %c0_i32_0 : i32, i32, i32
  }
  func.func @transform_2(%arg0: i32) -> (i32, i32, i32) {
    %c0_i32 = arith.constant 0 : i32
    %c0_i32_0 = arith.constant 0 : i32
    %c0_i32_1 = arith.constant 0 : i32
    return %c0_i32, %arg0, %c0_i32_0 : i32, i32, i32
  }
  func.func @transform_3(%arg0: i32) -> (i32, i32) {
    %c0_i32 = arith.constant 0 : i32
    %c0_i32_0 = arith.constant 0 : i32
    %c0_i32_1 = arith.constant 0 : i32
    return %c0_i32, %c0_i32_0 : i32, i32
  }
  func.func @transform_4(%arg0: i32) -> (i32, i32) {
    %c0_i32 = arith.constant 0 : i32
    %c0_i32_0 = arith.constant 0 : i32
    %c0_i32_1 = arith.constant 0 : i32
    return %c0_i32, %c0_i32_0 : i32, i32
  }
  func.func @transform_5(%arg0: i32) -> (i32, i32) {
    %c0_i32 = arith.constant 0 : i32
    %c0_i32_0 = arith.constant 0 : i32
    %c0_i32_1 = arith.constant 0 : i32
    return %c0_i32, %c0_i32_0 : i32, i32
  }
  func.func @transform_6(%arg0: i32) -> (i32, i32) {
    %c0_i32 = arith.constant 0 : i32
    %c0_i32_0 = arith.constant 0 : i32
    %c0_i32_1 = arith.constant 0 : i32
    return %c0_i32, %c0_i32_0 : i32, i32
  }
  func.func @transform_7(%arg0: i32) -> (i32, i32) {
    %c0_i32 = arith.constant 0 : i32
    %c0_i32_0 = arith.constant 0 : i32
    %c0_i32_1 = arith.constant 0 : i32
    return %c0_i32, %c0_i32_0 : i32, i32
  }
  func.func @transform_8(%arg0: i32) -> (i32, i32) {
    %c0_i32 = arith.constant 0 : i32
    %c0_i32_0 = arith.constant 0 : i32
    %c0_i32_1 = arith.constant 0 : i32
    return %c0_i32, %c0_i32_0 : i32, i32
  }
  func.func @transform_9(%arg0: i32) -> (i32, i32) {
    %c0_i32 = arith.constant 0 : i32
    %c0_i32_0 = arith.constant 0 : i32
    %c0_i32_1 = arith.constant 0 : i32
    return %c0_i32, %c0_i32_0 : i32, i32
  }
  func.func @transform_10(%arg0: i32) -> (i32, i32) {
    %c0_i32 = arith.constant 0 : i32
    %c0_i32_0 = arith.constant 0 : i32
    %c0_i32_1 = arith.constant 0 : i32
    return %c0_i32, %c0_i32_0 : i32, i32
  }
  func.func @transform_11(%arg0: i32) -> (i32, i32, i32) {
    %c0_i32 = arith.constant 0 : i32
    %c0_i32_0 = arith.constant 0 : i32
    %c0_i32_1 = arith.constant 0 : i32
    return %c0_i32, %arg0, %c0_i32_0 : i32, i32, i32
  }
  func.func @transform_12(%arg0: i32) -> (i32, i32) {
    %c0_i32 = arith.constant 0 : i32
    %c0_i32_0 = arith.constant 0 : i32
    return %arg0, %c0_i32 : i32, i32
  }
}

module attributes {stable_mosaic.version = 14 : i64} {
  func.func @_mlp_body(%arg0: i32, %arg1: memref<1x1xf32, #tpu.memory_space<smem>>, %arg2: memref<2x2000x128xf32, #tpu.memory_space<vmem>>, %arg3: memref<2x2000x128xf32, #tpu.memory_space<vmem>>, %arg4: memref<256x256xf32, #tpu.memory_space<vmem>>, %arg5: memref<1x256xf32, #tpu.memory_space<vmem>>, %arg6: memref<1x256xf32, #tpu.memory_space<vmem>>, %arg7: memref<1x256xf32, #tpu.memory_space<vmem>>, %arg8: memref<256x256xf32, #tpu.memory_space<vmem>>, %arg9: memref<1x256xf32, #tpu.memory_space<vmem>>, %arg10: memref<1x256xf32, #tpu.memory_space<vmem>>, %arg11: memref<1x256xf32, #tpu.memory_space<vmem>>, %arg12: memref<2x2000x128xf32, #tpu.memory_space<vmem>>, %arg13: memref<2000x256xf32, #tpu.memory_space<vmem>>) attributes {dimension_semantics = [#tpu.dimension_semantics<arbitrary>], iteration_bounds = array<i64: 5>, scalar_prefetch = 0 : i64, scratch_operands = 0 : i64, tpu.core_type = #tpu.core_type<tc>, window_params = [{transform_indices = @transform_0, window_bounds = array<i64: 1, 1>}, {transform_indices = @transform_1, window_bounds = array<i64: 2, 2000, 128>}, {transform_indices = @transform_2, window_bounds = array<i64: 2, 2000, 128>}, {pipeline_mode = #tpu.pipeline_mode<synchronous>, transform_indices = @transform_3, window_bounds = array<i64: 256, 256>}, {pipeline_mode = #tpu.pipeline_mode<synchronous>, transform_indices = @transform_4, window_bounds = array<i64: 1, 256>}, {pipeline_mode = #tpu.pipeline_mode<synchronous>, transform_indices = @transform_5, window_bounds = array<i64: 1, 256>}, {pipeline_mode = #tpu.pipeline_mode<synchronous>, transform_indices = @transform_6, window_bounds = array<i64: 1, 256>}, {pipeline_mode = #tpu.pipeline_mode<synchronous>, transform_indices = @transform_7, window_bounds = array<i64: 256, 256>}, {pipeline_mode = #tpu.pipeline_mode<synchronous>, transform_indices = @transform_8, window_bounds = array<i64: 1, 256>}, {pipeline_mode = #tpu.pipeline_mode<synchronous>, transform_indices = @transform_9, window_bounds = array<i64: 1, 256>}, {pipeline_mode = #tpu.pipeline_mode<synchronous>, transform_indices = @transform_10, window_bounds = array<i64: 1, 256>}, {transform_indices = @transform_11, window_bounds = array<i64: 2, 2000, 128>}, {transform_indices = @transform_12, window_bounds = array<i64: 2000, 256>}]} {
    %get3A = arith.constant 0 : index
    %get3A_0 = arith.constant 0 : index
    %get3A_1 = memref.load %arg1[%get3A, %get3A_0] : memref<1x1xf32, #tpu.memory_space<smem>>
    %add3A = arith.constant 1.000000e+00 : f32
    %add3A_2 = arith.addf %add3A, %get3A_1 : f32
    %get3A_3 = arith.constant 0 : index
    %get3A_4 = arith.constant 0 : index
    %get3A_5 = arith.constant 0 : index
    %get3A_6 = vector.load %arg2[%get3A_3, %get3A_4, %get3A_5] : memref<2x2000x128xf32, #tpu.memory_space<vmem>>, vector<1x2000x128xf32>
    %get3A_7 = vector.shape_cast %get3A_6 : vector<1x2000x128xf32> to vector<2000x128xf32>
    %mul3A = vector.broadcast %add3A_2 : f32 to vector<2000x128xf32>
    %mul3A_8 = arith.mulf %mul3A, %get3A_7 : vector<2000x128xf32>
    %get3A_9 = arith.constant 0 : index
    %get3A_10 = arith.constant 0 : index
    %get3A_11 = arith.constant 0 : index
    %get3A_12 = vector.load %arg3[%get3A_9, %get3A_10, %get3A_11] : memref<2x2000x128xf32, #tpu.memory_space<vmem>>, vector<1x2000x128xf32>
    %get3A_13 = vector.shape_cast %get3A_12 : vector<1x2000x128xf32> to vector<2000x128xf32>
    %add3A_14 = arith.addf %mul3A_8, %get3A_13 : vector<2000x128xf32>
    %add3A_15 = arith.constant 1.000000e+00 : f32
    %add3A_16 = arith.addf %add3A_15, %get3A_1 : f32
    %get3A_17 = arith.constant 1 : index
    %get3A_18 = arith.constant 0 : index
    %get3A_19 = arith.constant 0 : index
    %get3A_20 = vector.load %arg2[%get3A_17, %get3A_18, %get3A_19] : memref<2x2000x128xf32, #tpu.memory_space<vmem>>, vector<1x2000x128xf32>
    %get3A_21 = vector.shape_cast %get3A_20 : vector<1x2000x128xf32> to vector<2000x128xf32>
    %mul3A_22 = vector.broadcast %add3A_16 : f32 to vector<2000x128xf32>
    %mul3A_23 = arith.mulf %mul3A_22, %get3A_21 : vector<2000x128xf32>
    %get3A_24 = arith.constant 1 : index
    %get3A_25 = arith.constant 0 : index
    %get3A_26 = arith.constant 0 : index
    %get3A_27 = vector.load %arg3[%get3A_24, %get3A_25, %get3A_26] : memref<2x2000x128xf32, #tpu.memory_space<vmem>>, vector<1x2000x128xf32>
    %get3A_28 = vector.shape_cast %get3A_27 : vector<1x2000x128xf32> to vector<2000x128xf32>
    %add3A_29 = arith.addf %mul3A_23, %get3A_28 : vector<2000x128xf32>
    %get3A_30 = arith.constant 0 : index
    %get3A_31 = arith.constant 0 : index
    %get3A_32 = vector.load %arg4[%get3A_30, %get3A_31] : memref<256x256xf32, #tpu.memory_space<vmem>>, vector<128x256xf32>
    %dot_general3A = arith.constant dense<0.000000e+00> : vector<2000x256xf32>
    %dot_general3A_33 = tpu.matmul %add3A_14, %get3A_32, %dot_general3A {dimension_numbers = #tpu.dot_dimension_numbers<[1], [0], [0], [1], [0, 0, 1, 1], [], []>, transpose_lhs_hint = false} : vector<2000x128xf32>, vector<128x256xf32>, vector<2000x256xf32> -> vector<2000x256xf32>
    %get3A_34 = arith.constant 128 : index
    %get3A_35 = arith.constant 0 : index
    %get3A_36 = vector.load %arg4[%get3A_34, %get3A_35] : memref<256x256xf32, #tpu.memory_space<vmem>>, vector<128x256xf32>
    %dot_general3A_37 = arith.constant dense<0.000000e+00> : vector<2000x256xf32>
    %dot_general3A_38 = tpu.matmul %add3A_29, %get3A_36, %dot_general3A_37 {dimension_numbers = #tpu.dot_dimension_numbers<[1], [0], [0], [1], [0, 0, 1, 1], [], []>, transpose_lhs_hint = false} : vector<2000x128xf32>, vector<128x256xf32>, vector<2000x256xf32> -> vector<2000x256xf32>
    %add3A_39 = arith.addf %dot_general3A_33, %dot_general3A_38 : vector<2000x256xf32>
    %get3A_40 = arith.constant 0 : index
    %get3A_41 = arith.constant 0 : index
    %get3A_42 = vector.load %arg6[%get3A_40, %get3A_41] : memref<1x256xf32, #tpu.memory_space<vmem>>, vector<1x256xf32>
    %mul3A_43 = arith.constant 0.999994993 : f32
    %mul3A_44 = vector.broadcast %mul3A_43 : f32 to vector<1x256xf32>
    %mul3A_45 = arith.mulf %get3A_42, %mul3A_44 : vector<1x256xf32>
    %mul3A_46 = vector.broadcast %mul3A_45 : vector<1x256xf32> to vector<2000x256xf32>
    %mul3A_47 = arith.mulf %add3A_39, %mul3A_46 : vector<2000x256xf32>
    %get3A_48 = arith.constant 0 : index
    %get3A_49 = arith.constant 0 : index
    %get3A_50 = vector.load %arg5[%get3A_48, %get3A_49] : memref<1x256xf32, #tpu.memory_space<vmem>>, vector<1x256xf32>
    %mul3A_51 = arith.mulf %get3A_50, %mul3A_45 : vector<1x256xf32>
    %get3A_52 = arith.constant 0 : index
    %get3A_53 = arith.constant 0 : index
    %get3A_54 = vector.load %arg7[%get3A_52, %get3A_53] : memref<1x256xf32, #tpu.memory_space<vmem>>, vector<1x256xf32>
    %add3A_55 = arith.addf %mul3A_51, %get3A_54 : vector<1x256xf32>
    %add3A_56 = vector.broadcast %add3A_55 : vector<1x256xf32> to vector<2000x256xf32>
    %add3A_57 = arith.addf %mul3A_47, %add3A_56 : vector<2000x256xf32>
    %gt3A = arith.constant 0.000000e+00 : f32
    %gt3A_58 = vector.broadcast %gt3A : f32 to vector<2000x256xf32>
    %gt3A_59 = arith.cmpf ogt, %add3A_57, %gt3A_58 : vector<2000x256xf32>
    %mul3A_60 = arith.constant 0.00999999977 : f32
    %mul3A_61 = vector.broadcast %mul3A_60 : f32 to vector<2000x256xf32>
    %mul3A_62 = arith.mulf %mul3A_61, %add3A_57 : vector<2000x256xf32>
    %select_n3A = arith.select %gt3A_59, %add3A_57, %mul3A_62 : vector<2000x256xi1>, vector<2000x256xf32>
    %get3A_63 = arith.constant 0 : index
    %get3A_64 = arith.constant 0 : index
    %get3A_65 = vector.load %arg8[%get3A_63, %get3A_64] : memref<256x256xf32, #tpu.memory_space<vmem>>, vector<256x256xf32>
    %dot_general3A_66 = arith.constant dense<0.000000e+00> : vector<2000x256xf32>
    %dot_general3A_67 = tpu.matmul %select_n3A, %get3A_65, %dot_general3A_66 {dimension_numbers = #tpu.dot_dimension_numbers<[1], [0], [0], [1], [0, 0, 1, 1], [], []>, transpose_lhs_hint = false} : vector<2000x256xf32>, vector<256x256xf32>, vector<2000x256xf32> -> vector<2000x256xf32>
    %get3A_68 = arith.constant 0 : index
    %get3A_69 = arith.constant 0 : index
    %get3A_70 = vector.load %arg10[%get3A_68, %get3A_69] : memref<1x256xf32, #tpu.memory_space<vmem>>, vector<1x256xf32>
    %mul3A_71 = arith.constant 0.999994993 : f32
    %mul3A_72 = vector.broadcast %mul3A_71 : f32 to vector<1x256xf32>
    %mul3A_73 = arith.mulf %get3A_70, %mul3A_72 : vector<1x256xf32>
    %mul3A_74 = vector.broadcast %mul3A_73 : vector<1x256xf32> to vector<2000x256xf32>
    %mul3A_75 = arith.mulf %dot_general3A_67, %mul3A_74 : vector<2000x256xf32>
    %get3A_76 = arith.constant 0 : index
    %get3A_77 = arith.constant 0 : index
    %get3A_78 = vector.load %arg9[%get3A_76, %get3A_77] : memref<1x256xf32, #tpu.memory_space<vmem>>, vector<1x256xf32>
    %mul3A_79 = arith.mulf %get3A_78, %mul3A_73 : vector<1x256xf32>
    %get3A_80 = arith.constant 0 : index
    %get3A_81 = arith.constant 0 : index
    %get3A_82 = vector.load %arg11[%get3A_80, %get3A_81] : memref<1x256xf32, #tpu.memory_space<vmem>>, vector<1x256xf32>
    %add3A_83 = arith.addf %mul3A_79, %get3A_82 : vector<1x256xf32>
    %add3A_84 = vector.broadcast %add3A_83 : vector<1x256xf32> to vector<2000x256xf32>
    %add3A_85 = arith.addf %mul3A_75, %add3A_84 : vector<2000x256xf32>
    %gt3A_86 = arith.constant 0.000000e+00 : f32
    %gt3A_87 = vector.broadcast %gt3A_86 : f32 to vector<2000x256xf32>
    %gt3A_88 = arith.cmpf ogt, %add3A_85, %gt3A_87 : vector<2000x256xf32>
    %mul3A_89 = arith.constant 0.00999999977 : f32
    %mul3A_90 = vector.broadcast %mul3A_89 : f32 to vector<2000x256xf32>
    %mul3A_91 = arith.mulf %mul3A_90, %add3A_85 : vector<2000x256xf32>
    %select_n3A_92 = arith.select %gt3A_88, %add3A_85, %mul3A_91 : vector<2000x256xi1>, vector<2000x256xf32>
    %slice3A = vector.extract_strided_slice %select_n3A_92 {offsets = [0, 0], sizes = [2000, 128], strides = [1, 1]} : vector<2000x256xf32> to vector<2000x128xf32>
    %swap3A = arith.constant 0 : index
    %swap3A_93 = arith.constant 0 : index
    %swap3A_94 = arith.constant 0 : index
    %swap3A_95 = vector.load %arg12[%swap3A, %swap3A_93, %swap3A_94] : memref<2x2000x128xf32, #tpu.memory_space<vmem>>, vector<1x2000x128xf32>
    %swap3A_96 = vector.shape_cast %swap3A_95 : vector<1x2000x128xf32> to vector<2000x128xf32>
    %swap3A_97 = vector.shape_cast %slice3A : vector<2000x128xf32> to vector<1x2000x128xf32>
    tpu.vector_store %arg12[%swap3A, %swap3A_93, %swap3A_94], %swap3A_97 {strides = array<i32>} : memref<2x2000x128xf32, #tpu.memory_space<vmem>>, vector<1x2000x128xf32>,
    %slice3A_98 = vector.extract_strided_slice %select_n3A_92 {offsets = [0, 128], sizes = [2000, 128], strides = [1, 1]} : vector<2000x256xf32> to vector<2000x128xf32>
    %swap3A_99 = arith.constant 1 : index
    %swap3A_100 = arith.constant 0 : index
    %swap3A_101 = arith.constant 0 : index
    %swap3A_102 = vector.load %arg12[%swap3A_99, %swap3A_100, %swap3A_101] : memref<2x2000x128xf32, #tpu.memory_space<vmem>>, vector<1x2000x128xf32>
    %swap3A_103 = vector.shape_cast %swap3A_102 : vector<1x2000x128xf32> to vector<2000x128xf32>
    %swap3A_104 = vector.shape_cast %slice3A_98 : vector<2000x128xf32> to vector<1x2000x128xf32>
    tpu.vector_store %arg12[%swap3A_99, %swap3A_100, %swap3A_101], %swap3A_104 {strides = array<i32>} : memref<2x2000x128xf32, #tpu.memory_space<vmem>>, vector<1x2000x128xf32>,
    %swap3A_105 = arith.constant 0 : index
    %swap3A_106 = arith.constant 0 : index
    %swap3A_107 = vector.load %arg13[%swap3A_105, %swap3A_106] : memref<2000x256xf32, #tpu.memory_space<vmem>>, vector<2000x256xf32>
    tpu.vector_store %arg13[%swap3A_105, %swap3A_106], %select_n3A_92 {strides = array<i32>} : memref<2000x256xf32, #tpu.memory_space<vmem>>, vector<2000x256xf32>,
    return
  }
  func.func @transform_0(%arg0: i32) -> (i32, i32) {
    %c0_i32 = arith.constant 0 : i32
    %c0_i32_0 = arith.constant 0 : i32
    %c0_i32_1 = arith.constant 0 : i32
    return %c0_i32, %c0_i32_0 : i32, i32
  }
  func.func @transform_1(%arg0: i32) -> (i32, i32, i32) {
    %c0_i32 = arith.constant 0 : i32
    %c0_i32_0 = arith.constant 0 : i32
    %c0_i32_1 = arith.constant 0 : i32
    return %c0_i32, %arg0, %c0_i32_0 : i32, i32, i32
  }
  func.func @transform_2(%arg0: i32) -> (i32, i32, i32) {
    %c0_i32 = arith.constant 0 : i32
    %c0_i32_0 = arith.constant 0 : i32
    %c0_i32_1 = arith.constant 0 : i32
    return %c0_i32, %arg0, %c0_i32_0 : i32, i32, i32
  }
  func.func @transform_3(%arg0: i32) -> (i32, i32) {
    %c0_i32 = arith.constant 0 : i32
    %c0_i32_0 = arith.constant 0 : i32
    %c0_i32_1 = arith.constant 0 : i32
    return %c0_i32, %c0_i32_0 : i32, i32
  }
  func.func @transform_4(%arg0: i32) -> (i32, i32) {
    %c0_i32 = arith.constant 0 : i32
    %c0_i32_0 = arith.constant 0 : i32
    %c0_i32_1 = arith.constant 0 : i32
    return %c0_i32, %c0_i32_0 : i32, i32
  }
  func.func @transform_5(%arg0: i32) -> (i32, i32) {
    %c0_i32 = arith.constant 0 : i32
    %c0_i32_0 = arith.constant 0 : i32
    %c0_i32_1 = arith.constant 0 : i32
    return %c0_i32, %c0_i32_0 : i32, i32
  }
  func.func @transform_6(%arg0: i32) -> (i32, i32) {
    %c0_i32 = arith.constant 0 : i32
    %c0_i32_0 = arith.constant 0 : i32
    %c0_i32_1 = arith.constant 0 : i32
    return %c0_i32, %c0_i32_0 : i32, i32
  }
  func.func @transform_7(%arg0: i32) -> (i32, i32) {
    %c0_i32 = arith.constant 0 : i32
    %c0_i32_0 = arith.constant 0 : i32
    %c0_i32_1 = arith.constant 0 : i32
    return %c0_i32, %c0_i32_0 : i32, i32
  }
  func.func @transform_8(%arg0: i32) -> (i32, i32) {
    %c0_i32 = arith.constant 0 : i32
    %c0_i32_0 = arith.constant 0 : i32
    %c0_i32_1 = arith.constant 0 : i32
    return %c0_i32, %c0_i32_0 : i32, i32
  }
  func.func @transform_9(%arg0: i32) -> (i32, i32) {
    %c0_i32 = arith.constant 0 : i32
    %c0_i32_0 = arith.constant 0 : i32
    %c0_i32_1 = arith.constant 0 : i32
    return %c0_i32, %c0_i32_0 : i32, i32
  }
  func.func @transform_10(%arg0: i32) -> (i32, i32) {
    %c0_i32 = arith.constant 0 : i32
    %c0_i32_0 = arith.constant 0 : i32
    %c0_i32_1 = arith.constant 0 : i32
    return %c0_i32, %c0_i32_0 : i32, i32
  }
  func.func @transform_11(%arg0: i32) -> (i32, i32, i32) {
    %c0_i32 = arith.constant 0 : i32
    %c0_i32_0 = arith.constant 0 : i32
    %c0_i32_1 = arith.constant 0 : i32
    return %c0_i32, %arg0, %c0_i32_0 : i32, i32, i32
  }
  func.func @transform_12(%arg0: i32) -> (i32, i32) {
    %c0_i32 = arith.constant 0 : i32
    %c0_i32_0 = arith.constant 0 : i32
    return %arg0, %c0_i32 : i32, i32
  }
}

module attributes {stable_mosaic.version = 14 : i64} {
  func.func @_head_body(%arg0: i32, %arg1: memref<1x1x2000xi32, #tpu.memory_space<vmem>>, %arg2: memref<2000x256xf32, #tpu.memory_space<vmem>>, %arg3: memref<256x256xf32, #tpu.memory_space<vmem>>, %arg4: memref<1x256xf32, #tpu.memory_space<vmem>>, %arg5: memref<256x10xf32, #tpu.memory_space<vmem>>, %arg6: memref<1x10xf32, #tpu.memory_space<vmem>>, %arg7: memref<16x10xf32, #tpu.memory_space<vmem>>, %arg8: memref<16x256xf32, #tpu.memory_space<vmem>>, %arg9: memref<16x128xf32, #tpu.memory_space<vmem>>) attributes {dimension_semantics = [#tpu.dimension_semantics<arbitrary>], iteration_bounds = array<i64: 5>, scalar_prefetch = 0 : i64, scratch_operands = 2 : i64, tpu.core_type = #tpu.core_type<tc>, window_params = [{transform_indices = @transform_0, window_bounds = array<i64: 1, 1, 2000>}, {transform_indices = @transform_1, window_bounds = array<i64: 2000, 256>}, {pipeline_mode = #tpu.pipeline_mode<synchronous>, transform_indices = @transform_2, window_bounds = array<i64: 256, 256>}, {pipeline_mode = #tpu.pipeline_mode<synchronous>, transform_indices = @transform_3, window_bounds = array<i64: 1, 256>}, {pipeline_mode = #tpu.pipeline_mode<synchronous>, transform_indices = @transform_4, window_bounds = array<i64: 256, 10>}, {pipeline_mode = #tpu.pipeline_mode<synchronous>, transform_indices = @transform_5, window_bounds = array<i64: 1, 10>}, {pipeline_mode = #tpu.pipeline_mode<synchronous>, transform_indices = @transform_6, window_bounds = array<i64: 16, 10>}]} {
    %eq3A = arith.constant 0 : i32
    %eq3A_0 = arith.cmpi eq, %arg0, %eq3A : i32
    %convert_element_type3A = arith.extui %eq3A_0 : i1 to i32
    %cond3A = arith.constant 0 : i32
    %cond3A_1 = arith.cmpi ne, %convert_element_type3A, %cond3A : i32
    scf.if %cond3A_1 {
      %broadcast_in_dim3A_35 = arith.constant 0.000000e+00 : f32
      %broadcast_in_dim3A_36 = vector.broadcast %broadcast_in_dim3A_35 : f32 to vector<16x256xf32>
      %swap3A_37 = arith.constant 0 : index
      %swap3A_38 = arith.constant 0 : index
      %swap3A_39 = vector.load %arg8[%swap3A_37, %swap3A_38] : memref<16x256xf32, #tpu.memory_space<vmem>>, vector<16x256xf32>
      tpu.vector_store %arg8[%swap3A_37, %swap3A_38], %broadcast_in_dim3A_36 {strides = array<i32>} : memref<16x256xf32, #tpu.memory_space<vmem>>, vector<16x256xf32>,
      %broadcast_in_dim3A_40 = arith.constant 0.000000e+00 : f32
      %broadcast_in_dim3A_41 = vector.broadcast %broadcast_in_dim3A_40 : f32 to vector<16x128xf32>
      %swap3A_42 = arith.constant 0 : index
      %swap3A_43 = arith.constant 0 : index
      %swap3A_44 = vector.load %arg9[%swap3A_42, %swap3A_43] : memref<16x128xf32, #tpu.memory_space<vmem>>, vector<16x128xf32>
      tpu.vector_store %arg9[%swap3A_42, %swap3A_43], %broadcast_in_dim3A_41 {strides = array<i32>} : memref<16x128xf32, #tpu.memory_space<vmem>>, vector<16x128xf32>,
    } else {
    }
    %get3A = arith.constant 0 : index
    %get3A_2 = arith.constant 0 : index
    %get3A_3 = arith.constant 0 : index
    %get3A_4 = vector.load %arg1[%get3A, %get3A_2, %get3A_3] : memref<1x1x2000xi32, #tpu.memory_space<vmem>>, vector<1x1x2000xi32>
    %get3A_5 = vector.shape_cast %get3A_4 : vector<1x1x2000xi32> to vector<2000xi32>
    %iota3A = tpu.iota {dimensions = array<i32: 0>} : vector<16x2000xi32>
    %broadcast_in_dim3A = vector.shape_cast %get3A_5 : vector<2000xi32> to vector<1x2000xi32>
    %eq3A_6 = vector.broadcast %broadcast_in_dim3A : vector<1x2000xi32> to vector<16x2000xi32>
    %eq3A_7 = arith.cmpi eq, %eq3A_6, %iota3A : vector<16x2000xi32>
    %convert_element_type3A_8 = arith.extui %eq3A_7 : vector<16x2000xi1> to vector<16x2000xi32>
    %convert_element_type3A_9 = arith.sitofp %convert_element_type3A_8 : vector<16x2000xi32> to vector<16x2000xf32>
    %get3A_10 = arith.constant 0 : index
    %get3A_11 = arith.constant 0 : index
    %get3A_12 = vector.load %arg8[%get3A_10, %get3A_11] : memref<16x256xf32, #tpu.memory_space<vmem>>, vector<16x256xf32>
    %get3A_13 = arith.constant 0 : index
    %get3A_14 = arith.constant 0 : index
    %get3A_15 = vector.load %arg2[%get3A_13, %get3A_14] : memref<2000x256xf32, #tpu.memory_space<vmem>>, vector<2000x256xf32>
    %dot_general3A = arith.constant dense<0.000000e+00> : vector<16x256xf32>
    %dot_general3A_16 = tpu.matmul %convert_element_type3A_9, %get3A_15, %dot_general3A {dimension_numbers = #tpu.dot_dimension_numbers<[1], [0], [0], [1], [0, 0, 1, 1], [], []>, transpose_lhs_hint = false} : vector<16x2000xf32>, vector<2000x256xf32>, vector<16x256xf32> -> vector<16x256xf32>
    %add3A = arith.addf %get3A_12, %dot_general3A_16 : vector<16x256xf32>
    %swap3A = arith.constant 0 : index
    %swap3A_17 = arith.constant 0 : index
    %swap3A_18 = vector.load %arg8[%swap3A, %swap3A_17] : memref<16x256xf32, #tpu.memory_space<vmem>>, vector<16x256xf32>
    tpu.vector_store %arg8[%swap3A, %swap3A_17], %add3A {strides = array<i32>} : memref<16x256xf32, #tpu.memory_space<vmem>>, vector<16x256xf32>,
    %get3A_19 = arith.constant 0 : index
    %get3A_20 = arith.constant 0 : index
    %get3A_21 = vector.load %arg9[%get3A_19, %get3A_20] : memref<16x128xf32, #tpu.memory_space<vmem>>, vector<16x128xf32>
    %reduce_sum3A = arith.constant dense<0.000000e+00> : vector<16xf32>
    %reduce_sum3A_22 = vector.multi_reduction <add>, %convert_element_type3A_9, %reduce_sum3A [1] : vector<16x2000xf32> to vector<16xf32>
    %broadcast_in_dim3A_23 = vector.shape_cast %reduce_sum3A_22 : vector<16xf32> to vector<16x1xf32>
    %broadcast_in_dim3A_24 = vector.shape_cast %broadcast_in_dim3A_23 : vector<16x1xf32> to vector<16x1xf32>
    %broadcast_in_dim3A_25 = vector.broadcast %broadcast_in_dim3A_24 : vector<16x1xf32> to vector<16x128xf32>
    %add3A_26 = arith.addf %get3A_21, %broadcast_in_dim3A_25 : vector<16x128xf32>
    %swap3A_27 = arith.constant 0 : index
    %swap3A_28 = arith.constant 0 : index
    %swap3A_29 = vector.load %arg9[%swap3A_27, %swap3A_28] : memref<16x128xf32, #tpu.memory_space<vmem>>, vector<16x128xf32>
    tpu.vector_store %arg9[%swap3A_27, %swap3A_28], %add3A_26 {strides = array<i32>} : memref<16x128xf32, #tpu.memory_space<vmem>>, vector<16x128xf32>,
    %eq3A_30 = arith.constant 4 : i32
    %eq3A_31 = arith.cmpi eq, %arg0, %eq3A_30 : i32
    %convert_element_type3A_32 = arith.extui %eq3A_31 : i1 to i32
    %cond3A_33 = arith.constant 0 : i32
    %cond3A_34 = arith.cmpi ne, %convert_element_type3A_32, %cond3A_33 : i32
    scf.if %cond3A_34 {
      %get3A_35 = arith.constant 0 : index
      %get3A_36 = arith.constant 0 : index
      %get3A_37 = vector.load %arg9[%get3A_35, %get3A_36] : memref<16x128xf32, #tpu.memory_space<vmem>>, vector<16x128xf32>
      %slice3A = vector.extract_strided_slice %get3A_37 {offsets = [0, 0], sizes = [16, 1], strides = [1, 1]} : vector<16x128xf32> to vector<16x1xf32>
      %jit3A = arith.constant 1.000000e+00 : f32
      %max3A = vector.broadcast %jit3A : f32 to vector<16x1xf32>
      %max3A_38 = arith.maximumf %max3A, %slice3A : vector<16x1xf32>
      %get3A_39 = arith.constant 0 : index
      %get3A_40 = arith.constant 0 : index
      %get3A_41 = vector.load %arg8[%get3A_39, %get3A_40] : memref<16x256xf32, #tpu.memory_space<vmem>>, vector<16x256xf32>
      %div3A = vector.broadcast %max3A_38 : vector<16x1xf32> to vector<16x256xf32>
      %div3A_42 = arith.divf %get3A_41, %div3A : vector<16x256xf32>
      %get3A_43 = arith.constant 0 : index
      %get3A_44 = arith.constant 0 : index
      %get3A_45 = vector.load %arg3[%get3A_43, %get3A_44] : memref<256x256xf32, #tpu.memory_space<vmem>>, vector<256x256xf32>
      %dot_general3A_46 = arith.constant dense<0.000000e+00> : vector<16x256xf32>
      %dot_general3A_47 = tpu.matmul %div3A_42, %get3A_45, %dot_general3A_46 {dimension_numbers = #tpu.dot_dimension_numbers<[1], [0], [0], [1], [0, 0, 1, 1], [], []>, transpose_lhs_hint = false} : vector<16x256xf32>, vector<256x256xf32>, vector<16x256xf32> -> vector<16x256xf32>
      %get3A_48 = arith.constant 0 : index
      %get3A_49 = arith.constant 0 : index
      %get3A_50 = vector.load %arg4[%get3A_48, %get3A_49] : memref<1x256xf32, #tpu.memory_space<vmem>>, vector<1x256xf32>
      %add3A_51 = vector.broadcast %get3A_50 : vector<1x256xf32> to vector<16x256xf32>
      %add3A_52 = arith.addf %dot_general3A_47, %add3A_51 : vector<16x256xf32>
      %gt3A = arith.constant 0.000000e+00 : f32
      %gt3A_53 = vector.broadcast %gt3A : f32 to vector<16x256xf32>
      %gt3A_54 = arith.cmpf ogt, %add3A_52, %gt3A_53 : vector<16x256xf32>
      %mul3A = arith.constant 0.00999999977 : f32
      %mul3A_55 = vector.broadcast %mul3A : f32 to vector<16x256xf32>
      %mul3A_56 = arith.mulf %mul3A_55, %add3A_52 : vector<16x256xf32>
      %select_n3A = arith.select %gt3A_54, %add3A_52, %mul3A_56 : vector<16x256xi1>, vector<16x256xf32>
      %get3A_57 = arith.constant 0 : index
      %get3A_58 = arith.constant 0 : index
      %get3A_59 = vector.load %arg5[%get3A_57, %get3A_58] : memref<256x10xf32, #tpu.memory_space<vmem>>, vector<256x10xf32>
      %dot_general3A_60 = arith.constant dense<0.000000e+00> : vector<16x10xf32>
      %dot_general3A_61 = tpu.matmul %select_n3A, %get3A_59, %dot_general3A_60 {dimension_numbers = #tpu.dot_dimension_numbers<[1], [0], [0], [1], [0, 0, 1, 1], [], []>, transpose_lhs_hint = false} : vector<16x256xf32>, vector<256x10xf32>, vector<16x10xf32> -> vector<16x10xf32>
      %get3A_62 = arith.constant 0 : index
      %get3A_63 = arith.constant 0 : index
      %get3A_64 = vector.load %arg6[%get3A_62, %get3A_63] : memref<1x10xf32, #tpu.memory_space<vmem>>, vector<1x10xf32>
      %add3A_65 = vector.broadcast %get3A_64 : vector<1x10xf32> to vector<16x10xf32>
      %add3A_66 = arith.addf %dot_general3A_61, %add3A_65 : vector<16x10xf32>
      %swap3A_67 = arith.constant 0 : index
      %swap3A_68 = arith.constant 0 : index
      %swap3A_69 = vector.load %arg7[%swap3A_67, %swap3A_68] : memref<16x10xf32, #tpu.memory_space<vmem>>, vector<16x10xf32>
      tpu.vector_store %arg7[%swap3A_67, %swap3A_68], %add3A_66 {strides = array<i32>} : memref<16x10xf32, #tpu.memory_space<vmem>>, vector<16x10xf32>,
    } else {
    }
    return
  }
  func.func @transform_0(%arg0: i32) -> (i32, i32, i32) {
    %c0_i32 = arith.constant 0 : i32
    %c0_i32_0 = arith.constant 0 : i32
    %c0_i32_1 = arith.constant 0 : i32
    return %arg0, %c0_i32, %c0_i32_0 : i32, i32, i32
  }
  func.func @transform_1(%arg0: i32) -> (i32, i32) {
    %c0_i32 = arith.constant 0 : i32
    %c0_i32_0 = arith.constant 0 : i32
    return %arg0, %c0_i32 : i32, i32
  }
  func.func @transform_2(%arg0: i32) -> (i32, i32) {
    %c0_i32 = arith.constant 0 : i32
    %c0_i32_0 = arith.constant 0 : i32
    %c0_i32_1 = arith.constant 0 : i32
    return %c0_i32, %c0_i32_0 : i32, i32
  }
  func.func @transform_3(%arg0: i32) -> (i32, i32) {
    %c0_i32 = arith.constant 0 : i32
    %c0_i32_0 = arith.constant 0 : i32
    %c0_i32_1 = arith.constant 0 : i32
    return %c0_i32, %c0_i32_0 : i32, i32
  }
  func.func @transform_4(%arg0: i32) -> (i32, i32) {
    %c0_i32 = arith.constant 0 : i32
    %c0_i32_0 = arith.constant 0 : i32
    %c0_i32_1 = arith.constant 0 : i32
    return %c0_i32, %c0_i32_0 : i32, i32
  }
  func.func @transform_5(%arg0: i32) -> (i32, i32) {
    %c0_i32 = arith.constant 0 : i32
    %c0_i32_0 = arith.constant 0 : i32
    %c0_i32_1 = arith.constant 0 : i32
    return %c0_i32, %c0_i32_0 : i32, i32
  }
  func.func @transform_6(%arg0: i32) -> (i32, i32) {
    %c0_i32 = arith.constant 0 : i32
    %c0_i32_0 = arith.constant 0 : i32
    %c0_i32_1 = arith.constant 0 : i32
    return %c0_i32, %c0_i32_0 : i32, i32
  }
}

</mosaic_0001>

<sc_bundles>
// kernel: kernel.12.cloned.1.call-start
scs
__scs_entry_jumppad:
0x0: {  	(pc) =	sbr.rel $0x88, $3  }
0x1: {  	(tag) =	ssettag $0x0;
	lr =	simm.s32 $0x1  }
0x2: {  	[smem:$0x3F7F] =	sst lr;
	_ =	strace $0xD0000000  }
0x3: {  	_ = 	snop  }
0x4: {  	_ = 	snop  }
0x5: {  	_ = 	snop  }
0x6: {  	_ = 	snop  }
0x7: {  	_ = 	snop  }
__scs_overlays_trampoline_lowered:
0x8: {  	[smem:$0x3F8E] =	sst s0  }
0x9: {  	[smem:$0x3F8F] =	sst s1  }
0xa: {  	[smem:$0x3F90] =	sst s2  }
0xb: {  	[smem:$0x3F91] =	sst s3  }
0xc: {  	[smem:$0x3F92] =	sst s4  }
0xd: {  	[smem:$0x3F93] =	sst s5  }
0xe: {  	[smem:$0x3F94] =	sst s6  }
0xf: {  	[smem:$0x3F95] =	sst s7  }
0x10: {  	[smem:$0x3F96] =	sst s8  }
0x11: {  	[smem:$0x3F97] =	sst s9;
	s0 =	simm.s32 @!p0 $0x0  }
0x12: {  	s1 =	sld [smem:$0x3F7D];
	s0 =	simm.s32 @p0 $0x1  }
0x13: {  	[smem:$0x3F98] =	sst s0;
	s0 =	simm.s32 @!p1 $0x0  }
0x14: {  	s2 =	sld [smem:$0x3F7C];
	s0 =	simm.s32 @p1 $0x1  }
0x15: {  	[smem:$0x3F99] =	sst s0;
	s0 =	simm.s32 @!p2 $0x0  }
0x16: {  	s3 =	sld [smem:$0x3FDB];
	s0 =	simm.s32 @p2 $0x1  }
0x17: {  	s4 =	simm.s32 $0x1BF5;
	[smem:$0x3F9B] =	sst s0  }
0x18: {  	s0 =	sld [smem:$0x3F7E];
	_ =	swait.ge [sflag:s4], $0x0  }
0x19: {  	s7 =	sld [smem:$0x3F7F]  }
0x1a: {  	s8 =	sadd.s32 $0xFFFFE003, lr  }
0x1b: {  	s9 =	sadd.s32 $0xFFFFFEF7, lr;
	s5 =	simm.s32 $0xFFFFFFFF;
	p2 =	slt.u32 s8, $0xFFFFF086  }
0x1c: {  	p1 =	slt.u32 s9, $0xF7A;
	s5 =	simm.s32 @!p2 $0x0  }
0x1d: {  	s5 =	simm.s32 @p1 $0x1;
	p0 =	seq.s32 s7, s2  }
0x1e: {  	s7 =	smul.u32 @!p0 $0xF7A, s2;
	p2 =	seq.s32 @!p0 s5, $0x0  }
0x1f: {  	s9 =	smul.u32 $0xF7A, s1;
	s8 =	simm.s32 @!p0 $0x1BF5;
	p2 =	por !p2, p0  }
0x20: {  	[sflag:s8] =	ssyncset.s32 @!p0 $0xFFFFF086;
	s6 =	sadd.s32 @!p0 s3, s7;
	s7 =	simm.s32 @!p0 $0x108  }
0x21: {  	s3 =	sadd.s32 s3, s9;
	s6 =	sadd.s32 @!p0 $0x88, s6;
	s7 =	simm.s32 @p2 $0x1082  }
0x22: {  	[simem:s7], [sflag:s8] =	dma.local @!p0 [hbm:s6], $0xF7A  }
0x23: {  	s9 =	sor.u32 $0xD0000000, s2;
	s6 =	simm.s32 $0x108;
	_ =	swait.ge @!p0 [sflag:s8], $0x0  }
0x24: {  	s3 =	sadd.s32 $0x88, s3;
	s6 =	simm.s32 @!p1 $0x1082;
	[sflag:s4] =	ssyncset.s32 $0xFFFFF086  }
0x25: {  	[simem:s6], [sflag:s4] =	dma.local [hbm:s3], $0xF7A  }
0x26: {  	[smem:$0x3F7F] =	sst s1;
	(tag) =	ssettag s2;
	_ =	strace s9  }
0x27: {  	s1 =	sld [smem:$0x3F8F]  }
0x28: {  	s2 =	sld [smem:$0x3F90]  }
0x29: {  	s4 =	sld [smem:$0x3F92]  }
0x2a: {  	p0 =	seq.s32 s5, $0x0;
	s5 =	sld [smem:$0x3F93]  }
0x2b: {  	s6 =	sld [smem:$0x3F94]  }
0x2c: {  	s7 =	sld [smem:$0x3F95]  }
0x2d: {  	s3 =	simm.s32 $0x108;
	s8 =	sld [smem:$0x3F96]  }
0x2e: {  	s3 =	simm.s32 @!p0 $0x1082;
	s9 =	sld [smem:$0x3F97]  }
0x2f: {  	lr =	sadd.s32 s0, s3;
	s0 =	sld [smem:$0x3F8E]  }
0x30: {  	s3 =	sld [smem:$0x3F91]  }
0x31: {  	[smem:$0x3F9A] =	sst s10  }
0x32: {  	s10 =	sld [smem:$0x3F98];
	_ =	sdelay $0x3  }
0x33: {  	p0 =	seq.s32 s10, $0x1;
	s10 =	sld [smem:$0x3F9A];
	_ =	sdelay $0x3  }
0x34: {  	[smem:$0x3F9A] =	sst s10  }
0x35: {  	s10 =	sld [smem:$0x3F99];
	_ =	sdelay $0x3  }
0x36: {  	p1 =	seq.s32 s10, $0x1;
	s10 =	sld [smem:$0x3F9A];
	_ =	sdelay $0x3  }
0x37: {  	[smem:$0x3F9A] =	sst s10  }
0x38: {  	s10 =	sld [smem:$0x3F9B]  }
0x39: {  	_ = 	snop;
	(pc) =	sbr.ind lr, $3  }
0x3a: {  	_ = 	snop  }
0x3b: {  	_ = 	snop  }
0x3c: {  	p2 =	seq.s32 s10, $0x1;
	s10 =	sld [smem:$0x3F9A]  }
0x3d: {  	_ =	shalt  }
0x3e: {  	_ =	shalt  }
0x3f: {  	_ =	shalt  }
0x40: {  	_ =	shalt  }
0x41: {  	_ =	shalt  }
0x42: {  	_ =	shalt  }
0x43: {  	_ =	shalt  }
0x44: {  	_ =	shalt  }
0x45: {  	_ =	shalt  }
0x46: {  	_ =	shalt  }
0x47: {  	_ =	shalt  }
0x48: {  	_ =	shalt  }
0x49: {  	_ =	shalt  }
0x4a: {  	_ =	shalt  }
0x4b: {  	_ =	shalt  }
0x4c: {  	_ =	shalt  }
0x4d: {  	_ =	shalt  }
0x4e: {  	_ =	shalt  }
0x4f: {  	_ =	shalt  }
0x50: {  	_ =	shalt  }
0x51: {  	_ =	shalt  }
0x52: {  	_ =	shalt  }
0x53: {  	_ =	shalt  }
0x54: {  	_ =	shalt  }
0x55: {  	_ =	shalt  }
0x56: {  	_ =	shalt  }
0x57: {  	_ =	shalt  }
0x58: {  	_ =	shalt  }
0x59: {  	_ =	shalt  }
0x5a: {  	_ =	shalt  }
0x5b: {  	_ =	shalt  }
0x5c: {  	_ =	shalt  }
0x5d: {  	_ =	shalt  }
0x5e: {  	_ =	shalt  }
0x5f: {  	_ =	shalt  }
0x60: {  	_ =	shalt  }
0x61: {  	_ =	shalt  }
0x62: {  	_ =	shalt  }
0x63: {  	_ =	shalt  }
0x64: {  	_ =	shalt  }
0x65: {  	_ =	shalt  }
0x66: {  	_ =	shalt  }
0x67: {  	_ =	shalt  }
0x68: {  	_ =	shalt  }
0x69: {  	_ =	shalt  }
0x6a: {  	_ =	shalt  }
0x6b: {  	_ =	shalt  }
0x6c: {  	_ =	shalt  }
0x6d: {  	_ =	shalt  }
0x6e: {  	_ =	shalt  }
0x6f: {  	_ =	shalt  }
0x70: {  	_ =	shalt  }
0x71: {  	_ =	shalt  }
0x72: {  	_ =	shalt  }
0x73: {  	_ =	shalt  }
0x74: {  	_ =	shalt  }
0x75: {  	_ =	shalt  }
0x76: {  	_ =	shalt  }
0x77: {  	_ =	shalt  }
0x78: {  	_ =	shalt  }
0x79: {  	_ =	shalt  }
0x7a: {  	_ =	shalt  }
0x7b: {  	_ =	shalt  }
0x7c: {  	_ =	shalt  }
0x7d: {  	_ =	shalt  }
0x7e: {  	_ =	shalt  }
0x7f: {  	_ =	shalt  }
0x80: {  	_ =	shalt  }
0x81: {  	_ =	shalt  }
0x82: {  	_ =	shalt  }
0x83: {  	_ =	shalt  }
0x84: {  	_ =	shalt  }
0x85: {  	_ =	shalt  }
0x86: {  	_ =	shalt  }
0x87: {  	_ =	shalt  }
.Lfunc_end0:
.L_simem_size_0:
called_computation.1_lowered:
.L_overlay_start_0:
0x88: {  	s2 =	sld [smem:$0x3FD9]  }
0x89: {  	s3 =	sld [smem:$0x3FFE];
	_ =	sdelay $0x1  }
0x8a: {  	s1 =	srdreg.scid  }
0x8b: {  	s0 =	sand.u32 $0x1, s1  }
0x8c: {  	s14 =	sshll.u32 s0, $0xA;
	s2 =	sadd.s32 s3, s2  }
0x8d: {  	s2 =	sadd.s32 s2, s14  }
0x8e: {  	[smem:$0x3FA6] =	sst s2  }
0x8f: {  	_ = 	snop  }
0x90: {  	s2 =	sld [smem:$0x3FD0];
	_ =	sdelay $0x2  }
0x91: {  	s15 =	simm.s32 $0xA;
	s4 =	simm.s32 $0x10  }
0x92: {  	[smem:s4], [sflag:s15] =	dma.local [hbm:s2], $0x1  }
0x93: {  	_ =	swait.eq [sflag:s15], $0x1  }
0x94: {  	[sflag:s15] =	ssyncset.done $0x0  }
0x95: {  	[sflag:s15] =	ssyncadd.s32 $0xFFFFFFFF  }
0x96: {  	s16 =	sld [smem:$0x11];
	(tm) =	ssettm $0x1  }
0x97: {  	s17 =	sld [smem:$0x3FFB];
	_ =	sdelay $0x3  }
0x98: {  	_ =	strace s17  }
0x99: {  	s3 =	sld [smem:$0x3FFC];
	_ =	sdelay $0x3  }
0x9a: {  	_ =	strace s3  }
0x9b: {  	s3 =	sld [smem:$0x3FFD];
	_ =	sdelay $0x3  }
0x9c: {  	_ =	strace s3  }
0x9d: {  	_ =	strace $0x8FFFFFFF  }
0x9e: {  	s18 =	sld [smem:$0x3FDB];
	_ =	sdelay $0x1  }
0x9f: {  	s19 =	simm.s32 $_scs_section_size  }
0xa0: {  	s5 =	simm.s32 $_size__tile_overlayer_lowered;
	s6 =	simm.s32 $_tile_overlayer_lowered  }
0xa1: {  	s22 =	simm.s32 $0x1BFF;
	s21 =	sshll.u32 s6, $0x1;
	s3 =	sadd.s32 s19, s18  }
0xa2: {  	s7 =	simm.s32 $0x0;
	s20 =	sshll.u32 s5, $0x1;
	s5 =	sadd.s32 s21, s3  }
0xa3: {  	[timem:s7], [sflag:s22] =	dma.local [hbm:s5], s20  }
0xa4: {  	_ =	swait.ge [sflag:s22], s20  }
0xa5: {  	s4 =	ssub.s32 $0x0, s20;
	[sflag:s22] =	ssyncset.done $0x0  }
0xa6: {  	[sflag:s22] =	ssyncadd.s32 s4;
	_ =	sdelay $0x1  }
0xa7: {  	s23 =	simm.s32 $0x1B8B  }
0xa8: {  	_ =	swait.ge [sflag:s23], $0x1  }
0xa9: {  	[sflag:s23] =	ssyncset.done $0x0  }
0xaa: {  	s25 =	simm.s32 $0x1B8E;
	s24 =	sld [smem:$0x3FFE];
	[sflag:s23] =	ssyncadd.s32 $0xFFFFFFFF  }
0xab: {  	s26 =	simm.s32 $execute0_lowered;
	[smem:$0x3FD2] =	sst s25  }
0xac: {  	s5 =	sshll.u32 s26, $0x1;
	_ =	strace $0x80000049;
	[dreg:$0x1] =	wrdreg $0xFFFFFFFF  }
0xad: {  	s28 =	simm.s32 $_size_execute0_lowered;
	s3 =	sadd.s32 s3, s5;
	[dreg:$0x0] =	wrdreg $0x0  }
0xae: {  	s5 =	sshll.u32 s28, $0x1;
	[dreg:$0x2] =	wrdreg s3  }
0xaf: {  	[dreg:$0x3] =	wrdreg s5  }
0xb0: {  	[dreg:$0x4] =	wrdreg $0xC0  }
0xb1: {  	_ =	task [dreg:s7], $0x5FFFF  }
0xb2: {  	[dreg:$0x1] =	wrdreg $0xFFFFFFFF  }
0xb3: {  	[dreg:$0x0] =	wrdreg $0x60  }
0xb4: {  	[dreg:$0x2] =	wrdreg s16  }
0xb5: {  	[dreg:$0x3] =	wrdreg s24  }
0xb6: {  	[dreg:$0x4] =	wrdreg $0xA8000  }
0xb7: {  	[dreg:$0x5] =	wrdreg $0x9  }
0xb8: {  	_ =	task.clear_ibuf [dreg:s7], $0x6FFFF;
	_ =	strace $0x90000049  }
0xb9: {  	s29 =	simm.s32 $0x9;
	_ =	strace $0x8000004B  }
0xba: {  	_ =	swait.ge [sflag:s29], $0x1  }
0xbb: {  	[sflag:s29] =	ssyncadd.s32 $0xFFFFFFFF  }
0xbc: {  	_ =	strace $0x9000004B  }
0xbd: {  	_ =	sfence  }
0xbe: {  	s30 =	sld [smem:$0x0];
	_ =	sdelay $0x2  }
0xbf: {  	s31 =	sshll.u32 s1, $0xD;
	s1 =	sshrl.u32 s1, $0x2  }
0xc0: {  	s3 =	sand.u32 $0x4000, s31;
	s1 =	sadd.s32 s1, s30  }
0xc1: {  	s0 =	sor.u32 s3, s0;
	s1 =	sshll.u32 s1, $0x11  }
0xc2: {  	s0 =	sor.u32 s1, s0  }
0xc3: {  	s0 =	sadd.s32 $0x8F2B, s0  }
0xc4: {  	[sflag:s0] =	ssyncadd.remote.s32 $0x1  }
0xc5: {  	_ =	sfence.sel $0xFFFF  }
0xc6: {  	[dreg:$0x0] =	wrdreg $0xFFFFFFFF;
	(pc) =	sbr.abs _section_cstart, $3  }
0xc7: {  	[dreg:$0x1] =	wrdreg $0xFFFFFFFF  }
0xc8: {  	_ =	task.clear_ibuf [dreg:s7], $0x2FFFF;
	_ =	strace $0x9FFFFFFF  }
0xc9: {  	(tm) =	ssettm $0x7FFFFFFF  }
tec
execute0_lowered:
.L_overlay_start_1:
0x0: {  	(tag) =	ssettag $0x1  }
0x1: {  	s1 =	rddreg [dreg:$0x0]  }
0x2: {  	s7 =	rddreg [dreg:$0x1]  }
0x3: {  	s0 =	srdreg.scid;
	s3 =	rddreg [dreg:$0x2]  }
0x4: {  	s2 =	rddreg [dreg:$0x3];
	s4 =	simm.s32 $0x0;
	s6 =	sand.u32 $0x1, s0  }
0x5: {  	s18 =	simm.s32 $0x2800;
	s0 =	stileid.u32;
	s5 =	smul.u32 $0x28000, s6  }
0x6: {  	s19 =	simm.s32 $0x6800;
	s20 =	simm.s32 $0x4;
	s8 =	smul.u32 $0x2800, s0  }
0x7: {  	s23 =	simm.s32 $0x0;
	[smem:$0x7FF] =	sst s4;
	s11 =	smul.u32 $0x4E400, s0  }
0x8: {  	s12 =	sadd.s32 $0x16C00, s7;
	s22 =	sadd.s32 $0x138000, s3;
	s29 =	smul.u32 $0x138800, s6  }
0x9: {  	_ =	strace $0x8000004A;
	s25 =	ssub.s32 $0x2, s6;
	s15 =	smul.u32 $0x13800, s0  }
0xa: {  	s30 =	sshll.u32 s0, $0x6;
	s16 =	smul.u32 $0x4E000, s0;
	p0 =	sne.s32 s0, $0xF  }
0xb: {  	s26 =	sshrl.u32 s25, $0x1;
	s6 =	sor.u32 $0x1C05, s30;
	s22 =	sshrl.u32 @!p0 s22, $0x3  }
0xc: {  	s5 =	sadd.s32 s8, s5;
	s24 =	sshrl.u32 s8, $0x3;
	s13 =	ssub.s32 s25, s26  }
0xd: {  	s28 =	sshrl.u32 s11, $0x2;
	s15 =	sadd.s32 s15, s29;
	s17 =	sshrl.u32 s29, $0x3  }
0xe: {  	s31 =	sshrl.u32 s16, $0x2;
	s16 =	simm.s32 $0x1400;
	s5 =	sshrl.u32 s5, $0x3  }
0xf: {  	s10 =	sadd.s32 s24, s7;
	s14 =	sadd.s32 s28, s3;
	s15 =	sshrl.u32 s15, $0x3  }
0x10: {  	s21 =	sadd.s32 s31, s3;
	s13 =	smax.u32 s13, $0x1;
	s9 =	sadd.s32 s5, s7  }
0x11: {  	s5 =	sadd.s32 $0x14400, s7;
	s8 =	sadd.s32 $0xF400, s10;
	s10 =	sadd.s32 $0xF680, s10  }
0x12: {  	s11 =	sadd.s32 s12, s15;
	s12 =	sadd.s32 s12, s17;
	s14 =	sshrl.u32 s14, $0x3  }
0x13: {  	s15 =	simm.s32 $0x5;
	s17 =	simm.s32 $0x80;
	s21 =	sshrl.u32 s21, $0x3  }
0x14: {  	s7 =	sadd.s32 $0x5400, s9;
	s9 =	sadd.s32 $0x5680, s9;
	s12 =	sadd.s32 $0x27000, s12  }
.LBB2_1:
0x15: {  	[spmem:s14], [sflag:s6] =	dma.local [hbm:s5], $0x2720  }
0x16: {  	_ =	swait.ge [sflag:s15], $0x2720  }
0x17: {  	[sflag:s15] =	ssyncset.done $0x0  }
0x18: {  	[sflag:s15] =	ssyncadd.s32 $0xFFFFD8E0  }
0x19: {  	[bflag:$0x0] =	sbarrier.arrive $0xFFFF  }
0x1a: {  	[tilespmem:s4], [sflag:$0x5] =	stream.linear.gather [hbm4b:s7+s4], $0x1400, $0x38;
	[tilespmem:$0x1E100] =	vst v63  }
0x1b: {  	_ =	swait.ge [sflag:s15], $0x1400  }
0x1c: {  	[sflag:s15] =	ssyncset.done $0x0  }
0x1d: {  	[sflag:s15] =	ssyncadd.s32 $0xFFFFEC00  }
0x1e: {  	[tilespmem:s16], [sflag:$0x5] =	stream.linear.gather [hbm4b:s8+s4], $0x1400, $0x38;
	[tilespmem:$0x1E100] =	vst v63  }
0x1f: {  	_ =	swait.ge [sflag:s15], $0x1400  }
0x20: {  	[sflag:s15] =	ssyncset.done $0x0  }
0x21: {  	[sflag:s15] =	ssyncadd.s32 $0xFFFFEC00  }
0x22: {  	[tilespmem:s18], [sflag:$0x1] =	stream.indirect.gather [hbm4b:s1+s17], $0x80, s4, s17, $0xb8;
	[tilespmem:$0x1E100] =	vst v63  }
0x23: {  	s24 =	simm.s32 $0x1  }
0x24: {  	[tilespmem:s19], [sflag:$0x2] =	stream.indirect.gather [hbm4b:s1+s17], $0x80, s17, s17, $0xb8;
	[tilespmem:$0x1E100] =	vst v63  }
0x25: {  	_ =	swait.ge [sflag:s24], $0x4000  }
0x26: {  	[sflag:s24] =	ssyncset.done $0x0  }
0x27: {  	[sflag:s24] =	ssyncadd.s32 $0xFFFFC000  }
0x28: {  	[spmem:s3] =	stream.indirect.scatter.add.f32 [tilespmem:s18], [sflag:$0x3], $0x80, s16, s17, $0xb8;
	[tilespmem:$0x1E100] =	vst v63  }
.LBB2_2:
0x29: {  	s25 =	smov.u32 s24;
	s26 =	sand.u32 $0x1, s24  }
0x2a: {  	s24 =	sxor.u32 $0x1, s26;
	p1 =	seq.s32 s25, $0x27  }
0x2b: {  	s28 =	sadd.s32 $0x3, s24;
	s24 =	sadd.s32 @!p1 $0x1, s25  }
0x2c: {  	_ =	swait.ge [sflag:s28], $0x4000;
	s29 =	sand.u32 @!p1 $0x1, s24  }
0x2d: {  	s31 =	simm.s32 @!p1 $0x80;
	[sflag:s28] =	ssyncset.done $0x0;
	s30 =	sshll.u32 @!p1 s29, $0xE  }
0x2e: {  	[sflag:s28] =	ssyncadd.s32 $0xFFFFC000;
	s28 =	sor.u32 @!p1 $0x2800, s30;
	s30 =	sshll.u32 @!p1 s24, $0x7  }
0x2f: {  	s29 =	sadd.s32 @!p1 $0x1, s29;
	s24 =	simm.s32 @p1 $0x28;
	s30 =	sand.u32 @!p1 $0x3FFFFF80, s30  }
0x30: {  	[tilespmem:s28], [sflag:s29] =	stream.indirect.gather @!p1 [hbm4b:s1+s31], $0x80, s30, s31, $0xb8;
	[tilespmem:$0x1E100] =	vst v63  }
0x31: {  	p1 =	sne.s32 s24, $0x28  }
.Ltmp0:
0x32: {  	s25 =	sshll.u32 s25, $0x7;
	s30 =	sadd.s32 $0x1, s26;
	(pc) =	sbr.rel @p1 .LBB2_2-.Ltmp0, $4  }
0x33: {  	s25 =	sand.u32 $0x3FFFFF80, s25;
	_ =	swait.ge [sflag:s30], $0x4000  }
0x34: {  	s25 =	sadd.s32 $0x1400, s25;
	s31 =	sshll.u32 s26, $0xE;
	[sflag:s30] =	ssyncset.done $0x0  }
0x35: {  	s26 =	sadd.s32 $0x3, s26;
	s29 =	sor.u32 $0x2800, s31;
	[sflag:s30] =	ssyncadd.s32 $0xFFFFC000  }
0x36: {  	[spmem:s3] =	stream.indirect.scatter.add.f32 [tilespmem:s29], [sflag:s26], $0x80, s25, s17, $0xb8;
	[tilespmem:$0x1E100] =	vst v63  }
0x37: {  	_ =	swait.ge [sflag:s20], $0x4000  }
0x38: {  	[sflag:s20] =	ssyncset.done $0x0  }
0x39: {  	[sflag:s20] =	ssyncadd.s32 $0xFFFFC000  }
0x3a: {  	[tilespmem:s4], [sflag:$0x5] =	stream.linear.gather [hbm4b:s9+s4], $0x1400, $0x38;
	[tilespmem:$0x1E100] =	vst v63  }
0x3b: {  	_ =	swait.ge [sflag:s15], $0x1400  }
0x3c: {  	[sflag:s15] =	ssyncset.done $0x0  }
0x3d: {  	[sflag:s15] =	ssyncadd.s32 $0xFFFFEC00  }
0x3e: {  	[tilespmem:s16], [sflag:$0x5] =	stream.linear.gather [hbm4b:s10+s4], $0x1400, $0x38;
	[tilespmem:$0x1E100] =	vst v63  }
0x3f: {  	_ =	swait.ge [sflag:s15], $0x1400  }
0x40: {  	[sflag:s15] =	ssyncset.done $0x0  }
0x41: {  	[sflag:s15] =	ssyncadd.s32 $0xFFFFEC00  }
0x42: {  	[tilespmem:s18], [sflag:$0x1] =	stream.indirect.gather [hbm4b:s1+s17], $0x80, s4, s17, $0xb8;
	[tilespmem:$0x1E100] =	vst v63  }
0x43: {  	s24 =	simm.s32 $0x1  }
0x44: {  	[tilespmem:s19], [sflag:$0x2] =	stream.indirect.gather [hbm4b:s1+s17], $0x80, s17, s17, $0xb8;
	[tilespmem:$0x1E100] =	vst v63  }
0x45: {  	_ =	swait.ge [sflag:s24], $0x4000  }
0x46: {  	[sflag:s24] =	ssyncset.done $0x0  }
0x47: {  	[sflag:s24] =	ssyncadd.s32 $0xFFFFC000  }
0x48: {  	[spmem:s3] =	stream.indirect.scatter.add.f32 [tilespmem:s18], [sflag:$0x3], $0x80, s16, s17, $0xb8;
	[tilespmem:$0x1E100] =	vst v63  }
.LBB2_4:
0x49: {  	s25 =	smov.u32 s24;
	s26 =	sand.u32 $0x1, s24  }
0x4a: {  	s24 =	sxor.u32 $0x1, s26;
	p1 =	seq.s32 s25, $0x27  }
0x4b: {  	s28 =	sadd.s32 $0x3, s24;
	s24 =	sadd.s32 @!p1 $0x1, s25  }
0x4c: {  	_ =	swait.ge [sflag:s28], $0x4000;
	s29 =	sand.u32 @!p1 $0x1, s24  }
0x4d: {  	s31 =	simm.s32 @!p1 $0x80;
	[sflag:s28] =	ssyncset.done $0x0;
	s30 =	sshll.u32 @!p1 s29, $0xE  }
0x4e: {  	[sflag:s28] =	ssyncadd.s32 $0xFFFFC000;
	s28 =	sor.u32 @!p1 $0x2800, s30;
	s30 =	sshll.u32 @!p1 s24, $0x7  }
0x4f: {  	s29 =	sadd.s32 @!p1 $0x1, s29;
	s24 =	simm.s32 @p1 $0x28;
	s30 =	sand.u32 @!p1 $0x3FFFFF80, s30  }
0x50: {  	[tilespmem:s28], [sflag:s29] =	stream.indirect.gather @!p1 [hbm4b:s1+s31], $0x80, s30, s31, $0xb8;
	[tilespmem:$0x1E100] =	vst v63  }
0x51: {  	p1 =	sne.s32 s24, $0x28  }
.Ltmp1:
0x52: {  	s25 =	sshll.u32 s25, $0x7;
	s30 =	sadd.s32 $0x1, s26;
	(pc) =	sbr.rel @p1 .LBB2_4-.Ltmp1, $4  }
0x53: {  	s25 =	sand.u32 $0x3FFFFF80, s25;
	_ =	swait.ge [sflag:s30], $0x4000  }
0x54: {  	s25 =	sadd.s32 $0x1400, s25;
	s31 =	sshll.u32 s26, $0xE;
	[sflag:s30] =	ssyncset.done $0x0  }
0x55: {  	s26 =	sadd.s32 $0x3, s26;
	s29 =	sor.u32 $0x2800, s31;
	[sflag:s30] =	ssyncadd.s32 $0xFFFFC000  }
0x56: {  	[spmem:s3] =	stream.indirect.scatter.add.f32 [tilespmem:s29], [sflag:s26], $0x80, s25, s17, $0xb8;
	[tilespmem:$0x1E100] =	vst v63  }
0x57: {  	_ =	swait.ge [sflag:s20], $0x4000  }
0x58: {  	[sflag:s20] =	ssyncset.done $0x0  }
0x59: {  	[sflag:s20] =	ssyncadd.s32 $0xFFFFC000  }
0x5a: {  	[bflag:$0x0] =	sbarrier.arrive $0xFFFF  }
0x5b: {  	[hbm:s11], [sflag:s6] =	dma.local [spmem:s21], $0x2700  }
0x5c: {  	s23 =	sadd.s32 $0x1, s23;
	_ =	swait.ge [sflag:s15], $0x2700  }
0x5d: {  	p1 =	sne.s32 s23, s13;
	[sflag:s15] =	ssyncset.done $0x0  }
.Ltmp2:
0x5e: {  	s24 =	simm.s32 @!p0 $0x5;
	[sflag:s15] =	ssyncadd.s32 $0xFFFFD900;
	(pc) =	sbr.rel @p1 .LBB2_1-.Ltmp2, $4  }
0x5f: {  	[hbm:s12], [sflag:s6] =	dma.local @!p0 [spmem:s22], $0x100  }
0x60: {  	_ =	swait.ge @!p0 [sflag:s24], $0x100  }
0x61: {  	[sflag:s24] =	ssyncset.done @!p0 $0x0  }
0x62: {  	[sflag:s24] =	ssyncadd.s32 @!p0 $0xFFFFFF00  }
0x63: {  	_ =	sfence.sel $0x180000  }
0x64: {  	[bflag:$0x0] =	sbarrier.arrive $0xFFFF  }
0x65: {  	p0 =	sne.s32 s0, $0x0;
	_ =	strace $0x9000004A  }
0x66: {  	s0 =	sadd.s32 @!p0 $0x100000, s2;
	[bflag:$0x2] =	sbarrier.arrive $0xFFFF  }
0x67: {  	[sflag:s0] =	ssyncadd.tile.s32 @!p0 $0x1;
	_ =	shalt  }
.Lfunc_end2:
_tile_overlayer_lowered:
.L_overlay_start_2:
0x68: {  	(tag) =	ssettag $0x2  }
0x69: {  	s0 =	rddreg [dreg:$0x0];
	s2 =	stileid.u32  }
0x6a: {  	s1 =	rddreg [dreg:$0x1];
	p0 =	sne.s32 s2, $0x0  }
0x6b: {  	s3 =	rddreg [dreg:$0x2];
	[bflag:$0x3] =	sbarrier.arrive $0xFFFF;
	s2 =	simm.s32 @!p0 $0x1C05  }
0x6c: {  	[timem:s3], [sflag:s2] =	dma.local @!p0 [hbm:s0], s1  }
0x6d: {  	s0 =	simm.s32 @!p0 $0x5  }
0x6e: {  	_ =	swait.ge @!p0 [sflag:s0], s1  }
0x6f: {  	s1 =	ssub.s32 @!p0 $0x0, s1;
	[sflag:s0] =	ssyncset.done @!p0 $0x0  }
0x70: {  	[sflag:s0] =	ssyncadd.s32 @!p0 s1  }
0x71: {  	[bflag:$0x3] =	sbarrier.arrive $0xFFFF  }
0x72: {  	_ =	shalt  }

// kernel: kernel.15.cloned.1.call-start
scs
__scs_entry_jumppad:
0x0: {  	(pc) =	sbr.rel $0x88, $3  }
0x1: {  	(tag) =	ssettag $0x0;
	lr =	simm.s32 $0x1  }
0x2: {  	[smem:$0x3F7F] =	sst lr;
	_ =	strace $0xD0000000  }
0x3: {  	_ = 	snop  }
0x4: {  	_ = 	snop  }
0x5: {  	_ = 	snop  }
0x6: {  	_ = 	snop  }
0x7: {  	_ = 	snop  }
__scs_overlays_trampoline_lowered:
0x8: {  	[smem:$0x3F8E] =	sst s0  }
0x9: {  	[smem:$0x3F8F] =	sst s1  }
0xa: {  	[smem:$0x3F90] =	sst s2  }
0xb: {  	[smem:$0x3F91] =	sst s3  }
0xc: {  	[smem:$0x3F92] =	sst s4  }
0xd: {  	[smem:$0x3F93] =	sst s5  }
0xe: {  	[smem:$0x3F94] =	sst s6  }
0xf: {  	[smem:$0x3F95] =	sst s7  }
0x10: {  	[smem:$0x3F96] =	sst s8  }
0x11: {  	[smem:$0x3F97] =	sst s9;
	s0 =	simm.s32 @!p0 $0x0  }
0x12: {  	s1 =	sld [smem:$0x3F7D];
	s0 =	simm.s32 @p0 $0x1  }
0x13: {  	[smem:$0x3F98] =	sst s0;
	s0 =	simm.s32 @!p1 $0x0  }
0x14: {  	s2 =	sld [smem:$0x3F7C];
	s0 =	simm.s32 @p1 $0x1  }
0x15: {  	[smem:$0x3F99] =	sst s0;
	s0 =	simm.s32 @!p2 $0x0  }
0x16: {  	s3 =	sld [smem:$0x3FDB];
	s0 =	simm.s32 @p2 $0x1  }
0x17: {  	s4 =	simm.s32 $0x1BF5;
	[smem:$0x3F9B] =	sst s0  }
0x18: {  	s0 =	sld [smem:$0x3F7E];
	_ =	swait.ge [sflag:s4], $0x0  }
0x19: {  	s7 =	sld [smem:$0x3F7F]  }
0x1a: {  	s8 =	sadd.s32 $0xFFFFE003, lr  }
0x1b: {  	s9 =	sadd.s32 $0xFFFFFEF7, lr;
	s5 =	simm.s32 $0xFFFFFFFF;
	p2 =	slt.u32 s8, $0xFFFFF086  }
0x1c: {  	p1 =	slt.u32 s9, $0xF7A;
	s5 =	simm.s32 @!p2 $0x0  }
0x1d: {  	s5 =	simm.s32 @p1 $0x1;
	p0 =	seq.s32 s7, s2  }
0x1e: {  	s7 =	smul.u32 @!p0 $0xF7A, s2;
	p2 =	seq.s32 @!p0 s5, $0x0  }
0x1f: {  	s9 =	smul.u32 $0xF7A, s1;
	s8 =	simm.s32 @!p0 $0x1BF5;
	p2 =	por !p2, p0  }
0x20: {  	[sflag:s8] =	ssyncset.s32 @!p0 $0xFFFFF086;
	s6 =	sadd.s32 @!p0 s3, s7;
	s7 =	simm.s32 @!p0 $0x108  }
0x21: {  	s3 =	sadd.s32 s3, s9;
	s6 =	sadd.s32 @!p0 $0x88, s6;
	s7 =	simm.s32 @p2 $0x1082  }
0x22: {  	[simem:s7], [sflag:s8] =	dma.local @!p0 [hbm:s6], $0xF7A  }
0x23: {  	s9 =	sor.u32 $0xD0000000, s2;
	s6 =	simm.s32 $0x108;
	_ =	swait.ge @!p0 [sflag:s8], $0x0  }
0x24: {  	s3 =	sadd.s32 $0x88, s3;
	s6 =	simm.s32 @!p1 $0x1082;
	[sflag:s4] =	ssyncset.s32 $0xFFFFF086  }
0x25: {  	[simem:s6], [sflag:s4] =	dma.local [hbm:s3], $0xF7A  }
0x26: {  	[smem:$0x3F7F] =	sst s1;
	(tag) =	ssettag s2;
	_ =	strace s9  }
0x27: {  	s1 =	sld [smem:$0x3F8F]  }
0x28: {  	s2 =	sld [smem:$0x3F90]  }
0x29: {  	s4 =	sld [smem:$0x3F92]  }
0x2a: {  	p0 =	seq.s32 s5, $0x0;
	s5 =	sld [smem:$0x3F93]  }
0x2b: {  	s6 =	sld [smem:$0x3F94]  }
0x2c: {  	s7 =	sld [smem:$0x3F95]  }
0x2d: {  	s3 =	simm.s32 $0x108;
	s8 =	sld [smem:$0x3F96]  }
0x2e: {  	s3 =	simm.s32 @!p0 $0x1082;
	s9 =	sld [smem:$0x3F97]  }
0x2f: {  	lr =	sadd.s32 s0, s3;
	s0 =	sld [smem:$0x3F8E]  }
0x30: {  	s3 =	sld [smem:$0x3F91]  }
0x31: {  	[smem:$0x3F9A] =	sst s10  }
0x32: {  	s10 =	sld [smem:$0x3F98];
	_ =	sdelay $0x3  }
0x33: {  	p0 =	seq.s32 s10, $0x1;
	s10 =	sld [smem:$0x3F9A];
	_ =	sdelay $0x3  }
0x34: {  	[smem:$0x3F9A] =	sst s10  }
0x35: {  	s10 =	sld [smem:$0x3F99];
	_ =	sdelay $0x3  }
0x36: {  	p1 =	seq.s32 s10, $0x1;
	s10 =	sld [smem:$0x3F9A];
	_ =	sdelay $0x3  }
0x37: {  	[smem:$0x3F9A] =	sst s10  }
0x38: {  	s10 =	sld [smem:$0x3F9B]  }
0x39: {  	_ = 	snop;
	(pc) =	sbr.ind lr, $3  }
0x3a: {  	_ = 	snop  }
0x3b: {  	_ = 	snop  }
0x3c: {  	p2 =	seq.s32 s10, $0x1;
	s10 =	sld [smem:$0x3F9A]  }
0x3d: {  	_ =	shalt  }
0x3e: {  	_ =	shalt  }
0x3f: {  	_ =	shalt  }
0x40: {  	_ =	shalt  }
0x41: {  	_ =	shalt  }
0x42: {  	_ =	shalt  }
0x43: {  	_ =	shalt  }
0x44: {  	_ =	shalt  }
0x45: {  	_ =	shalt  }
0x46: {  	_ =	shalt  }
0x47: {  	_ =	shalt  }
0x48: {  	_ =	shalt  }
0x49: {  	_ =	shalt  }
0x4a: {  	_ =	shalt  }
0x4b: {  	_ =	shalt  }
0x4c: {  	_ =	shalt  }
0x4d: {  	_ =	shalt  }
0x4e: {  	_ =	shalt  }
0x4f: {  	_ =	shalt  }
0x50: {  	_ =	shalt  }
0x51: {  	_ =	shalt  }
0x52: {  	_ =	shalt  }
0x53: {  	_ =	shalt  }
0x54: {  	_ =	shalt  }
0x55: {  	_ =	shalt  }
0x56: {  	_ =	shalt  }
0x57: {  	_ =	shalt  }
0x58: {  	_ =	shalt  }
0x59: {  	_ =	shalt  }
0x5a: {  	_ =	shalt  }
0x5b: {  	_ =	shalt  }
0x5c: {  	_ =	shalt  }
0x5d: {  	_ =	shalt  }
0x5e: {  	_ =	shalt  }
0x5f: {  	_ =	shalt  }
0x60: {  	_ =	shalt  }
0x61: {  	_ =	shalt  }
0x62: {  	_ =	shalt  }
0x63: {  	_ =	shalt  }
0x64: {  	_ =	shalt  }
0x65: {  	_ =	shalt  }
0x66: {  	_ =	shalt  }
0x67: {  	_ =	shalt  }
0x68: {  	_ =	shalt  }
0x69: {  	_ =	shalt  }
0x6a: {  	_ =	shalt  }
0x6b: {  	_ =	shalt  }
0x6c: {  	_ =	shalt  }
0x6d: {  	_ =	shalt  }
0x6e: {  	_ =	shalt  }
0x6f: {  	_ =	shalt  }
0x70: {  	_ =	shalt  }
0x71: {  	_ =	shalt  }
0x72: {  	_ =	shalt  }
0x73: {  	_ =	shalt  }
0x74: {  	_ =	shalt  }
0x75: {  	_ =	shalt  }
0x76: {  	_ =	shalt  }
0x77: {  	_ =	shalt  }
0x78: {  	_ =	shalt  }
0x79: {  	_ =	shalt  }
0x7a: {  	_ =	shalt  }
0x7b: {  	_ =	shalt  }
0x7c: {  	_ =	shalt  }
0x7d: {  	_ =	shalt  }
0x7e: {  	_ =	shalt  }
0x7f: {  	_ =	shalt  }
0x80: {  	_ =	shalt  }
0x81: {  	_ =	shalt  }
0x82: {  	_ =	shalt  }
0x83: {  	_ =	shalt  }
0x84: {  	_ =	shalt  }
0x85: {  	_ =	shalt  }
0x86: {  	_ =	shalt  }
0x87: {  	_ =	shalt  }
.Lfunc_end0:
.L_simem_size_0:
called_computation.2_lowered:
.L_overlay_start_0:
0x88: {  	s2 =	sld [smem:$0x3FD9]  }
0x89: {  	s3 =	sld [smem:$0x3FFE];
	_ =	sdelay $0x1  }
0x8a: {  	s1 =	srdreg.scid  }
0x8b: {  	s0 =	sand.u32 $0x1, s1  }
0x8c: {  	s14 =	sshll.u32 s0, $0xA;
	s2 =	sadd.s32 s3, s2  }
0x8d: {  	s2 =	sadd.s32 s2, s14  }
0x8e: {  	[smem:$0x3FA6] =	sst s2  }
0x8f: {  	_ = 	snop  }
0x90: {  	s2 =	sld [smem:$0x3FD0];
	_ =	sdelay $0x2  }
0x91: {  	s15 =	simm.s32 $0xA;
	s4 =	simm.s32 $0x10  }
0x92: {  	[smem:s4], [sflag:s15] =	dma.local [hbm:s2], $0x1  }
0x93: {  	_ =	swait.eq [sflag:s15], $0x1  }
0x94: {  	[sflag:s15] =	ssyncset.done $0x0  }
0x95: {  	[sflag:s15] =	ssyncadd.s32 $0xFFFFFFFF  }
0x96: {  	s16 =	sld [smem:$0x11];
	(tm) =	ssettm $0x1  }
0x97: {  	s17 =	sld [smem:$0x3FFB];
	_ =	sdelay $0x3  }
0x98: {  	_ =	strace s17  }
0x99: {  	s3 =	sld [smem:$0x3FFC];
	_ =	sdelay $0x3  }
0x9a: {  	_ =	strace s3  }
0x9b: {  	s3 =	sld [smem:$0x3FFD];
	_ =	sdelay $0x3  }
0x9c: {  	_ =	strace s3  }
0x9d: {  	_ =	strace $0x8FFFFFFF  }
0x9e: {  	s18 =	sld [smem:$0x3FDB];
	_ =	sdelay $0x1  }
0x9f: {  	s19 =	simm.s32 $_scs_section_size  }
0xa0: {  	s5 =	simm.s32 $_size__tile_overlayer_lowered;
	s6 =	simm.s32 $_tile_overlayer_lowered  }
0xa1: {  	s22 =	simm.s32 $0x1BFF;
	s21 =	sshll.u32 s6, $0x1;
	s3 =	sadd.s32 s19, s18  }
0xa2: {  	s7 =	simm.s32 $0x0;
	s20 =	sshll.u32 s5, $0x1;
	s5 =	sadd.s32 s21, s3  }
0xa3: {  	[timem:s7], [sflag:s22] =	dma.local [hbm:s5], s20  }
0xa4: {  	_ =	swait.ge [sflag:s22], s20  }
0xa5: {  	s4 =	ssub.s32 $0x0, s20;
	[sflag:s22] =	ssyncset.done $0x0  }
0xa6: {  	[sflag:s22] =	ssyncadd.s32 s4;
	_ =	sdelay $0x1  }
0xa7: {  	s23 =	simm.s32 $0x1B8B  }
0xa8: {  	_ =	swait.ge [sflag:s23], $0x1  }
0xa9: {  	[sflag:s23] =	ssyncset.done $0x0  }
0xaa: {  	s25 =	simm.s32 $0x1B8E;
	s24 =	sld [smem:$0x3FFE];
	[sflag:s23] =	ssyncadd.s32 $0xFFFFFFFF  }
0xab: {  	s26 =	simm.s32 $execute0_lowered;
	[smem:$0x3FD2] =	sst s25  }
0xac: {  	s5 =	sshll.u32 s26, $0x1;
	_ =	strace $0x8000004C;
	[dreg:$0x1] =	wrdreg $0xFFFFFFFF  }
0xad: {  	s28 =	simm.s32 $_size_execute0_lowered;
	s3 =	sadd.s32 s3, s5;
	[dreg:$0x0] =	wrdreg $0x0  }
0xae: {  	s5 =	sshll.u32 s28, $0x1;
	[dreg:$0x2] =	wrdreg s3  }
0xaf: {  	[dreg:$0x3] =	wrdreg s5  }
0xb0: {  	[dreg:$0x4] =	wrdreg $0xC0  }
0xb1: {  	_ =	task [dreg:s7], $0x5FFFF  }
0xb2: {  	[dreg:$0x1] =	wrdreg $0xFFFFFFFF  }
0xb3: {  	[dreg:$0x0] =	wrdreg $0x60  }
0xb4: {  	[dreg:$0x2] =	wrdreg s16  }
0xb5: {  	[dreg:$0x3] =	wrdreg s24  }
0xb6: {  	[dreg:$0x4] =	wrdreg $0xA8000  }
0xb7: {  	[dreg:$0x5] =	wrdreg $0x9  }
0xb8: {  	_ =	task.clear_ibuf [dreg:s7], $0x6FFFF;
	_ =	strace $0x9000004C  }
0xb9: {  	s29 =	simm.s32 $0x9;
	_ =	strace $0x8000004E  }
0xba: {  	_ =	swait.ge [sflag:s29], $0x1  }
0xbb: {  	[sflag:s29] =	ssyncadd.s32 $0xFFFFFFFF  }
0xbc: {  	_ =	strace $0x9000004E  }
0xbd: {  	_ =	sfence  }
0xbe: {  	s30 =	sld [smem:$0x0];
	_ =	sdelay $0x2  }
0xbf: {  	s31 =	sshll.u32 s1, $0xD;
	s1 =	sshrl.u32 s1, $0x2  }
0xc0: {  	s3 =	sand.u32 $0x4000, s31;
	s1 =	sadd.s32 s1, s30  }
0xc1: {  	s0 =	sor.u32 s3, s0;
	s1 =	sshll.u32 s1, $0x11  }
0xc2: {  	s0 =	sor.u32 s1, s0  }
0xc3: {  	s0 =	sadd.s32 $0x8F2B, s0  }
0xc4: {  	[sflag:s0] =	ssyncadd.remote.s32 $0x1  }
0xc5: {  	_ =	sfence.sel $0xFFFF  }
0xc6: {  	[dreg:$0x0] =	wrdreg $0xFFFFFFFF;
	(pc) =	sbr.abs _section_cstart, $3  }
0xc7: {  	[dreg:$0x1] =	wrdreg $0xFFFFFFFF  }
0xc8: {  	_ =	task.clear_ibuf [dreg:s7], $0x2FFFF;
	_ =	strace $0x9FFFFFFF  }
0xc9: {  	(tm) =	ssettm $0x7FFFFFFF  }
tec
execute0_lowered:
.L_overlay_start_1:
0x0: {  	(tag) =	ssettag $0x1  }
0x1: {  	s1 =	rddreg [dreg:$0x0]  }
0x2: {  	s7 =	rddreg [dreg:$0x1]  }
0x3: {  	s0 =	srdreg.scid;
	s3 =	rddreg [dreg:$0x2]  }
0x4: {  	s2 =	rddreg [dreg:$0x3];
	s4 =	simm.s32 $0x0;
	s6 =	sand.u32 $0x1, s0  }
0x5: {  	s18 =	simm.s32 $0x2800;
	s0 =	stileid.u32;
	s5 =	smul.u32 $0x28000, s6  }
0x6: {  	s19 =	simm.s32 $0x6800;
	s20 =	simm.s32 $0x4;
	s8 =	smul.u32 $0x2800, s0  }
0x7: {  	s23 =	simm.s32 $0x0;
	[smem:$0x7FF] =	sst s4;
	s11 =	smul.u32 $0x4E400, s0  }
0x8: {  	s12 =	sadd.s32 $0x16C00, s7;
	s22 =	sadd.s32 $0x138000, s3;
	s29 =	smul.u32 $0x138800, s6  }
0x9: {  	_ =	strace $0x8000004D;
	s25 =	ssub.s32 $0x2, s6;
	s15 =	smul.u32 $0x13800, s0  }
0xa: {  	s30 =	sshll.u32 s0, $0x6;
	s16 =	smul.u32 $0x4E000, s0;
	p0 =	sne.s32 s0, $0xF  }
0xb: {  	s26 =	sshrl.u32 s25, $0x1;
	s6 =	sor.u32 $0x1C05, s30;
	s22 =	sshrl.u32 @!p0 s22, $0x3  }
0xc: {  	s5 =	sadd.s32 s8, s5;
	s24 =	sshrl.u32 s8, $0x3;
	s13 =	ssub.s32 s25, s26  }
0xd: {  	s28 =	sshrl.u32 s11, $0x2;
	s15 =	sadd.s32 s15, s29;
	s17 =	sshrl.u32 s29, $0x3  }
0xe: {  	s31 =	sshrl.u32 s16, $0x2;
	s16 =	simm.s32 $0x1400;
	s5 =	sshrl.u32 s5, $0x3  }
0xf: {  	s10 =	sadd.s32 s24, s7;
	s14 =	sadd.s32 s28, s3;
	s15 =	sshrl.u32 s15, $0x3  }
0x10: {  	s21 =	sadd.s32 s31, s3;
	s13 =	smax.u32 s13, $0x1;
	s9 =	sadd.s32 s5, s7  }
0x11: {  	s5 =	sadd.s32 $0x14400, s7;
	s8 =	sadd.s32 $0xF400, s10;
	s10 =	sadd.s32 $0xF680, s10  }
0x12: {  	s11 =	sadd.s32 s12, s15;
	s12 =	sadd.s32 s12, s17;
	s14 =	sshrl.u32 s14, $0x3  }
0x13: {  	s15 =	simm.s32 $0x5;
	s17 =	simm.s32 $0x80;
	s21 =	sshrl.u32 s21, $0x3  }
0x14: {  	s7 =	sadd.s32 $0x5400, s9;
	s9 =	sadd.s32 $0x5680, s9;
	s12 =	sadd.s32 $0x27000, s12  }
.LBB2_1:
0x15: {  	[spmem:s14], [sflag:s6] =	dma.local [hbm:s5], $0x2720  }
0x16: {  	_ =	swait.ge [sflag:s15], $0x2720  }
0x17: {  	[sflag:s15] =	ssyncset.done $0x0  }
0x18: {  	[sflag:s15] =	ssyncadd.s32 $0xFFFFD8E0  }
0x19: {  	[bflag:$0x0] =	sbarrier.arrive $0xFFFF  }
0x1a: {  	[tilespmem:s4], [sflag:$0x5] =	stream.linear.gather [hbm4b:s7+s4], $0x1400, $0x38;
	[tilespmem:$0x1E100] =	vst v63  }
0x1b: {  	_ =	swait.ge [sflag:s15], $0x1400  }
0x1c: {  	[sflag:s15] =	ssyncset.done $0x0  }
0x1d: {  	[sflag:s15] =	ssyncadd.s32 $0xFFFFEC00  }
0x1e: {  	[tilespmem:s16], [sflag:$0x5] =	stream.linear.gather [hbm4b:s8+s4], $0x1400, $0x38;
	[tilespmem:$0x1E100] =	vst v63  }
0x1f: {  	_ =	swait.ge [sflag:s15], $0x1400  }
0x20: {  	[sflag:s15] =	ssyncset.done $0x0  }
0x21: {  	[sflag:s15] =	ssyncadd.s32 $0xFFFFEC00  }
0x22: {  	[tilespmem:s18], [sflag:$0x1] =	stream.indirect.gather [hbm4b:s1+s17], $0x80, s4, s17, $0xb8;
	[tilespmem:$0x1E100] =	vst v63  }
0x23: {  	s24 =	simm.s32 $0x1  }
0x24: {  	[tilespmem:s19], [sflag:$0x2] =	stream.indirect.gather [hbm4b:s1+s17], $0x80, s17, s17, $0xb8;
	[tilespmem:$0x1E100] =	vst v63  }
0x25: {  	_ =	swait.ge [sflag:s24], $0x4000  }
0x26: {  	[sflag:s24] =	ssyncset.done $0x0  }
0x27: {  	[sflag:s24] =	ssyncadd.s32 $0xFFFFC000  }
0x28: {  	[spmem:s3] =	stream.indirect.scatter.add.f32 [tilespmem:s18], [sflag:$0x3], $0x80, s16, s17, $0xb8;
	[tilespmem:$0x1E100] =	vst v63  }
.LBB2_2:
0x29: {  	s25 =	smov.u32 s24;
	s26 =	sand.u32 $0x1, s24  }
0x2a: {  	s24 =	sxor.u32 $0x1, s26;
	p1 =	seq.s32 s25, $0x27  }
0x2b: {  	s28 =	sadd.s32 $0x3, s24;
	s24 =	sadd.s32 @!p1 $0x1, s25  }
0x2c: {  	_ =	swait.ge [sflag:s28], $0x4000;
	s29 =	sand.u32 @!p1 $0x1, s24  }
0x2d: {  	s31 =	simm.s32 @!p1 $0x80;
	[sflag:s28] =	ssyncset.done $0x0;
	s30 =	sshll.u32 @!p1 s29, $0xE  }
0x2e: {  	[sflag:s28] =	ssyncadd.s32 $0xFFFFC000;
	s28 =	sor.u32 @!p1 $0x2800, s30;
	s30 =	sshll.u32 @!p1 s24, $0x7  }
0x2f: {  	s29 =	sadd.s32 @!p1 $0x1, s29;
	s24 =	simm.s32 @p1 $0x28;
	s30 =	sand.u32 @!p1 $0x3FFFFF80, s30  }
0x30: {  	[tilespmem:s28], [sflag:s29] =	stream.indirect.gather @!p1 [hbm4b:s1+s31], $0x80, s30, s31, $0xb8;
	[tilespmem:$0x1E100] =	vst v63  }
0x31: {  	p1 =	sne.s32 s24, $0x28  }
.Ltmp0:
0x32: {  	s25 =	sshll.u32 s25, $0x7;
	s30 =	sadd.s32 $0x1, s26;
	(pc) =	sbr.rel @p1 .LBB2_2-.Ltmp0, $4  }
0x33: {  	s25 =	sand.u32 $0x3FFFFF80, s25;
	_ =	swait.ge [sflag:s30], $0x4000  }
0x34: {  	s25 =	sadd.s32 $0x1400, s25;
	s31 =	sshll.u32 s26, $0xE;
	[sflag:s30] =	ssyncset.done $0x0  }
0x35: {  	s26 =	sadd.s32 $0x3, s26;
	s29 =	sor.u32 $0x2800, s31;
	[sflag:s30] =	ssyncadd.s32 $0xFFFFC000  }
0x36: {  	[spmem:s3] =	stream.indirect.scatter.add.f32 [tilespmem:s29], [sflag:s26], $0x80, s25, s17, $0xb8;
	[tilespmem:$0x1E100] =	vst v63  }
0x37: {  	_ =	swait.ge [sflag:s20], $0x4000  }
0x38: {  	[sflag:s20] =	ssyncset.done $0x0  }
0x39: {  	[sflag:s20] =	ssyncadd.s32 $0xFFFFC000  }
0x3a: {  	[tilespmem:s4], [sflag:$0x5] =	stream.linear.gather [hbm4b:s9+s4], $0x1400, $0x38;
	[tilespmem:$0x1E100] =	vst v63  }
0x3b: {  	_ =	swait.ge [sflag:s15], $0x1400  }
0x3c: {  	[sflag:s15] =	ssyncset.done $0x0  }
0x3d: {  	[sflag:s15] =	ssyncadd.s32 $0xFFFFEC00  }
0x3e: {  	[tilespmem:s16], [sflag:$0x5] =	stream.linear.gather [hbm4b:s10+s4], $0x1400, $0x38;
	[tilespmem:$0x1E100] =	vst v63  }
0x3f: {  	_ =	swait.ge [sflag:s15], $0x1400  }
0x40: {  	[sflag:s15] =	ssyncset.done $0x0  }
0x41: {  	[sflag:s15] =	ssyncadd.s32 $0xFFFFEC00  }
0x42: {  	[tilespmem:s18], [sflag:$0x1] =	stream.indirect.gather [hbm4b:s1+s17], $0x80, s4, s17, $0xb8;
	[tilespmem:$0x1E100] =	vst v63  }
0x43: {  	s24 =	simm.s32 $0x1  }
0x44: {  	[tilespmem:s19], [sflag:$0x2] =	stream.indirect.gather [hbm4b:s1+s17], $0x80, s17, s17, $0xb8;
	[tilespmem:$0x1E100] =	vst v63  }
0x45: {  	_ =	swait.ge [sflag:s24], $0x4000  }
0x46: {  	[sflag:s24] =	ssyncset.done $0x0  }
0x47: {  	[sflag:s24] =	ssyncadd.s32 $0xFFFFC000  }
0x48: {  	[spmem:s3] =	stream.indirect.scatter.add.f32 [tilespmem:s18], [sflag:$0x3], $0x80, s16, s17, $0xb8;
	[tilespmem:$0x1E100] =	vst v63  }
.LBB2_4:
0x49: {  	s25 =	smov.u32 s24;
	s26 =	sand.u32 $0x1, s24  }
0x4a: {  	s24 =	sxor.u32 $0x1, s26;
	p1 =	seq.s32 s25, $0x27  }
0x4b: {  	s28 =	sadd.s32 $0x3, s24;
	s24 =	sadd.s32 @!p1 $0x1, s25  }
0x4c: {  	_ =	swait.ge [sflag:s28], $0x4000;
	s29 =	sand.u32 @!p1 $0x1, s24  }
0x4d: {  	s31 =	simm.s32 @!p1 $0x80;
	[sflag:s28] =	ssyncset.done $0x0;
	s30 =	sshll.u32 @!p1 s29, $0xE  }
0x4e: {  	[sflag:s28] =	ssyncadd.s32 $0xFFFFC000;
	s28 =	sor.u32 @!p1 $0x2800, s30;
	s30 =	sshll.u32 @!p1 s24, $0x7  }
0x4f: {  	s29 =	sadd.s32 @!p1 $0x1, s29;
	s24 =	simm.s32 @p1 $0x28;
	s30 =	sand.u32 @!p1 $0x3FFFFF80, s30  }
0x50: {  	[tilespmem:s28], [sflag:s29] =	stream.indirect.gather @!p1 [hbm4b:s1+s31], $0x80, s30, s31, $0xb8;
	[tilespmem:$0x1E100] =	vst v63  }
0x51: {  	p1 =	sne.s32 s24, $0x28  }
.Ltmp1:
0x52: {  	s25 =	sshll.u32 s25, $0x7;
	s30 =	sadd.s32 $0x1, s26;
	(pc) =	sbr.rel @p1 .LBB2_4-.Ltmp1, $4  }
0x53: {  	s25 =	sand.u32 $0x3FFFFF80, s25;
	_ =	swait.ge [sflag:s30], $0x4000  }
0x54: {  	s25 =	sadd.s32 $0x1400, s25;
	s31 =	sshll.u32 s26, $0xE;
	[sflag:s30] =	ssyncset.done $0x0  }
0x55: {  	s26 =	sadd.s32 $0x3, s26;
	s29 =	sor.u32 $0x2800, s31;
	[sflag:s30] =	ssyncadd.s32 $0xFFFFC000  }
0x56: {  	[spmem:s3] =	stream.indirect.scatter.add.f32 [tilespmem:s29], [sflag:s26], $0x80, s25, s17, $0xb8;
	[tilespmem:$0x1E100] =	vst v63  }
0x57: {  	_ =	swait.ge [sflag:s20], $0x4000  }
0x58: {  	[sflag:s20] =	ssyncset.done $0x0  }
0x59: {  	[sflag:s20] =	ssyncadd.s32 $0xFFFFC000  }
0x5a: {  	[bflag:$0x0] =	sbarrier.arrive $0xFFFF  }
0x5b: {  	[hbm:s11], [sflag:s6] =	dma.local [spmem:s21], $0x2700  }
0x5c: {  	s23 =	sadd.s32 $0x1, s23;
	_ =	swait.ge [sflag:s15], $0x2700  }
0x5d: {  	p1 =	sne.s32 s23, s13;
	[sflag:s15] =	ssyncset.done $0x0  }
.Ltmp2:
0x5e: {  	s24 =	simm.s32 @!p0 $0x5;
	[sflag:s15] =	ssyncadd.s32 $0xFFFFD900;
	(pc) =	sbr.rel @p1 .LBB2_1-.Ltmp2, $4  }
0x5f: {  	[hbm:s12], [sflag:s6] =	dma.local @!p0 [spmem:s22], $0x100  }
0x60: {  	_ =	swait.ge @!p0 [sflag:s24], $0x100  }
0x61: {  	[sflag:s24] =	ssyncset.done @!p0 $0x0  }
0x62: {  	[sflag:s24] =	ssyncadd.s32 @!p0 $0xFFFFFF00  }
0x63: {  	_ =	sfence.sel $0x180000  }
0x64: {  	[bflag:$0x0] =	sbarrier.arrive $0xFFFF  }
0x65: {  	p0 =	sne.s32 s0, $0x0;
	_ =	strace $0x9000004D  }
0x66: {  	s0 =	sadd.s32 @!p0 $0x100000, s2;
	[bflag:$0x2] =	sbarrier.arrive $0xFFFF  }
0x67: {  	[sflag:s0] =	ssyncadd.tile.s32 @!p0 $0x1;
	_ =	shalt  }
.Lfunc_end2:
_tile_overlayer_lowered:
.L_overlay_start_2:
0x68: {  	(tag) =	ssettag $0x2  }
0x69: {  	s0 =	rddreg [dreg:$0x0];
	s2 =	stileid.u32  }
0x6a: {  	s1 =	rddreg [dreg:$0x1];
	p0 =	sne.s32 s2, $0x0  }
0x6b: {  	s3 =	rddreg [dreg:$0x2];
	[bflag:$0x3] =	sbarrier.arrive $0xFFFF;
	s2 =	simm.s32 @!p0 $0x1C05  }
0x6c: {  	[timem:s3], [sflag:s2] =	dma.local @!p0 [hbm:s0], s1  }
0x6d: {  	s0 =	simm.s32 @!p0 $0x5  }
0x6e: {  	_ =	swait.ge @!p0 [sflag:s0], s1  }
0x6f: {  	s1 =	ssub.s32 @!p0 $0x0, s1;
	[sflag:s0] =	ssyncset.done @!p0 $0x0  }
0x70: {  	[sflag:s0] =	ssyncadd.s32 @!p0 s1  }
0x71: {  	[bflag:$0x3] =	sbarrier.arrive $0xFFFF  }
0x72: {  	_ =	shalt  }

// kernel: kernel.9.cloned.1.call-start
scs
__scs_entry_jumppad:
0x0: {  	(pc) =	sbr.rel $0x88, $3  }
0x1: {  	(tag) =	ssettag $0x0;
	lr =	simm.s32 $0x1  }
0x2: {  	[smem:$0x3F7F] =	sst lr;
	_ =	strace $0xD0000000  }
0x3: {  	_ = 	snop  }
0x4: {  	_ = 	snop  }
0x5: {  	_ = 	snop  }
0x6: {  	_ = 	snop  }
0x7: {  	_ = 	snop  }
__scs_overlays_trampoline_lowered:
0x8: {  	[smem:$0x3F8E] =	sst s0  }
0x9: {  	[smem:$0x3F8F] =	sst s1  }
0xa: {  	[smem:$0x3F90] =	sst s2  }
0xb: {  	[smem:$0x3F91] =	sst s3  }
0xc: {  	[smem:$0x3F92] =	sst s4  }
0xd: {  	[smem:$0x3F93] =	sst s5  }
0xe: {  	[smem:$0x3F94] =	sst s6  }
0xf: {  	[smem:$0x3F95] =	sst s7  }
0x10: {  	[smem:$0x3F96] =	sst s8  }
0x11: {  	[smem:$0x3F97] =	sst s9;
	s0 =	simm.s32 @!p0 $0x0  }
0x12: {  	s1 =	sld [smem:$0x3F7D];
	s0 =	simm.s32 @p0 $0x1  }
0x13: {  	[smem:$0x3F98] =	sst s0;
	s0 =	simm.s32 @!p1 $0x0  }
0x14: {  	s2 =	sld [smem:$0x3F7C];
	s0 =	simm.s32 @p1 $0x1  }
0x15: {  	[smem:$0x3F99] =	sst s0;
	s0 =	simm.s32 @!p2 $0x0  }
0x16: {  	s3 =	sld [smem:$0x3FDB];
	s0 =	simm.s32 @p2 $0x1  }
0x17: {  	s4 =	simm.s32 $0x1BF5;
	[smem:$0x3F9B] =	sst s0  }
0x18: {  	s0 =	sld [smem:$0x3F7E];
	_ =	swait.ge [sflag:s4], $0x0  }
0x19: {  	s7 =	sld [smem:$0x3F7F]  }
0x1a: {  	s8 =	sadd.s32 $0xFFFFE003, lr  }
0x1b: {  	s9 =	sadd.s32 $0xFFFFFEF7, lr;
	s5 =	simm.s32 $0xFFFFFFFF;
	p2 =	slt.u32 s8, $0xFFFFF086  }
0x1c: {  	p1 =	slt.u32 s9, $0xF7A;
	s5 =	simm.s32 @!p2 $0x0  }
0x1d: {  	s5 =	simm.s32 @p1 $0x1;
	p0 =	seq.s32 s7, s2  }
0x1e: {  	s7 =	smul.u32 @!p0 $0xF7A, s2;
	p2 =	seq.s32 @!p0 s5, $0x0  }
0x1f: {  	s9 =	smul.u32 $0xF7A, s1;
	s8 =	simm.s32 @!p0 $0x1BF5;
	p2 =	por !p2, p0  }
0x20: {  	[sflag:s8] =	ssyncset.s32 @!p0 $0xFFFFF086;
	s6 =	sadd.s32 @!p0 s3, s7;
	s7 =	simm.s32 @!p0 $0x108  }
0x21: {  	s3 =	sadd.s32 s3, s9;
	s6 =	sadd.s32 @!p0 $0x88, s6;
	s7 =	simm.s32 @p2 $0x1082  }
0x22: {  	[simem:s7], [sflag:s8] =	dma.local @!p0 [hbm:s6], $0xF7A  }
0x23: {  	s9 =	sor.u32 $0xD0000000, s2;
	s6 =	simm.s32 $0x108;
	_ =	swait.ge @!p0 [sflag:s8], $0x0  }
0x24: {  	s3 =	sadd.s32 $0x88, s3;
	s6 =	simm.s32 @!p1 $0x1082;
	[sflag:s4] =	ssyncset.s32 $0xFFFFF086  }
0x25: {  	[simem:s6], [sflag:s4] =	dma.local [hbm:s3], $0xF7A  }
0x26: {  	[smem:$0x3F7F] =	sst s1;
	(tag) =	ssettag s2;
	_ =	strace s9  }
0x27: {  	s1 =	sld [smem:$0x3F8F]  }
0x28: {  	s2 =	sld [smem:$0x3F90]  }
0x29: {  	s4 =	sld [smem:$0x3F92]  }
0x2a: {  	p0 =	seq.s32 s5, $0x0;
	s5 =	sld [smem:$0x3F93]  }
0x2b: {  	s6 =	sld [smem:$0x3F94]  }
0x2c: {  	s7 =	sld [smem:$0x3F95]  }
0x2d: {  	s3 =	simm.s32 $0x108;
	s8 =	sld [smem:$0x3F96]  }
0x2e: {  	s3 =	simm.s32 @!p0 $0x1082;
	s9 =	sld [smem:$0x3F97]  }
0x2f: {  	lr =	sadd.s32 s0, s3;
	s0 =	sld [smem:$0x3F8E]  }
0x30: {  	s3 =	sld [smem:$0x3F91]  }
0x31: {  	[smem:$0x3F9A] =	sst s10  }
0x32: {  	s10 =	sld [smem:$0x3F98];
	_ =	sdelay $0x3  }
0x33: {  	p0 =	seq.s32 s10, $0x1;
	s10 =	sld [smem:$0x3F9A];
	_ =	sdelay $0x3  }
0x34: {  	[smem:$0x3F9A] =	sst s10  }
0x35: {  	s10 =	sld [smem:$0x3F99];
	_ =	sdelay $0x3  }
0x36: {  	p1 =	seq.s32 s10, $0x1;
	s10 =	sld [smem:$0x3F9A];
	_ =	sdelay $0x3  }
0x37: {  	[smem:$0x3F9A] =	sst s10  }
0x38: {  	s10 =	sld [smem:$0x3F9B]  }
0x39: {  	_ = 	snop;
	(pc) =	sbr.ind lr, $3  }
0x3a: {  	_ = 	snop  }
0x3b: {  	_ = 	snop  }
0x3c: {  	p2 =	seq.s32 s10, $0x1;
	s10 =	sld [smem:$0x3F9A]  }
0x3d: {  	_ =	shalt  }
0x3e: {  	_ =	shalt  }
0x3f: {  	_ =	shalt  }
0x40: {  	_ =	shalt  }
0x41: {  	_ =	shalt  }
0x42: {  	_ =	shalt  }
0x43: {  	_ =	shalt  }
0x44: {  	_ =	shalt  }
0x45: {  	_ =	shalt  }
0x46: {  	_ =	shalt  }
0x47: {  	_ =	shalt  }
0x48: {  	_ =	shalt  }
0x49: {  	_ =	shalt  }
0x4a: {  	_ =	shalt  }
0x4b: {  	_ =	shalt  }
0x4c: {  	_ =	shalt  }
0x4d: {  	_ =	shalt  }
0x4e: {  	_ =	shalt  }
0x4f: {  	_ =	shalt  }
0x50: {  	_ =	shalt  }
0x51: {  	_ =	shalt  }
0x52: {  	_ =	shalt  }
0x53: {  	_ =	shalt  }
0x54: {  	_ =	shalt  }
0x55: {  	_ =	shalt  }
0x56: {  	_ =	shalt  }
0x57: {  	_ =	shalt  }
0x58: {  	_ =	shalt  }
0x59: {  	_ =	shalt  }
0x5a: {  	_ =	shalt  }
0x5b: {  	_ =	shalt  }
0x5c: {  	_ =	shalt  }
0x5d: {  	_ =	shalt  }
0x5e: {  	_ =	shalt  }
0x5f: {  	_ =	shalt  }
0x60: {  	_ =	shalt  }
0x61: {  	_ =	shalt  }
0x62: {  	_ =	shalt  }
0x63: {  	_ =	shalt  }
0x64: {  	_ =	shalt  }
0x65: {  	_ =	shalt  }
0x66: {  	_ =	shalt  }
0x67: {  	_ =	shalt  }
0x68: {  	_ =	shalt  }
0x69: {  	_ =	shalt  }
0x6a: {  	_ =	shalt  }
0x6b: {  	_ =	shalt  }
0x6c: {  	_ =	shalt  }
0x6d: {  	_ =	shalt  }
0x6e: {  	_ =	shalt  }
0x6f: {  	_ =	shalt  }
0x70: {  	_ =	shalt  }
0x71: {  	_ =	shalt  }
0x72: {  	_ =	shalt  }
0x73: {  	_ =	shalt  }
0x74: {  	_ =	shalt  }
0x75: {  	_ =	shalt  }
0x76: {  	_ =	shalt  }
0x77: {  	_ =	shalt  }
0x78: {  	_ =	shalt  }
0x79: {  	_ =	shalt  }
0x7a: {  	_ =	shalt  }
0x7b: {  	_ =	shalt  }
0x7c: {  	_ =	shalt  }
0x7d: {  	_ =	shalt  }
0x7e: {  	_ =	shalt  }
0x7f: {  	_ =	shalt  }
0x80: {  	_ =	shalt  }
0x81: {  	_ =	shalt  }
0x82: {  	_ =	shalt  }
0x83: {  	_ =	shalt  }
0x84: {  	_ =	shalt  }
0x85: {  	_ =	shalt  }
0x86: {  	_ =	shalt  }
0x87: {  	_ =	shalt  }
.Lfunc_end0:
.L_simem_size_0:
called_computation_lowered:
.L_overlay_start_0:
0x88: {  	s2 =	sld [smem:$0x3FD9]  }
0x89: {  	s3 =	sld [smem:$0x3FFE];
	_ =	sdelay $0x1  }
0x8a: {  	s1 =	srdreg.scid  }
0x8b: {  	s0 =	sand.u32 $0x1, s1  }
0x8c: {  	s14 =	sshll.u32 s0, $0xA;
	s2 =	sadd.s32 s3, s2  }
0x8d: {  	s2 =	sadd.s32 s2, s14  }
0x8e: {  	[smem:$0x3FA6] =	sst s2  }
0x8f: {  	_ = 	snop  }
0x90: {  	s2 =	sld [smem:$0x3FD0];
	_ =	sdelay $0x2  }
0x91: {  	s15 =	simm.s32 $0xA;
	s4 =	simm.s32 $0x10  }
0x92: {  	[smem:s4], [sflag:s15] =	dma.local [hbm:s2], $0x1  }
0x93: {  	_ =	swait.eq [sflag:s15], $0x1  }
0x94: {  	[sflag:s15] =	ssyncset.done $0x0  }
0x95: {  	[sflag:s15] =	ssyncadd.s32 $0xFFFFFFFF  }
0x96: {  	s16 =	sld [smem:$0x11];
	(tm) =	ssettm $0x1  }
0x97: {  	s17 =	sld [smem:$0x3FFB];
	_ =	sdelay $0x3  }
0x98: {  	_ =	strace s17  }
0x99: {  	s3 =	sld [smem:$0x3FFC];
	_ =	sdelay $0x3  }
0x9a: {  	_ =	strace s3  }
0x9b: {  	s3 =	sld [smem:$0x3FFD];
	_ =	sdelay $0x3  }
0x9c: {  	_ =	strace s3  }
0x9d: {  	_ =	strace $0x8FFFFFFF  }
0x9e: {  	s18 =	sld [smem:$0x3FDB];
	_ =	sdelay $0x1  }
0x9f: {  	s19 =	simm.s32 $_scs_section_size  }
0xa0: {  	s5 =	simm.s32 $_size__tile_overlayer_lowered;
	s6 =	simm.s32 $_tile_overlayer_lowered  }
0xa1: {  	s22 =	simm.s32 $0x1BFF;
	s21 =	sshll.u32 s6, $0x1;
	s3 =	sadd.s32 s19, s18  }
0xa2: {  	s7 =	simm.s32 $0x0;
	s20 =	sshll.u32 s5, $0x1;
	s5 =	sadd.s32 s21, s3  }
0xa3: {  	[timem:s7], [sflag:s22] =	dma.local [hbm:s5], s20  }
0xa4: {  	_ =	swait.ge [sflag:s22], s20  }
0xa5: {  	s4 =	ssub.s32 $0x0, s20;
	[sflag:s22] =	ssyncset.done $0x0  }
0xa6: {  	[sflag:s22] =	ssyncadd.s32 s4;
	_ =	sdelay $0x1  }
0xa7: {  	s23 =	simm.s32 $0x1B8B  }
0xa8: {  	_ =	swait.ge [sflag:s23], $0x1  }
0xa9: {  	[sflag:s23] =	ssyncset.done $0x0  }
0xaa: {  	s25 =	simm.s32 $0x1B8E;
	s24 =	sld [smem:$0x3FFE];
	[sflag:s23] =	ssyncadd.s32 $0xFFFFFFFF  }
0xab: {  	s26 =	simm.s32 $execute0_lowered;
	[smem:$0x3FD2] =	sst s25  }
0xac: {  	s5 =	sshll.u32 s26, $0x1;
	_ =	strace $0x80000046;
	[dreg:$0x1] =	wrdreg $0xFFFFFFFF  }
0xad: {  	s28 =	simm.s32 $_size_execute0_lowered;
	s3 =	sadd.s32 s3, s5;
	[dreg:$0x0] =	wrdreg $0x0  }
0xae: {  	s5 =	sshll.u32 s28, $0x1;
	[dreg:$0x2] =	wrdreg s3  }
0xaf: {  	[dreg:$0x3] =	wrdreg s5  }
0xb0: {  	[dreg:$0x4] =	wrdreg $0xC0  }
0xb1: {  	_ =	task [dreg:s7], $0x5FFFF  }
0xb2: {  	[dreg:$0x1] =	wrdreg $0xFFFFFFFF  }
0xb3: {  	[dreg:$0x0] =	wrdreg $0x60  }
0xb4: {  	[dreg:$0x2] =	wrdreg s16  }
0xb5: {  	[dreg:$0x3] =	wrdreg s24  }
0xb6: {  	[dreg:$0x4] =	wrdreg $0xA8000  }
0xb7: {  	[dreg:$0x5] =	wrdreg $0x9  }
0xb8: {  	_ =	task.clear_ibuf [dreg:s7], $0x6FFFF;
	_ =	strace $0x90000046  }
0xb9: {  	s29 =	simm.s32 $0x9;
	_ =	strace $0x80000048  }
0xba: {  	_ =	swait.ge [sflag:s29], $0x1  }
0xbb: {  	[sflag:s29] =	ssyncadd.s32 $0xFFFFFFFF  }
0xbc: {  	_ =	strace $0x90000048  }
0xbd: {  	_ =	sfence  }
0xbe: {  	s30 =	sld [smem:$0x0];
	_ =	sdelay $0x2  }
0xbf: {  	s31 =	sshll.u32 s1, $0xD;
	s1 =	sshrl.u32 s1, $0x2  }
0xc0: {  	s3 =	sand.u32 $0x4000, s31;
	s1 =	sadd.s32 s1, s30  }
0xc1: {  	s0 =	sor.u32 s3, s0;
	s1 =	sshll.u32 s1, $0x11  }
0xc2: {  	s0 =	sor.u32 s1, s0  }
0xc3: {  	s0 =	sadd.s32 $0x8F2B, s0  }
0xc4: {  	[sflag:s0] =	ssyncadd.remote.s32 $0x1  }
0xc5: {  	_ =	sfence.sel $0xFFFF  }
0xc6: {  	[dreg:$0x0] =	wrdreg $0xFFFFFFFF;
	(pc) =	sbr.abs _section_cstart, $3  }
0xc7: {  	[dreg:$0x1] =	wrdreg $0xFFFFFFFF  }
0xc8: {  	_ =	task.clear_ibuf [dreg:s7], $0x2FFFF;
	_ =	strace $0x9FFFFFFF  }
0xc9: {  	(tm) =	ssettm $0x7FFFFFFF  }
tec
execute0_lowered:
.L_overlay_start_1:
0x0: {  	(tag) =	ssettag $0x1  }
0x1: {  	s1 =	rddreg [dreg:$0x0]  }
0x2: {  	s7 =	rddreg [dreg:$0x1]  }
0x3: {  	s0 =	srdreg.scid;
	s3 =	rddreg [dreg:$0x2]  }
0x4: {  	s2 =	rddreg [dreg:$0x3];
	s4 =	simm.s32 $0x0;
	s6 =	sand.u32 $0x1, s0  }
0x5: {  	s18 =	simm.s32 $0x2800;
	s0 =	stileid.u32;
	s5 =	smul.u32 $0x28000, s6  }
0x6: {  	s19 =	simm.s32 $0x6800;
	s20 =	simm.s32 $0x4;
	s8 =	smul.u32 $0x2800, s0  }
0x7: {  	s23 =	simm.s32 $0x0;
	[smem:$0x7FF] =	sst s4;
	s11 =	smul.u32 $0x4E400, s0  }
0x8: {  	s12 =	sadd.s32 $0x16C00, s7;
	s22 =	sadd.s32 $0x138000, s3;
	s29 =	smul.u32 $0x138800, s6  }
0x9: {  	_ =	strace $0x80000047;
	s25 =	ssub.s32 $0x2, s6;
	s15 =	smul.u32 $0x13800, s0  }
0xa: {  	s30 =	sshll.u32 s0, $0x6;
	s16 =	smul.u32 $0x4E000, s0;
	p0 =	sne.s32 s0, $0xF  }
0xb: {  	s26 =	sshrl.u32 s25, $0x1;
	s6 =	sor.u32 $0x1C05, s30;
	s22 =	sshrl.u32 @!p0 s22, $0x3  }
0xc: {  	s5 =	sadd.s32 s8, s5;
	s24 =	sshrl.u32 s8, $0x3;
	s13 =	ssub.s32 s25, s26  }
0xd: {  	s28 =	sshrl.u32 s11, $0x2;
	s15 =	sadd.s32 s15, s29;
	s17 =	sshrl.u32 s29, $0x3  }
0xe: {  	s31 =	sshrl.u32 s16, $0x2;
	s16 =	simm.s32 $0x1400;
	s5 =	sshrl.u32 s5, $0x3  }
0xf: {  	s10 =	sadd.s32 s24, s7;
	s14 =	sadd.s32 s28, s3;
	s15 =	sshrl.u32 s15, $0x3  }
0x10: {  	s21 =	sadd.s32 s31, s3;
	s13 =	smax.u32 s13, $0x1;
	s9 =	sadd.s32 s5, s7  }
0x11: {  	s5 =	sadd.s32 $0x14400, s7;
	s8 =	sadd.s32 $0xF400, s10;
	s10 =	sadd.s32 $0xF680, s10  }
0x12: {  	s11 =	sadd.s32 s12, s15;
	s12 =	sadd.s32 s12, s17;
	s14 =	sshrl.u32 s14, $0x3  }
0x13: {  	s15 =	simm.s32 $0x5;
	s17 =	simm.s32 $0x80;
	s21 =	sshrl.u32 s21, $0x3  }
0x14: {  	s7 =	sadd.s32 $0x5400, s9;
	s9 =	sadd.s32 $0x5680, s9;
	s12 =	sadd.s32 $0x27000, s12  }
.LBB2_1:
0x15: {  	[spmem:s14], [sflag:s6] =	dma.local [hbm:s5], $0x2720  }
0x16: {  	_ =	swait.ge [sflag:s15], $0x2720  }
0x17: {  	[sflag:s15] =	ssyncset.done $0x0  }
0x18: {  	[sflag:s15] =	ssyncadd.s32 $0xFFFFD8E0  }
0x19: {  	[bflag:$0x0] =	sbarrier.arrive $0xFFFF  }
0x1a: {  	[tilespmem:s4], [sflag:$0x5] =	stream.linear.gather [hbm4b:s7+s4], $0x1400, $0x38;
	[tilespmem:$0x1E100] =	vst v63  }
0x1b: {  	_ =	swait.ge [sflag:s15], $0x1400  }
0x1c: {  	[sflag:s15] =	ssyncset.done $0x0  }
0x1d: {  	[sflag:s15] =	ssyncadd.s32 $0xFFFFEC00  }
0x1e: {  	[tilespmem:s16], [sflag:$0x5] =	stream.linear.gather [hbm4b:s8+s4], $0x1400, $0x38;
	[tilespmem:$0x1E100] =	vst v63  }
0x1f: {  	_ =	swait.ge [sflag:s15], $0x1400  }
0x20: {  	[sflag:s15] =	ssyncset.done $0x0  }
0x21: {  	[sflag:s15] =	ssyncadd.s32 $0xFFFFEC00  }
0x22: {  	[tilespmem:s18], [sflag:$0x1] =	stream.indirect.gather [hbm4b:s1+s17], $0x80, s4, s17, $0xb8;
	[tilespmem:$0x1E100] =	vst v63  }
0x23: {  	s24 =	simm.s32 $0x1  }
0x24: {  	[tilespmem:s19], [sflag:$0x2] =	stream.indirect.gather [hbm4b:s1+s17], $0x80, s17, s17, $0xb8;
	[tilespmem:$0x1E100] =	vst v63  }
0x25: {  	_ =	swait.ge [sflag:s24], $0x4000  }
0x26: {  	[sflag:s24] =	ssyncset.done $0x0  }
0x27: {  	[sflag:s24] =	ssyncadd.s32 $0xFFFFC000  }
0x28: {  	[spmem:s3] =	stream.indirect.scatter.add.f32 [tilespmem:s18], [sflag:$0x3], $0x80, s16, s17, $0xb8;
	[tilespmem:$0x1E100] =	vst v63  }
.LBB2_2:
0x29: {  	s25 =	smov.u32 s24;
	s26 =	sand.u32 $0x1, s24  }
0x2a: {  	s24 =	sxor.u32 $0x1, s26;
	p1 =	seq.s32 s25, $0x27  }
0x2b: {  	s28 =	sadd.s32 $0x3, s24;
	s24 =	sadd.s32 @!p1 $0x1, s25  }
0x2c: {  	_ =	swait.ge [sflag:s28], $0x4000;
	s29 =	sand.u32 @!p1 $0x1, s24  }
0x2d: {  	s31 =	simm.s32 @!p1 $0x80;
	[sflag:s28] =	ssyncset.done $0x0;
	s30 =	sshll.u32 @!p1 s29, $0xE  }
0x2e: {  	[sflag:s28] =	ssyncadd.s32 $0xFFFFC000;
	s28 =	sor.u32 @!p1 $0x2800, s30;
	s30 =	sshll.u32 @!p1 s24, $0x7  }
0x2f: {  	s29 =	sadd.s32 @!p1 $0x1, s29;
	s24 =	simm.s32 @p1 $0x28;
	s30 =	sand.u32 @!p1 $0x3FFFFF80, s30  }
0x30: {  	[tilespmem:s28], [sflag:s29] =	stream.indirect.gather @!p1 [hbm4b:s1+s31], $0x80, s30, s31, $0xb8;
	[tilespmem:$0x1E100] =	vst v63  }
0x31: {  	p1 =	sne.s32 s24, $0x28  }
.Ltmp0:
0x32: {  	s25 =	sshll.u32 s25, $0x7;
	s30 =	sadd.s32 $0x1, s26;
	(pc) =	sbr.rel @p1 .LBB2_2-.Ltmp0, $4  }
0x33: {  	s25 =	sand.u32 $0x3FFFFF80, s25;
	_ =	swait.ge [sflag:s30], $0x4000  }
0x34: {  	s25 =	sadd.s32 $0x1400, s25;
	s31 =	sshll.u32 s26, $0xE;
	[sflag:s30] =	ssyncset.done $0x0  }
0x35: {  	s26 =	sadd.s32 $0x3, s26;
	s29 =	sor.u32 $0x2800, s31;
	[sflag:s30] =	ssyncadd.s32 $0xFFFFC000  }
0x36: {  	[spmem:s3] =	stream.indirect.scatter.add.f32 [tilespmem:s29], [sflag:s26], $0x80, s25, s17, $0xb8;
	[tilespmem:$0x1E100] =	vst v63  }
0x37: {  	_ =	swait.ge [sflag:s20], $0x4000  }
0x38: {  	[sflag:s20] =	ssyncset.done $0x0  }
0x39: {  	[sflag:s20] =	ssyncadd.s32 $0xFFFFC000  }
0x3a: {  	[tilespmem:s4], [sflag:$0x5] =	stream.linear.gather [hbm4b:s9+s4], $0x1400, $0x38;
	[tilespmem:$0x1E100] =	vst v63  }
0x3b: {  	_ =	swait.ge [sflag:s15], $0x1400  }
0x3c: {  	[sflag:s15] =	ssyncset.done $0x0  }
0x3d: {  	[sflag:s15] =	ssyncadd.s32 $0xFFFFEC00  }
0x3e: {  	[tilespmem:s16], [sflag:$0x5] =	stream.linear.gather [hbm4b:s10+s4], $0x1400, $0x38;
	[tilespmem:$0x1E100] =	vst v63  }
0x3f: {  	_ =	swait.ge [sflag:s15], $0x1400  }
0x40: {  	[sflag:s15] =	ssyncset.done $0x0  }
0x41: {  	[sflag:s15] =	ssyncadd.s32 $0xFFFFEC00  }
0x42: {  	[tilespmem:s18], [sflag:$0x1] =	stream.indirect.gather [hbm4b:s1+s17], $0x80, s4, s17, $0xb8;
	[tilespmem:$0x1E100] =	vst v63  }
0x43: {  	s24 =	simm.s32 $0x1  }
0x44: {  	[tilespmem:s19], [sflag:$0x2] =	stream.indirect.gather [hbm4b:s1+s17], $0x80, s17, s17, $0xb8;
	[tilespmem:$0x1E100] =	vst v63  }
0x45: {  	_ =	swait.ge [sflag:s24], $0x4000  }
0x46: {  	[sflag:s24] =	ssyncset.done $0x0  }
0x47: {  	[sflag:s24] =	ssyncadd.s32 $0xFFFFC000  }
0x48: {  	[spmem:s3] =	stream.indirect.scatter.add.f32 [tilespmem:s18], [sflag:$0x3], $0x80, s16, s17, $0xb8;
	[tilespmem:$0x1E100] =	vst v63  }
.LBB2_4:
0x49: {  	s25 =	smov.u32 s24;
	s26 =	sand.u32 $0x1, s24  }
0x4a: {  	s24 =	sxor.u32 $0x1, s26;
	p1 =	seq.s32 s25, $0x27  }
0x4b: {  	s28 =	sadd.s32 $0x3, s24;
	s24 =	sadd.s32 @!p1 $0x1, s25  }
0x4c: {  	_ =	swait.ge [sflag:s28], $0x4000;
	s29 =	sand.u32 @!p1 $0x1, s24  }
0x4d: {  	s31 =	simm.s32 @!p1 $0x80;
	[sflag:s28] =	ssyncset.done $0x0;
	s30 =	sshll.u32 @!p1 s29, $0xE  }
0x4e: {  	[sflag:s28] =	ssyncadd.s32 $0xFFFFC000;
	s28 =	sor.u32 @!p1 $0x2800, s30;
	s30 =	sshll.u32 @!p1 s24, $0x7  }
0x4f: {  	s29 =	sadd.s32 @!p1 $0x1, s29;
	s24 =	simm.s32 @p1 $0x28;
	s30 =	sand.u32 @!p1 $0x3FFFFF80, s30  }
0x50: {  	[tilespmem:s28], [sflag:s29] =	stream.indirect.gather @!p1 [hbm4b:s1+s31], $0x80, s30, s31, $0xb8;
	[tilespmem:$0x1E100] =	vst v63  }
0x51: {  	p1 =	sne.s32 s24, $0x28  }
.Ltmp1:
0x52: {  	s25 =	sshll.u32 s25, $0x7;
	s30 =	sadd.s32 $0x1, s26;
	(pc) =	sbr.rel @p1 .LBB2_4-.Ltmp1, $4  }
0x53: {  	s25 =	sand.u32 $0x3FFFFF80, s25;
	_ =	swait.ge [sflag:s30], $0x4000  }
0x54: {  	s25 =	sadd.s32 $0x1400, s25;
	s31 =	sshll.u32 s26, $0xE;
	[sflag:s30] =	ssyncset.done $0x0  }
0x55: {  	s26 =	sadd.s32 $0x3, s26;
	s29 =	sor.u32 $0x2800, s31;
	[sflag:s30] =	ssyncadd.s32 $0xFFFFC000  }
0x56: {  	[spmem:s3] =	stream.indirect.scatter.add.f32 [tilespmem:s29], [sflag:s26], $0x80, s25, s17, $0xb8;
	[tilespmem:$0x1E100] =	vst v63  }
0x57: {  	_ =	swait.ge [sflag:s20], $0x4000  }
0x58: {  	[sflag:s20] =	ssyncset.done $0x0  }
0x59: {  	[sflag:s20] =	ssyncadd.s32 $0xFFFFC000  }
0x5a: {  	[bflag:$0x0] =	sbarrier.arrive $0xFFFF  }
0x5b: {  	[hbm:s11], [sflag:s6] =	dma.local [spmem:s21], $0x2700  }
0x5c: {  	s23 =	sadd.s32 $0x1, s23;
	_ =	swait.ge [sflag:s15], $0x2700  }
0x5d: {  	p1 =	sne.s32 s23, s13;
	[sflag:s15] =	ssyncset.done $0x0  }
.Ltmp2:
0x5e: {  	s24 =	simm.s32 @!p0 $0x5;
	[sflag:s15] =	ssyncadd.s32 $0xFFFFD900;
	(pc) =	sbr.rel @p1 .LBB2_1-.Ltmp2, $4  }
0x5f: {  	[hbm:s12], [sflag:s6] =	dma.local @!p0 [spmem:s22], $0x100  }
0x60: {  	_ =	swait.ge @!p0 [sflag:s24], $0x100  }
0x61: {  	[sflag:s24] =	ssyncset.done @!p0 $0x0  }
0x62: {  	[sflag:s24] =	ssyncadd.s32 @!p0 $0xFFFFFF00  }
0x63: {  	_ =	sfence.sel $0x180000  }
0x64: {  	[bflag:$0x0] =	sbarrier.arrive $0xFFFF  }
0x65: {  	p0 =	sne.s32 s0, $0x0;
	_ =	strace $0x90000047  }
0x66: {  	s0 =	sadd.s32 @!p0 $0x100000, s2;
	[bflag:$0x2] =	sbarrier.arrive $0xFFFF  }
0x67: {  	[sflag:s0] =	ssyncadd.tile.s32 @!p0 $0x1;
	_ =	shalt  }
.Lfunc_end2:
_tile_overlayer_lowered:
.L_overlay_start_2:
0x68: {  	(tag) =	ssettag $0x2  }
0x69: {  	s0 =	rddreg [dreg:$0x0];
	s2 =	stileid.u32  }
0x6a: {  	s1 =	rddreg [dreg:$0x1];
	p0 =	sne.s32 s2, $0x0  }
0x6b: {  	s3 =	rddreg [dreg:$0x2];
	[bflag:$0x3] =	sbarrier.arrive $0xFFFF;
	s2 =	simm.s32 @!p0 $0x1C05  }
0x6c: {  	[timem:s3], [sflag:s2] =	dma.local @!p0 [hbm:s0], s1  }
0x6d: {  	s0 =	simm.s32 @!p0 $0x5  }
0x6e: {  	_ =	swait.ge @!p0 [sflag:s0], s1  }
0x6f: {  	s1 =	ssub.s32 @!p0 $0x0, s1;
	[sflag:s0] =	ssyncset.done @!p0 $0x0  }
0x70: {  	[sflag:s0] =	ssyncadd.s32 @!p0 s1  }
0x71: {  	[bflag:$0x3] =	sbarrier.arrive $0xFFFF  }
0x72: {  	_ =	shalt  }

</sc_bundles>
